<compile_context>
chip_gen: v7x
topology: tpu7x:2x2x1
jax: 0.10.2.dev20260603
libtpu: 0.0.44.dev20260713+nightly
codegen_flags: <defaults>
</compile_context>

<pallas_src>
import functools

import jax
import jax.numpy as jnp
from jax import lax
from jax.experimental import pallas as pl
from jax.experimental.pallas import tpu as pltpu
from jax.experimental.pallas import tpu_sc as plsc

B, C, N = 2, 6, 24000
K = 10
S = 3072
H = 256

NP = 24576
BLK1 = 3072
TW = 128

NW = 32
TOTAL = B * K * S
PER_W = TOTAL // NW
CHUNK = 128
NCH = PER_W // CHUNK


def _stage1_body(pts_ref, w1_ref, b1_ref, wh_ref, head_ref, ptst_ref):
    x = pts_ref[0]
    xt = x.T
    feat = jax.nn.relu(
        jax.lax.dot_general(xt, w1_ref[...], (((1,), (0,)), ((), ())),
                            preferred_element_type=jnp.float32)
        + b1_ref[...][None, :]
    )
    head = jax.lax.dot_general(feat, wh_ref[...], (((1,), (0,)), ((), ())),
                               preferred_element_type=jnp.float32)
    head_ref[0] = head
    ptst_ref[0] = jnp.pad(xt, ((0, 0), (0, TW - C)))


def _stage1(points, W1, b1, Whead):
    points = jnp.pad(points, ((0, 0), (0, 0), (0, NP - N)))
    nb = NP // BLK1
    head, pts_t = pl.pallas_call(
        _stage1_body,
        grid=(B, nb),
        in_specs=[
            pl.BlockSpec((1, C, BLK1), lambda b, j: (b, 0, j)),
            pl.BlockSpec((C, H), lambda b, j: (0, 0)),
            pl.BlockSpec((H,), lambda b, j: (0,)),
            pl.BlockSpec((H, 16), lambda b, j: (0, 0)),
        ],
        out_specs=[
            pl.BlockSpec((1, BLK1, 16), lambda b, j: (b, j, 0)),
            pl.BlockSpec((1, BLK1, TW), lambda b, j: (b, j, 0)),
        ],
        out_shape=[
            jax.ShapeDtypeStruct((B, NP, 16), jnp.float32),
            jax.ShapeDtypeStruct((B, NP, TW), jnp.float32),
        ],
    )(points, W1, b1, Whead)
    return head[:, :N], pts_t


def _sc_gather(table, idx3):
    mesh = plsc.VectorSubcoreMesh(core_axis_name="c", subcore_axis_name="s")

    @functools.partial(
        pl.kernel, mesh=mesh,
        out_type=jax.ShapeDtypeStruct((NW, NCH, CHUNK, TW), jnp.float32),
        scratch_types=[
            pltpu.VMEM((NCH, CHUNK), jnp.int32),
            pltpu.VMEM((CHUNK, TW), jnp.float32),
            pltpu.SemaphoreType.DMA,
        ],
    )
    def gk(table_hbm, idx_hbm, out_hbm, idx_v, rows_v, sem):
        wid = lax.axis_index("s") * 2 + lax.axis_index("c")
        pltpu.sync_copy(idx_hbm.at[wid], idx_v)
        for j in range(NCH):
            pltpu.async_copy(table_hbm.at[idx_v.at[j]], rows_v, sem).wait()
            pltpu.sync_copy(rows_v, out_hbm.at[wid].at[j])

    return gk(table, idx3)


def _stage2_body(crop_ref, w2_ref, b2_ref, wh_ref, head_ref, cent_ref):
    xt = crop_ref[0, :, :C]
    xyz = xt[:, :3]
    mean = jnp.sum(xyz, axis=0, keepdims=True) / S
    ctr = jnp.concatenate([xyz - mean, xt[:, 3:]], axis=1)
    feat = jax.nn.relu(
        jax.lax.dot_general(ctr, w2_ref[...], (((1,), (0,)), ((), ())),
                            preferred_element_type=jnp.float32)
        + b2_ref[...][None, :]
    )
    head = jax.lax.dot_general(feat, wh_ref[...], (((1,), (0,)), ((), ())),
                               preferred_element_type=jnp.float32)
    head_ref[0] = head
    cent_ref[0] = ctr.T


def _stage2(cropped_t, W2, b2, Whead):
    head, centered = pl.pallas_call(
        _stage2_body,
        grid=(B * K,),
        in_specs=[
            pl.BlockSpec((1, S, TW), lambda i: (i, 0, 0)),
            pl.BlockSpec((C, H), lambda i: (0, 0)),
            pl.BlockSpec((H,), lambda i: (0,)),
            pl.BlockSpec((H, 8), lambda i: (0, 0)),
        ],
        out_specs=[
            pl.BlockSpec((1, S, 8), lambda i: (i, 0, 0)),
            pl.BlockSpec((1, C, S), lambda i: (i, 0, 0)),
        ],
        out_shape=[
            jax.ShapeDtypeStruct((B * K, S, 8), jnp.float32),
            jax.ShapeDtypeStruct((B * K, C, S), jnp.float32),
        ],
    )(cropped_t, W2, b2, Whead)
    return head, centered


def kernel(points, labels, W1, b1, Wsem1, Woff1, Wmask1, W2, b2, Wsem2, Woff2, Wmask2):
    Whead1 = jnp.pad(jnp.concatenate([Wsem1, Woff1, Wmask1], axis=1),
                     ((0, 0), (0, 2)))
    Whead2 = jnp.pad(jnp.concatenate([Wsem2, Woff2, Wmask2], axis=1),
                     ((0, 0), (0, 2)))

    head1, pts_t = _stage1(points, W1, b1, Whead1)
    sem1 = head1[:, :, :K]
    off1 = head1[:, :, K:K + 3]
    mask1 = head1[:, :, K + 3:K + 4]

    coords = jnp.swapaxes(points[:, :3, :], 1, 2)
    lab = labels[:, 0, :]

    def centroids_b(cb, lb):
        s = jax.ops.segment_sum(cb, lb, num_segments=K)
        cnt = jax.ops.segment_sum(jnp.ones((cb.shape[0],), jnp.float32), lb,
                                  num_segments=K)
        return s / jnp.maximum(cnt, 1.0)[:, None]

    cents = jax.vmap(centroids_b)(coords, lab)

    d2 = jnp.sum((coords[:, None, :, :] - cents[:, :, None, :]) ** 2, axis=-1)
    keys = jax.lax.bitcast_convert_type(d2, jnp.int32)
    _, idx = jax.lax.top_k(-keys, S)

    flat_idx = (idx + (jnp.arange(B, dtype=idx.dtype) * NP)[:, None, None]
                ).reshape(NW, NCH, CHUNK)
    rows = _sc_gather(pts_t.reshape(B * NP, TW), flat_idx)
    cropped_t = rows.reshape(B * K, S, TW)

    head2, centered = _stage2(cropped_t, W2, b2, Whead2)
    sem2 = head2[:, :, :2]
    off2 = head2[:, :, 2:5]
    mask2 = head2[:, :, 5:6]
    centered = centered.reshape(B, K, C, S)
    return (sem1, off1, mask1, sem2, off2, mask2, centered)

# --- scband reference (transcript-rebuilt; emitter-appended) ---
"""Pipeline reference for scband-grouping-network-module-85572928405972 (READ-ONLY COPY).

The authoritative reference and input builder live on the scoring server;
editing this copy changes nothing except your own understanding.
"""

import jax, jax.numpy as jnp
import numpy as np

B, C, N = 2, 6, 24000
K = 10
S = 3072
H = 256

def setup_inputs(seed: int = 0):
    key = jax.random.key(seed)
    ks = jax.random.split(key, 12)
    inp = {}
    inp['points'] = jax.random.normal(ks[0], (B, C, N), dtype=jnp.float32)
    inp['labels'] = jax.random.randint(ks[1], (B, 1, N), 0, K)
    inp['W1'] = jax.random.normal(ks[2], (C, H), dtype=jnp.float32) * 0.1
    inp['b1'] = jnp.zeros((H,), dtype=jnp.float32)
    inp['Wsem1'] = jax.random.normal(ks[3], (H, K), dtype=jnp.float32) * 0.1
    inp['Woff1'] = jax.random.normal(ks[4], (H, 3), dtype=jnp.float32) * 0.1
    inp['Wmask1'] = jax.random.normal(ks[5], (H, 1), dtype=jnp.float32) * 0.1
    inp['W2'] = jax.random.normal(ks[6], (C, H), dtype=jnp.float32) * 0.1
    inp['b2'] = jnp.zeros((H,), dtype=jnp.float32)
    inp['Wsem2'] = jax.random.normal(ks[7], (H, 2), dtype=jnp.float32) * 0.1
    inp['Woff2'] = jax.random.normal(ks[8], (H, 3), dtype=jnp.float32) * 0.1
    inp['Wmask2'] = jax.random.normal(ks[9], (H, 1), dtype=jnp.float32) * 0.1
    return inp

def _pointnet(x, W, b, Ws, Wo, Wm):
    # x: [..., C, N] pointwise shared MLP (stand-in for ins_cent_model)
    xt = jnp.swapaxes(x, -1, -2)
    feat = jax.nn.relu(xt @ W + b)
    return feat @ Ws, feat @ Wo, feat @ Wm, feat

def reference(points, labels, W1, b1, Wsem1, Woff1, Wmask1, W2, b2, Wsem2, Woff2, Wmask2):
    # first stage: per-point sem/offset/mask prediction
    sem1, off1, mask1, feat1 = _pointnet(points, W1, b1, Wsem1, Woff1, Wmask1)
    # cluster centroids from gt seg labels (mean xyz per label)
    coords = jnp.swapaxes(points[:, :3, :], 1, 2)  # [B, N, 3]
    lab = labels[:, 0, :]
    def centroids_b(cb, lb):
        s = jax.ops.segment_sum(cb, lb, num_segments=K)
        cnt = jax.ops.segment_sum(jnp.ones((cb.shape[0],), jnp.float32), lb, num_segments=K)
        return s / jnp.maximum(cnt, 1.0)[:, None]
    cents = jax.vmap(centroids_b)(coords, lab)  # [B, K, 3]
    # kNN retrieval: crop_sample_size nearest points to each centroid
    d2 = jnp.sum((coords[:, None, :, :] - cents[:, :, None, :]) ** 2, axis=-1)  # [B, K, N]
    _, idx = jax.lax.top_k(-d2, S)  # [B, K, S]
    # gather cropped features (get_indexed_features)
    pts_e = jnp.broadcast_to(points[:, None, :, :], (B, K, C, N))
    idx_e = jnp.broadcast_to(idx[:, :, None, :], (B, K, C, S))
    cropped = jnp.take_along_axis(pts_e, idx_e, axis=3)  # [B, K, C, S]
    # centering_object: zero-mean xyz per crop
    xyz = cropped[:, :, :3, :]
    xyz = xyz - jnp.mean(xyz, axis=-1, keepdims=True)
    centered = jnp.concatenate([xyz, cropped[:, :, 3:, :]], axis=2)
    # second stage on cropped objects
    sem2, off2, mask2, _ = _pointnet(centered.reshape(B * K, C, S), W2, b2, Wsem2, Woff2, Wmask2)
    return (sem1, off1, mask1, sem2, off2, mask2, centered)

if __name__ == "__main__":
    import jax
    _d = setup_inputs()
    print(jax.jit(kernel)(*tuple(_d.values())))

</pallas_src>

<mosaic_0001>
#map = affine_map<(d0, d1) -> (0, 0)>
#map1 = affine_map<(d0, d1) -> (0, 0, 0)>
#map2 = affine_map<(d0, d1) -> (0, 0, 0, 0)>
module attributes {stable_mosaic.version = 14 : i64} {
  func.func @gk(%arg0: i32, %arg1: i32, %arg2: memref<49152x128xf32, #tpu.memory_space<hbm>>, %arg3: memref<32x15x128xi32, #tpu.memory_space<hbm>>, %arg4: memref<32x15x128x128xf32, #tpu.memory_space<hbm>>, %arg5: memref<15x128xi32, #tpu.memory_space<vmem>>, %arg6: memref<128x128xf32, #tpu.memory_space<vmem>>, %arg7: memref<!tpu.dma_semaphore, #tpu.memory_space<semaphore_mem>>) attributes {dimension_semantics = [#tpu.dimension_semantics<core_parallel>, #tpu.dimension_semantics<subcore_parallel>], iteration_bounds = array<i64: 2, 16>, scalar_prefetch = 0 : i64, scratch_operands = 3 : i64, tpu.core_type = #tpu.core_type<sc_vector_subcore>, window_params = [{transform_indices = #map}, {transform_indices = #map1}, {transform_indices = #map2}]} {
    %mul3A = arith.constant 2 : i32
    %mul3A_0 = arith.muli %arg1, %mul3A : i32
    %add3A = arith.addi %mul3A_0, %arg0 : i32
    "tpu.region"() ({
      %run_scoped3A_223 = tpu.sem_alloc : memref<!tpu.dma_semaphore, #tpu.memory_space<semaphore_mem>>
      %dma_start3A_224 = arith.constant 0 : i32
      %dma_start3A_225 = arith.constant 0 : i32
      %dma_start3A_226 = tpu.memref_slice %arg3[%add3A, %dma_start3A_224, %dma_start3A_225] : memref<32x15x128xi32, #tpu.memory_space<hbm>> -> memref<1x15x128xi32, #tpu.memory_space<hbm>>
      %dma_start3A_227 = tpu.memref_squeeze %dma_start3A_226 : memref<1x15x128xi32, #tpu.memory_space<hbm>> -> memref<15x128xi32, #tpu.memory_space<hbm>>
      %dma_start3A_228 = arith.constant 0 : i32
      %dma_start3A_229 = arith.constant 0 : i32
      %dma_start3A_230 = tpu.memref_slice %arg3[%add3A, %dma_start3A_228, %dma_start3A_229] : memref<32x15x128xi32, #tpu.memory_space<hbm>> -> memref<1x15x128xi32, #tpu.memory_space<hbm>>
      %dma_start3A_231 = tpu.memref_squeeze %dma_start3A_230 : memref<1x15x128xi32, #tpu.memory_space<hbm>> -> memref<15x128xi32, #tpu.memory_space<hbm>>
      tpu.enqueue_dma source(%dma_start3A_231 : memref<15x128xi32, #tpu.memory_space<hbm>>) target(%arg5 : memref<15x128xi32, #tpu.memory_space<vmem>>) target_semaphore(%run_scoped3A_223 : memref<!tpu.dma_semaphore, #tpu.memory_space<semaphore_mem>>)
      %dma_wait3A_232 = arith.constant 0 : i32
      %dma_wait3A_233 = arith.constant 0 : i32
      %dma_wait3A_234 = tpu.memref_slice %arg3[%add3A, %dma_wait3A_232, %dma_wait3A_233] : memref<32x15x128xi32, #tpu.memory_space<hbm>> -> memref<1x15x128xi32, #tpu.memory_space<hbm>>
      %dma_wait3A_235 = tpu.memref_squeeze %dma_wait3A_234 : memref<1x15x128xi32, #tpu.memory_space<hbm>> -> memref<15x128xi32, #tpu.memory_space<hbm>>
      %dma_wait3A_236 = arith.constant 0 : i32
      %dma_wait3A_237 = arith.constant 0 : i32
      %dma_wait3A_238 = tpu.memref_slice %arg3[%add3A, %dma_wait3A_236, %dma_wait3A_237] : memref<32x15x128xi32, #tpu.memory_space<hbm>> -> memref<1x15x128xi32, #tpu.memory_space<hbm>>
      %dma_wait3A_239 = tpu.memref_squeeze %dma_wait3A_238 : memref<1x15x128xi32, #tpu.memory_space<hbm>> -> memref<15x128xi32, #tpu.memory_space<hbm>>
      tpu.wait_dma2 semaphore(%run_scoped3A_223 : memref<!tpu.dma_semaphore, #tpu.memory_space<semaphore_mem>>) src(%dma_wait3A_239 : memref<15x128xi32, #tpu.memory_space<hbm>>) dst(%arg5 : memref<15x128xi32, #tpu.memory_space<vmem>>)
      tpu.yield
    }) : () -> ()
    %dma_start3A = arith.constant 0 : i32
    %dma_start3A_1 = arith.constant 0 : i32
    %dma_start3A_2 = tpu.memref_slice %arg5[%dma_start3A, %dma_start3A_1] : memref<15x128xi32, #tpu.memory_space<vmem>> -> memref<1x128xi32, #tpu.memory_space<vmem>>
    %dma_start3A_3 = tpu.memref_squeeze %dma_start3A_2 : memref<1x128xi32, #tpu.memory_space<vmem>> -> memref<128xi32, #tpu.memory_space<vmem>>
    %dma_start3A_4 = arith.constant 0 : i32
    %dma_start3A_5 = arith.constant 0 : i32
    %dma_start3A_6 = tpu.memref_slice %arg2[%dma_start3A_4, %dma_start3A_5] : memref<49152x128xf32, #tpu.memory_space<hbm>> -> memref<49152x128xf32, #tpu.memory_space<hbm>>
    tpu.enqueue_indirect_dma source(%dma_start3A_6 : memref<49152x128xf32, #tpu.memory_space<hbm>>) target(%arg6 : memref<128x128xf32, #tpu.memory_space<vmem>>) offsets(%dma_start3A_3 : memref<128xi32, #tpu.memory_space<vmem>>) semaphore(%arg7 : memref<!tpu.dma_semaphore, #tpu.memory_space<semaphore_mem>>)
    %dma_wait3A = arith.constant 0 : i32
    %dma_wait3A_7 = arith.constant 0 : i32
    %dma_wait3A_8 = tpu.memref_slice %arg5[%dma_wait3A, %dma_wait3A_7] : memref<15x128xi32, #tpu.memory_space<vmem>> -> memref<1x128xi32, #tpu.memory_space<vmem>>
    %dma_wait3A_9 = tpu.memref_squeeze %dma_wait3A_8 : memref<1x128xi32, #tpu.memory_space<vmem>> -> memref<128xi32, #tpu.memory_space<vmem>>
    %dma_wait3A_10 = arith.constant 0 : i32
    %dma_wait3A_11 = arith.constant 0 : i32
    %dma_wait3A_12 = tpu.memref_slice %arg2[%dma_wait3A_10, %dma_wait3A_11] : memref<49152x128xf32, #tpu.memory_space<hbm>> -> memref<49152x128xf32, #tpu.memory_space<hbm>>
    tpu.wait_indirect_dma semaphore(%arg7 : memref<!tpu.dma_semaphore, #tpu.memory_space<semaphore_mem>>) src(%dma_wait3A_12 : memref<49152x128xf32, #tpu.memory_space<hbm>>) dst(%arg6 : memref<128x128xf32, #tpu.memory_space<vmem>>)
    %run_scoped3A = arith.constant 0 : i32
    "tpu.region"() ({
      %run_scoped3A_223 = tpu.sem_alloc : memref<!tpu.dma_semaphore, #tpu.memory_space<semaphore_mem>>
      %dma_start3A_224 = arith.constant 0 : i32
      %dma_start3A_225 = arith.constant 0 : i32
      %dma_start3A_226 = arith.constant 0 : i32
      %dma_start3A_227 = tpu.memref_slice %arg4[%add3A, %dma_start3A_224, %dma_start3A_225, %dma_start3A_226] : memref<32x15x128x128xf32, #tpu.memory_space<hbm>> -> memref<1x15x128x128xf32, #tpu.memory_space<hbm>>
      %dma_start3A_228 = tpu.memref_squeeze %dma_start3A_227 : memref<1x15x128x128xf32, #tpu.memory_space<hbm>> -> memref<15x128x128xf32, #tpu.memory_space<hbm>>
      %dma_start3A_229 = arith.constant 0 : i32
      %dma_start3A_230 = arith.constant 0 : i32
      %dma_start3A_231 = tpu.memref_slice %dma_start3A_228[%run_scoped3A, %dma_start3A_229, %dma_start3A_230] : memref<15x128x128xf32, #tpu.memory_space<hbm>> -> memref<1x128x128xf32, #tpu.memory_space<hbm>>
      %dma_start3A_232 = tpu.memref_squeeze %dma_start3A_231 : memref<1x128x128xf32, #tpu.memory_space<hbm>> -> memref<128x128xf32, #tpu.memory_space<hbm>>
      %dma_start3A_233 = arith.constant 0 : i32
      %dma_start3A_234 = arith.constant 0 : i32
      %dma_start3A_235 = arith.constant 0 : i32
      %dma_start3A_236 = tpu.memref_slice %arg4[%add3A, %dma_start3A_233, %dma_start3A_234, %dma_start3A_235] : memref<32x15x128x128xf32, #tpu.memory_space<hbm>> -> memref<1x15x128x128xf32, #tpu.memory_space<hbm>>
      %dma_start3A_237 = tpu.memref_squeeze %dma_start3A_236 : memref<1x15x128x128xf32, #tpu.memory_space<hbm>> -> memref<15x128x128xf32, #tpu.memory_space<hbm>>
      %dma_start3A_238 = arith.constant 0 : i32
      %dma_start3A_239 = arith.constant 0 : i32
      %dma_start3A_240 = tpu.memref_slice %dma_start3A_237[%run_scoped3A, %dma_start3A_238, %dma_start3A_239] : memref<15x128x128xf32, #tpu.memory_space<hbm>> -> memref<1x128x128xf32, #tpu.memory_space<hbm>>
      %dma_start3A_241 = tpu.memref_squeeze %dma_start3A_240 : memref<1x128x128xf32, #tpu.memory_space<hbm>> -> memref<128x128xf32, #tpu.memory_space<hbm>>
      tpu.enqueue_dma source(%arg6 : memref<128x128xf32, #tpu.memory_space<vmem>>) target(%dma_start3A_241 : memref<128x128xf32, #tpu.memory_space<hbm>>) target_semaphore(%run_scoped3A_223 : memref<!tpu.dma_semaphore, #tpu.memory_space<semaphore_mem>>)
      %dma_wait3A_242 = arith.constant 0 : i32
      %dma_wait3A_243 = arith.constant 0 : i32
      %dma_wait3A_244 = arith.constant 0 : i32
      %dma_wait3A_245 = tpu.memref_slice %arg4[%add3A, %dma_wait3A_242, %dma_wait3A_243, %dma_wait3A_244] : memref<32x15x128x128xf32, #tpu.memory_space<hbm>> -> memref<1x15x128x128xf32, #tpu.memory_space<hbm>>
      %dma_wait3A_246 = tpu.memref_squeeze %dma_wait3A_245 : memref<1x15x128x128xf32, #tpu.memory_space<hbm>> -> memref<15x128x128xf32, #tpu.memory_space<hbm>>
      %dma_wait3A_247 = arith.constant 0 : i32
      %dma_wait3A_248 = arith.constant 0 : i32
      %dma_wait3A_249 = tpu.memref_slice %dma_wait3A_246[%run_scoped3A, %dma_wait3A_247, %dma_wait3A_248] : memref<15x128x128xf32, #tpu.memory_space<hbm>> -> memref<1x128x128xf32, #tpu.memory_space<hbm>>
      %dma_wait3A_250 = tpu.memref_squeeze %dma_wait3A_249 : memref<1x128x128xf32, #tpu.memory_space<hbm>> -> memref<128x128xf32, #tpu.memory_space<hbm>>
      %dma_wait3A_251 = arith.constant 0 : i32
      %dma_wait3A_252 = arith.constant 0 : i32
      %dma_wait3A_253 = arith.constant 0 : i32
      %dma_wait3A_254 = tpu.memref_slice %arg4[%add3A, %dma_wait3A_251, %dma_wait3A_252, %dma_wait3A_253] : memref<32x15x128x128xf32, #tpu.memory_space<hbm>> -> memref<1x15x128x128xf32, #tpu.memory_space<hbm>>
      %dma_wait3A_255 = tpu.memref_squeeze %dma_wait3A_254 : memref<1x15x128x128xf32, #tpu.memory_space<hbm>> -> memref<15x128x128xf32, #tpu.memory_space<hbm>>
      %dma_wait3A_256 = arith.constant 0 : i32
      %dma_wait3A_257 = arith.constant 0 : i32
      %dma_wait3A_258 = tpu.memref_slice %dma_wait3A_255[%run_scoped3A, %dma_wait3A_256, %dma_wait3A_257] : memref<15x128x128xf32, #tpu.memory_space<hbm>> -> memref<1x128x128xf32, #tpu.memory_space<hbm>>
      %dma_wait3A_259 = tpu.memref_squeeze %dma_wait3A_258 : memref<1x128x128xf32, #tpu.memory_space<hbm>> -> memref<128x128xf32, #tpu.memory_space<hbm>>
      tpu.wait_dma2 semaphore(%run_scoped3A_223 : memref<!tpu.dma_semaphore, #tpu.memory_space<semaphore_mem>>) src(%arg6 : memref<128x128xf32, #tpu.memory_space<vmem>>) dst(%dma_wait3A_259 : memref<128x128xf32, #tpu.memory_space<hbm>>)
      tpu.yield
    }) : () -> ()
    %dma_start3A_13 = arith.constant 1 : i32
    %dma_start3A_14 = arith.constant 0 : i32
    %dma_start3A_15 = tpu.memref_slice %arg5[%dma_start3A_13, %dma_start3A_14] : memref<15x128xi32, #tpu.memory_space<vmem>> -> memref<1x128xi32, #tpu.memory_space<vmem>>
    %dma_start3A_16 = tpu.memref_squeeze %dma_start3A_15 : memref<1x128xi32, #tpu.memory_space<vmem>> -> memref<128xi32, #tpu.memory_space<vmem>>
    %dma_start3A_17 = arith.constant 0 : i32
    %dma_start3A_18 = arith.constant 0 : i32
    %dma_start3A_19 = tpu.memref_slice %arg2[%dma_start3A_17, %dma_start3A_18] : memref<49152x128xf32, #tpu.memory_space<hbm>> -> memref<49152x128xf32, #tpu.memory_space<hbm>>
    tpu.enqueue_indirect_dma source(%dma_start3A_19 : memref<49152x128xf32, #tpu.memory_space<hbm>>) target(%arg6 : memref<128x128xf32, #tpu.memory_space<vmem>>) offsets(%dma_start3A_16 : memref<128xi32, #tpu.memory_space<vmem>>) semaphore(%arg7 : memref<!tpu.dma_semaphore, #tpu.memory_space<semaphore_mem>>)
    %dma_wait3A_20 = arith.constant 1 : i32
    %dma_wait3A_21 = arith.constant 0 : i32
    %dma_wait3A_22 = tpu.memref_slice %arg5[%dma_wait3A_20, %dma_wait3A_21] : memref<15x128xi32, #tpu.memory_space<vmem>> -> memref<1x128xi32, #tpu.memory_space<vmem>>
    %dma_wait3A_23 = tpu.memref_squeeze %dma_wait3A_22 : memref<1x128xi32, #tpu.memory_space<vmem>> -> memref<128xi32, #tpu.memory_space<vmem>>
    %dma_wait3A_24 = arith.constant 0 : i32
    %dma_wait3A_25 = arith.constant 0 : i32
    %dma_wait3A_26 = tpu.memref_slice %arg2[%dma_wait3A_24, %dma_wait3A_25] : memref<49152x128xf32, #tpu.memory_space<hbm>> -> memref<49152x128xf32, #tpu.memory_space<hbm>>
    tpu.wait_indirect_dma semaphore(%arg7 : memref<!tpu.dma_semaphore, #tpu.memory_space<semaphore_mem>>) src(%dma_wait3A_26 : memref<49152x128xf32, #tpu.memory_space<hbm>>) dst(%arg6 : memref<128x128xf32, #tpu.memory_space<vmem>>)
    %run_scoped3A_27 = arith.constant 1 : i32
    "tpu.region"() ({
      %run_scoped3A_223 = tpu.sem_alloc : memref<!tpu.dma_semaphore, #tpu.memory_space<semaphore_mem>>
      %dma_start3A_224 = arith.constant 0 : i32
      %dma_start3A_225 = arith.constant 0 : i32
      %dma_start3A_226 = arith.constant 0 : i32
      %dma_start3A_227 = tpu.memref_slice %arg4[%add3A, %dma_start3A_224, %dma_start3A_225, %dma_start3A_226] : memref<32x15x128x128xf32, #tpu.memory_space<hbm>> -> memref<1x15x128x128xf32, #tpu.memory_space<hbm>>
      %dma_start3A_228 = tpu.memref_squeeze %dma_start3A_227 : memref<1x15x128x128xf32, #tpu.memory_space<hbm>> -> memref<15x128x128xf32, #tpu.memory_space<hbm>>
      %dma_start3A_229 = arith.constant 0 : i32
      %dma_start3A_230 = arith.constant 0 : i32
      %dma_start3A_231 = tpu.memref_slice %dma_start3A_228[%run_scoped3A_27, %dma_start3A_229, %dma_start3A_230] : memref<15x128x128xf32, #tpu.memory_space<hbm>> -> memref<1x128x128xf32, #tpu.memory_space<hbm>>
      %dma_start3A_232 = tpu.memref_squeeze %dma_start3A_231 : memref<1x128x128xf32, #tpu.memory_space<hbm>> -> memref<128x128xf32, #tpu.memory_space<hbm>>
      %dma_start3A_233 = arith.constant 0 : i32
      %dma_start3A_234 = arith.constant 0 : i32
      %dma_start3A_235 = arith.constant 0 : i32
      %dma_start3A_236 = tpu.memref_slice %arg4[%add3A, %dma_start3A_233, %dma_start3A_234, %dma_start3A_235] : memref<32x15x128x128xf32, #tpu.memory_space<hbm>> -> memref<1x15x128x128xf32, #tpu.memory_space<hbm>>
      %dma_start3A_237 = tpu.memref_squeeze %dma_start3A_236 : memref<1x15x128x128xf32, #tpu.memory_space<hbm>> -> memref<15x128x128xf32, #tpu.memory_space<hbm>>
      %dma_start3A_238 = arith.constant 0 : i32
      %dma_start3A_239 = arith.constant 0 : i32
      %dma_start3A_240 = tpu.memref_slice %dma_start3A_237[%run_scoped3A_27, %dma_start3A_238, %dma_start3A_239] : memref<15x128x128xf32, #tpu.memory_space<hbm>> -> memref<1x128x128xf32, #tpu.memory_space<hbm>>
      %dma_start3A_241 = tpu.memref_squeeze %dma_start3A_240 : memref<1x128x128xf32, #tpu.memory_space<hbm>> -> memref<128x128xf32, #tpu.memory_space<hbm>>
      tpu.enqueue_dma source(%arg6 : memref<128x128xf32, #tpu.memory_space<vmem>>) target(%dma_start3A_241 : memref<128x128xf32, #tpu.memory_space<hbm>>) target_semaphore(%run_scoped3A_223 : memref<!tpu.dma_semaphore, #tpu.memory_space<semaphore_mem>>)
      %dma_wait3A_242 = arith.constant 0 : i32
      %dma_wait3A_243 = arith.constant 0 : i32
      %dma_wait3A_244 = arith.constant 0 : i32
      %dma_wait3A_245 = tpu.memref_slice %arg4[%add3A, %dma_wait3A_242, %dma_wait3A_243, %dma_wait3A_244] : memref<32x15x128x128xf32, #tpu.memory_space<hbm>> -> memref<1x15x128x128xf32, #tpu.memory_space<hbm>>
      %dma_wait3A_246 = tpu.memref_squeeze %dma_wait3A_245 : memref<1x15x128x128xf32, #tpu.memory_space<hbm>> -> memref<15x128x128xf32, #tpu.memory_space<hbm>>
      %dma_wait3A_247 = arith.constant 0 : i32
      %dma_wait3A_248 = arith.constant 0 : i32
      %dma_wait3A_249 = tpu.memref_slice %dma_wait3A_246[%run_scoped3A_27, %dma_wait3A_247, %dma_wait3A_248] : memref<15x128x128xf32, #tpu.memory_space<hbm>> -> memref<1x128x128xf32, #tpu.memory_space<hbm>>
      %dma_wait3A_250 = tpu.memref_squeeze %dma_wait3A_249 : memref<1x128x128xf32, #tpu.memory_space<hbm>> -> memref<128x128xf32, #tpu.memory_space<hbm>>
      %dma_wait3A_251 = arith.constant 0 : i32
      %dma_wait3A_252 = arith.constant 0 : i32
      %dma_wait3A_253 = arith.constant 0 : i32
      %dma_wait3A_254 = tpu.memref_slice %arg4[%add3A, %dma_wait3A_251, %dma_wait3A_252, %dma_wait3A_253] : memref<32x15x128x128xf32, #tpu.memory_space<hbm>> -> memref<1x15x128x128xf32, #tpu.memory_space<hbm>>
      %dma_wait3A_255 = tpu.memref_squeeze %dma_wait3A_254 : memref<1x15x128x128xf32, #tpu.memory_space<hbm>> -> memref<15x128x128xf32, #tpu.memory_space<hbm>>
      %dma_wait3A_256 = arith.constant 0 : i32
      %dma_wait3A_257 = arith.constant 0 : i32
      %dma_wait3A_258 = tpu.memref_slice %dma_wait3A_255[%run_scoped3A_27, %dma_wait3A_256, %dma_wait3A_257] : memref<15x128x128xf32, #tpu.memory_space<hbm>> -> memref<1x128x128xf32, #tpu.memory_space<hbm>>
      %dma_wait3A_259 = tpu.memref_squeeze %dma_wait3A_258 : memref<1x128x128xf32, #tpu.memory_space<hbm>> -> memref<128x128xf32, #tpu.memory_space<hbm>>
      tpu.wait_dma2 semaphore(%run_scoped3A_223 : memref<!tpu.dma_semaphore, #tpu.memory_space<semaphore_mem>>) src(%arg6 : memref<128x128xf32, #tpu.memory_space<vmem>>) dst(%dma_wait3A_259 : memref<128x128xf32, #tpu.memory_space<hbm>>)
      tpu.yield
    }) : () -> ()
    %dma_start3A_28 = arith.constant 2 : i32
    %dma_start3A_29 = arith.constant 0 : i32
    %dma_start3A_30 = tpu.memref_slice %arg5[%dma_start3A_28, %dma_start3A_29] : memref<15x128xi32, #tpu.memory_space<vmem>> -> memref<1x128xi32, #tpu.memory_space<vmem>>
    %dma_start3A_31 = tpu.memref_squeeze %dma_start3A_30 : memref<1x128xi32, #tpu.memory_space<vmem>> -> memref<128xi32, #tpu.memory_space<vmem>>
    %dma_start3A_32 = arith.constant 0 : i32
    %dma_start3A_33 = arith.constant 0 : i32
    %dma_start3A_34 = tpu.memref_slice %arg2[%dma_start3A_32, %dma_start3A_33] : memref<49152x128xf32, #tpu.memory_space<hbm>> -> memref<49152x128xf32, #tpu.memory_space<hbm>>
    tpu.enqueue_indirect_dma source(%dma_start3A_34 : memref<49152x128xf32, #tpu.memory_space<hbm>>) target(%arg6 : memref<128x128xf32, #tpu.memory_space<vmem>>) offsets(%dma_start3A_31 : memref<128xi32, #tpu.memory_space<vmem>>) semaphore(%arg7 : memref<!tpu.dma_semaphore, #tpu.memory_space<semaphore_mem>>)
    %dma_wait3A_35 = arith.constant 2 : i32
    %dma_wait3A_36 = arith.constant 0 : i32
    %dma_wait3A_37 = tpu.memref_slice %arg5[%dma_wait3A_35, %dma_wait3A_36] : memref<15x128xi32, #tpu.memory_space<vmem>> -> memref<1x128xi32, #tpu.memory_space<vmem>>
    %dma_wait3A_38 = tpu.memref_squeeze %dma_wait3A_37 : memref<1x128xi32, #tpu.memory_space<vmem>> -> memref<128xi32, #tpu.memory_space<vmem>>
    %dma_wait3A_39 = arith.constant 0 : i32
    %dma_wait3A_40 = arith.constant 0 : i32
    %dma_wait3A_41 = tpu.memref_slice %arg2[%dma_wait3A_39, %dma_wait3A_40] : memref<49152x128xf32, #tpu.memory_space<hbm>> -> memref<49152x128xf32, #tpu.memory_space<hbm>>
    tpu.wait_indirect_dma semaphore(%arg7 : memref<!tpu.dma_semaphore, #tpu.memory_space<semaphore_mem>>) src(%dma_wait3A_41 : memref<49152x128xf32, #tpu.memory_space<hbm>>) dst(%arg6 : memref<128x128xf32, #tpu.memory_space<vmem>>)
    %run_scoped3A_42 = arith.constant 2 : i32
    "tpu.region"() ({
      %run_scoped3A_223 = tpu.sem_alloc : memref<!tpu.dma_semaphore, #tpu.memory_space<semaphore_mem>>
      %dma_start3A_224 = arith.constant 0 : i32
      %dma_start3A_225 = arith.constant 0 : i32
      %dma_start3A_226 = arith.constant 0 : i32
      %dma_start3A_227 = tpu.memref_slice %arg4[%add3A, %dma_start3A_224, %dma_start3A_225, %dma_start3A_226] : memref<32x15x128x128xf32, #tpu.memory_space<hbm>> -> memref<1x15x128x128xf32, #tpu.memory_space<hbm>>
      %dma_start3A_228 = tpu.memref_squeeze %dma_start3A_227 : memref<1x15x128x128xf32, #tpu.memory_space<hbm>> -> memref<15x128x128xf32, #tpu.memory_space<hbm>>
      %dma_start3A_229 = arith.constant 0 : i32
      %dma_start3A_230 = arith.constant 0 : i32
      %dma_start3A_231 = tpu.memref_slice %dma_start3A_228[%run_scoped3A_42, %dma_start3A_229, %dma_start3A_230] : memref<15x128x128xf32, #tpu.memory_space<hbm>> -> memref<1x128x128xf32, #tpu.memory_space<hbm>>
      %dma_start3A_232 = tpu.memref_squeeze %dma_start3A_231 : memref<1x128x128xf32, #tpu.memory_space<hbm>> -> memref<128x128xf32, #tpu.memory_space<hbm>>
      %dma_start3A_233 = arith.constant 0 : i32
      %dma_start3A_234 = arith.constant 0 : i32
      %dma_start3A_235 = arith.constant 0 : i32
      %dma_start3A_236 = tpu.memref_slice %arg4[%add3A, %dma_start3A_233, %dma_start3A_234, %dma_start3A_235] : memref<32x15x128x128xf32, #tpu.memory_space<hbm>> -> memref<1x15x128x128xf32, #tpu.memory_space<hbm>>
      %dma_start3A_237 = tpu.memref_squeeze %dma_start3A_236 : memref<1x15x128x128xf32, #tpu.memory_space<hbm>> -> memref<15x128x128xf32, #tpu.memory_space<hbm>>
      %dma_start3A_238 = arith.constant 0 : i32
      %dma_start3A_239 = arith.constant 0 : i32
      %dma_start3A_240 = tpu.memref_slice %dma_start3A_237[%run_scoped3A_42, %dma_start3A_238, %dma_start3A_239] : memref<15x128x128xf32, #tpu.memory_space<hbm>> -> memref<1x128x128xf32, #tpu.memory_space<hbm>>
      %dma_start3A_241 = tpu.memref_squeeze %dma_start3A_240 : memref<1x128x128xf32, #tpu.memory_space<hbm>> -> memref<128x128xf32, #tpu.memory_space<hbm>>
      tpu.enqueue_dma source(%arg6 : memref<128x128xf32, #tpu.memory_space<vmem>>) target(%dma_start3A_241 : memref<128x128xf32, #tpu.memory_space<hbm>>) target_semaphore(%run_scoped3A_223 : memref<!tpu.dma_semaphore, #tpu.memory_space<semaphore_mem>>)
      %dma_wait3A_242 = arith.constant 0 : i32
      %dma_wait3A_243 = arith.constant 0 : i32
      %dma_wait3A_244 = arith.constant 0 : i32
      %dma_wait3A_245 = tpu.memref_slice %arg4[%add3A, %dma_wait3A_242, %dma_wait3A_243, %dma_wait3A_244] : memref<32x15x128x128xf32, #tpu.memory_space<hbm>> -> memref<1x15x128x128xf32, #tpu.memory_space<hbm>>
      %dma_wait3A_246 = tpu.memref_squeeze %dma_wait3A_245 : memref<1x15x128x128xf32, #tpu.memory_space<hbm>> -> memref<15x128x128xf32, #tpu.memory_space<hbm>>
      %dma_wait3A_247 = arith.constant 0 : i32
      %dma_wait3A_248 = arith.constant 0 : i32
      %dma_wait3A_249 = tpu.memref_slice %dma_wait3A_246[%run_scoped3A_42, %dma_wait3A_247, %dma_wait3A_248] : memref<15x128x128xf32, #tpu.memory_space<hbm>> -> memref<1x128x128xf32, #tpu.memory_space<hbm>>
      %dma_wait3A_250 = tpu.memref_squeeze %dma_wait3A_249 : memref<1x128x128xf32, #tpu.memory_space<hbm>> -> memref<128x128xf32, #tpu.memory_space<hbm>>
      %dma_wait3A_251 = arith.constant 0 : i32
      %dma_wait3A_252 = arith.constant 0 : i32
      %dma_wait3A_253 = arith.constant 0 : i32
      %dma_wait3A_254 = tpu.memref_slice %arg4[%add3A, %dma_wait3A_251, %dma_wait3A_252, %dma_wait3A_253] : memref<32x15x128x128xf32, #tpu.memory_space<hbm>> -> memref<1x15x128x128xf32, #tpu.memory_space<hbm>>
      %dma_wait3A_255 = tpu.memref_squeeze %dma_wait3A_254 : memref<1x15x128x128xf32, #tpu.memory_space<hbm>> -> memref<15x128x128xf32, #tpu.memory_space<hbm>>
      %dma_wait3A_256 = arith.constant 0 : i32
      %dma_wait3A_257 = arith.constant 0 : i32
      %dma_wait3A_258 = tpu.memref_slice %dma_wait3A_255[%run_scoped3A_42, %dma_wait3A_256, %dma_wait3A_257] : memref<15x128x128xf32, #tpu.memory_space<hbm>> -> memref<1x128x128xf32, #tpu.memory_space<hbm>>
      %dma_wait3A_259 = tpu.memref_squeeze %dma_wait3A_258 : memref<1x128x128xf32, #tpu.memory_space<hbm>> -> memref<128x128xf32, #tpu.memory_space<hbm>>
      tpu.wait_dma2 semaphore(%run_scoped3A_223 : memref<!tpu.dma_semaphore, #tpu.memory_space<semaphore_mem>>) src(%arg6 : memref<128x128xf32, #tpu.memory_space<vmem>>) dst(%dma_wait3A_259 : memref<128x128xf32, #tpu.memory_space<hbm>>)
      tpu.yield
    }) : () -> ()
    %dma_start3A_43 = arith.constant 3 : i32
    %dma_start3A_44 = arith.constant 0 : i32
    %dma_start3A_45 = tpu.memref_slice %arg5[%dma_start3A_43, %dma_start3A_44] : memref<15x128xi32, #tpu.memory_space<vmem>> -> memref<1x128xi32, #tpu.memory_space<vmem>>
    %dma_start3A_46 = tpu.memref_squeeze %dma_start3A_45 : memref<1x128xi32, #tpu.memory_space<vmem>> -> memref<128xi32, #tpu.memory_space<vmem>>
    %dma_start3A_47 = arith.constant 0 : i32
    %dma_start3A_48 = arith.constant 0 : i32
    %dma_start3A_49 = tpu.memref_slice %arg2[%dma_start3A_47, %dma_start3A_48] : memref<49152x128xf32, #tpu.memory_space<hbm>> -> memref<49152x128xf32, #tpu.memory_space<hbm>>
    tpu.enqueue_indirect_dma source(%dma_start3A_49 : memref<49152x128xf32, #tpu.memory_space<hbm>>) target(%arg6 : memref<128x128xf32, #tpu.memory_space<vmem>>) offsets(%dma_start3A_46 : memref<128xi32, #tpu.memory_space<vmem>>) semaphore(%arg7 : memref<!tpu.dma_semaphore, #tpu.memory_space<semaphore_mem>>)
    %dma_wait3A_50 = arith.constant 3 : i32
    %dma_wait3A_51 = arith.constant 0 : i32
    %dma_wait3A_52 = tpu.memref_slice %arg5[%dma_wait3A_50, %dma_wait3A_51] : memref<15x128xi32, #tpu.memory_space<vmem>> -> memref<1x128xi32, #tpu.memory_space<vmem>>
    %dma_wait3A_53 = tpu.memref_squeeze %dma_wait3A_52 : memref<1x128xi32, #tpu.memory_space<vmem>> -> memref<128xi32, #tpu.memory_space<vmem>>
    %dma_wait3A_54 = arith.constant 0 : i32
    %dma_wait3A_55 = arith.constant 0 : i32
    %dma_wait3A_56 = tpu.memref_slice %arg2[%dma_wait3A_54, %dma_wait3A_55] : memref<49152x128xf32, #tpu.memory_space<hbm>> -> memref<49152x128xf32, #tpu.memory_space<hbm>>
    tpu.wait_indirect_dma semaphore(%arg7 : memref<!tpu.dma_semaphore, #tpu.memory_space<semaphore_mem>>) src(%dma_wait3A_56 : memref<49152x128xf32, #tpu.memory_space<hbm>>) dst(%arg6 : memref<128x128xf32, #tpu.memory_space<vmem>>)
    %run_scoped3A_57 = arith.constant 3 : i32
    "tpu.region"() ({
      %run_scoped3A_223 = tpu.sem_alloc : memref<!tpu.dma_semaphore, #tpu.memory_space<semaphore_mem>>
      %dma_start3A_224 = arith.constant 0 : i32
      %dma_start3A_225 = arith.constant 0 : i32
      %dma_start3A_226 = arith.constant 0 : i32
      %dma_start3A_227 = tpu.memref_slice %arg4[%add3A, %dma_start3A_224, %dma_start3A_225, %dma_start3A_226] : memref<32x15x128x128xf32, #tpu.memory_space<hbm>> -> memref<1x15x128x128xf32, #tpu.memory_space<hbm>>
      %dma_start3A_228 = tpu.memref_squeeze %dma_start3A_227 : memref<1x15x128x128xf32, #tpu.memory_space<hbm>> -> memref<15x128x128xf32, #tpu.memory_space<hbm>>
      %dma_start3A_229 = arith.constant 0 : i32
      %dma_start3A_230 = arith.constant 0 : i32
      %dma_start3A_231 = tpu.memref_slice %dma_start3A_228[%run_scoped3A_57, %dma_start3A_229, %dma_start3A_230] : memref<15x128x128xf32, #tpu.memory_space<hbm>> -> memref<1x128x128xf32, #tpu.memory_space<hbm>>
      %dma_start3A_232 = tpu.memref_squeeze %dma_start3A_231 : memref<1x128x128xf32, #tpu.memory_space<hbm>> -> memref<128x128xf32, #tpu.memory_space<hbm>>
      %dma_start3A_233 = arith.constant 0 : i32
      %dma_start3A_234 = arith.constant 0 : i32
      %dma_start3A_235 = arith.constant 0 : i32
      %dma_start3A_236 = tpu.memref_slice %arg4[%add3A, %dma_start3A_233, %dma_start3A_234, %dma_start3A_235] : memref<32x15x128x128xf32, #tpu.memory_space<hbm>> -> memref<1x15x128x128xf32, #tpu.memory_space<hbm>>
      %dma_start3A_237 = tpu.memref_squeeze %dma_start3A_236 : memref<1x15x128x128xf32, #tpu.memory_space<hbm>> -> memref<15x128x128xf32, #tpu.memory_space<hbm>>
      %dma_start3A_238 = arith.constant 0 : i32
      %dma_start3A_239 = arith.constant 0 : i32
      %dma_start3A_240 = tpu.memref_slice %dma_start3A_237[%run_scoped3A_57, %dma_start3A_238, %dma_start3A_239] : memref<15x128x128xf32, #tpu.memory_space<hbm>> -> memref<1x128x128xf32, #tpu.memory_space<hbm>>
      %dma_start3A_241 = tpu.memref_squeeze %dma_start3A_240 : memref<1x128x128xf32, #tpu.memory_space<hbm>> -> memref<128x128xf32, #tpu.memory_space<hbm>>
      tpu.enqueue_dma source(%arg6 : memref<128x128xf32, #tpu.memory_space<vmem>>) target(%dma_start3A_241 : memref<128x128xf32, #tpu.memory_space<hbm>>) target_semaphore(%run_scoped3A_223 : memref<!tpu.dma_semaphore, #tpu.memory_space<semaphore_mem>>)
      %dma_wait3A_242 = arith.constant 0 : i32
      %dma_wait3A_243 = arith.constant 0 : i32
      %dma_wait3A_244 = arith.constant 0 : i32
      %dma_wait3A_245 = tpu.memref_slice %arg4[%add3A, %dma_wait3A_242, %dma_wait3A_243, %dma_wait3A_244] : memref<32x15x128x128xf32, #tpu.memory_space<hbm>> -> memref<1x15x128x128xf32, #tpu.memory_space<hbm>>
      %dma_wait3A_246 = tpu.memref_squeeze %dma_wait3A_245 : memref<1x15x128x128xf32, #tpu.memory_space<hbm>> -> memref<15x128x128xf32, #tpu.memory_space<hbm>>
      %dma_wait3A_247 = arith.constant 0 : i32
      %dma_wait3A_248 = arith.constant 0 : i32
      %dma_wait3A_249 = tpu.memref_slice %dma_wait3A_246[%run_scoped3A_57, %dma_wait3A_247, %dma_wait3A_248] : memref<15x128x128xf32, #tpu.memory_space<hbm>> -> memref<1x128x128xf32, #tpu.memory_space<hbm>>
      %dma_wait3A_250 = tpu.memref_squeeze %dma_wait3A_249 : memref<1x128x128xf32, #tpu.memory_space<hbm>> -> memref<128x128xf32, #tpu.memory_space<hbm>>
      %dma_wait3A_251 = arith.constant 0 : i32
      %dma_wait3A_252 = arith.constant 0 : i32
      %dma_wait3A_253 = arith.constant 0 : i32
      %dma_wait3A_254 = tpu.memref_slice %arg4[%add3A, %dma_wait3A_251, %dma_wait3A_252, %dma_wait3A_253] : memref<32x15x128x128xf32, #tpu.memory_space<hbm>> -> memref<1x15x128x128xf32, #tpu.memory_space<hbm>>
      %dma_wait3A_255 = tpu.memref_squeeze %dma_wait3A_254 : memref<1x15x128x128xf32, #tpu.memory_space<hbm>> -> memref<15x128x128xf32, #tpu.memory_space<hbm>>
      %dma_wait3A_256 = arith.constant 0 : i32
      %dma_wait3A_257 = arith.constant 0 : i32
      %dma_wait3A_258 = tpu.memref_slice %dma_wait3A_255[%run_scoped3A_57, %dma_wait3A_256, %dma_wait3A_257] : memref<15x128x128xf32, #tpu.memory_space<hbm>> -> memref<1x128x128xf32, #tpu.memory_space<hbm>>
      %dma_wait3A_259 = tpu.memref_squeeze %dma_wait3A_258 : memref<1x128x128xf32, #tpu.memory_space<hbm>> -> memref<128x128xf32, #tpu.memory_space<hbm>>
      tpu.wait_dma2 semaphore(%run_scoped3A_223 : memref<!tpu.dma_semaphore, #tpu.memory_space<semaphore_mem>>) src(%arg6 : memref<128x128xf32, #tpu.memory_space<vmem>>) dst(%dma_wait3A_259 : memref<128x128xf32, #tpu.memory_space<hbm>>)
      tpu.yield
    }) : () -> ()
    %dma_start3A_58 = arith.constant 4 : i32
    %dma_start3A_59 = arith.constant 0 : i32
    %dma_start3A_60 = tpu.memref_slice %arg5[%dma_start3A_58, %dma_start3A_59] : memref<15x128xi32, #tpu.memory_space<vmem>> -> memref<1x128xi32, #tpu.memory_space<vmem>>
    %dma_start3A_61 = tpu.memref_squeeze %dma_start3A_60 : memref<1x128xi32, #tpu.memory_space<vmem>> -> memref<128xi32, #tpu.memory_space<vmem>>
    %dma_start3A_62 = arith.constant 0 : i32
    %dma_start3A_63 = arith.constant 0 : i32
    %dma_start3A_64 = tpu.memref_slice %arg2[%dma_start3A_62, %dma_start3A_63] : memref<49152x128xf32, #tpu.memory_space<hbm>> -> memref<49152x128xf32, #tpu.memory_space<hbm>>
    tpu.enqueue_indirect_dma source(%dma_start3A_64 : memref<49152x128xf32, #tpu.memory_space<hbm>>) target(%arg6 : memref<128x128xf32, #tpu.memory_space<vmem>>) offsets(%dma_start3A_61 : memref<128xi32, #tpu.memory_space<vmem>>) semaphore(%arg7 : memref<!tpu.dma_semaphore, #tpu.memory_space<semaphore_mem>>)
    %dma_wait3A_65 = arith.constant 4 : i32
    %dma_wait3A_66 = arith.constant 0 : i32
    %dma_wait3A_67 = tpu.memref_slice %arg5[%dma_wait3A_65, %dma_wait3A_66] : memref<15x128xi32, #tpu.memory_space<vmem>> -> memref<1x128xi32, #tpu.memory_space<vmem>>
    %dma_wait3A_68 = tpu.memref_squeeze %dma_wait3A_67 : memref<1x128xi32, #tpu.memory_space<vmem>> -> memref<128xi32, #tpu.memory_space<vmem>>
    %dma_wait3A_69 = arith.constant 0 : i32
    %dma_wait3A_70 = arith.constant 0 : i32
    %dma_wait3A_71 = tpu.memref_slice %arg2[%dma_wait3A_69, %dma_wait3A_70] : memref<49152x128xf32, #tpu.memory_space<hbm>> -> memref<49152x128xf32, #tpu.memory_space<hbm>>
    tpu.wait_indirect_dma semaphore(%arg7 : memref<!tpu.dma_semaphore, #tpu.memory_space<semaphore_mem>>) src(%dma_wait3A_71 : memref<49152x128xf32, #tpu.memory_space<hbm>>) dst(%arg6 : memref<128x128xf32, #tpu.memory_space<vmem>>)
    %run_scoped3A_72 = arith.constant 4 : i32
    "tpu.region"() ({
      %run_scoped3A_223 = tpu.sem_alloc : memref<!tpu.dma_semaphore, #tpu.memory_space<semaphore_mem>>
      %dma_start3A_224 = arith.constant 0 : i32
      %dma_start3A_225 = arith.constant 0 : i32
      %dma_start3A_226 = arith.constant 0 : i32
      %dma_start3A_227 = tpu.memref_slice %arg4[%add3A, %dma_start3A_224, %dma_start3A_225, %dma_start3A_226] : memref<32x15x128x128xf32, #tpu.memory_space<hbm>> -> memref<1x15x128x128xf32, #tpu.memory_space<hbm>>
      %dma_start3A_228 = tpu.memref_squeeze %dma_start3A_227 : memref<1x15x128x128xf32, #tpu.memory_space<hbm>> -> memref<15x128x128xf32, #tpu.memory_space<hbm>>
      %dma_start3A_229 = arith.constant 0 : i32
      %dma_start3A_230 = arith.constant 0 : i32
      %dma_start3A_231 = tpu.memref_slice %dma_start3A_228[%run_scoped3A_72, %dma_start3A_229, %dma_start3A_230] : memref<15x128x128xf32, #tpu.memory_space<hbm>> -> memref<1x128x128xf32, #tpu.memory_space<hbm>>
      %dma_start3A_232 = tpu.memref_squeeze %dma_start3A_231 : memref<1x128x128xf32, #tpu.memory_space<hbm>> -> memref<128x128xf32, #tpu.memory_space<hbm>>
      %dma_start3A_233 = arith.constant 0 : i32
      %dma_start3A_234 = arith.constant 0 : i32
      %dma_start3A_235 = arith.constant 0 : i32
      %dma_start3A_236 = tpu.memref_slice %arg4[%add3A, %dma_start3A_233, %dma_start3A_234, %dma_start3A_235] : memref<32x15x128x128xf32, #tpu.memory_space<hbm>> -> memref<1x15x128x128xf32, #tpu.memory_space<hbm>>
      %dma_start3A_237 = tpu.memref_squeeze %dma_start3A_236 : memref<1x15x128x128xf32, #tpu.memory_space<hbm>> -> memref<15x128x128xf32, #tpu.memory_space<hbm>>
      %dma_start3A_238 = arith.constant 0 : i32
      %dma_start3A_239 = arith.constant 0 : i32
      %dma_start3A_240 = tpu.memref_slice %dma_start3A_237[%run_scoped3A_72, %dma_start3A_238, %dma_start3A_239] : memref<15x128x128xf32, #tpu.memory_space<hbm>> -> memref<1x128x128xf32, #tpu.memory_space<hbm>>
      %dma_start3A_241 = tpu.memref_squeeze %dma_start3A_240 : memref<1x128x128xf32, #tpu.memory_space<hbm>> -> memref<128x128xf32, #tpu.memory_space<hbm>>
      tpu.enqueue_dma source(%arg6 : memref<128x128xf32, #tpu.memory_space<vmem>>) target(%dma_start3A_241 : memref<128x128xf32, #tpu.memory_space<hbm>>) target_semaphore(%run_scoped3A_223 : memref<!tpu.dma_semaphore, #tpu.memory_space<semaphore_mem>>)
      %dma_wait3A_242 = arith.constant 0 : i32
      %dma_wait3A_243 = arith.constant 0 : i32
      %dma_wait3A_244 = arith.constant 0 : i32
      %dma_wait3A_245 = tpu.memref_slice %arg4[%add3A, %dma_wait3A_242, %dma_wait3A_243, %dma_wait3A_244] : memref<32x15x128x128xf32, #tpu.memory_space<hbm>> -> memref<1x15x128x128xf32, #tpu.memory_space<hbm>>
      %dma_wait3A_246 = tpu.memref_squeeze %dma_wait3A_245 : memref<1x15x128x128xf32, #tpu.memory_space<hbm>> -> memref<15x128x128xf32, #tpu.memory_space<hbm>>
      %dma_wait3A_247 = arith.constant 0 : i32
      %dma_wait3A_248 = arith.constant 0 : i32
      %dma_wait3A_249 = tpu.memref_slice %dma_wait3A_246[%run_scoped3A_72, %dma_wait3A_247, %dma_wait3A_248] : memref<15x128x128xf32, #tpu.memory_space<hbm>> -> memref<1x128x128xf32, #tpu.memory_space<hbm>>
      %dma_wait3A_250 = tpu.memref_squeeze %dma_wait3A_249 : memref<1x128x128xf32, #tpu.memory_space<hbm>> -> memref<128x128xf32, #tpu.memory_space<hbm>>
      %dma_wait3A_251 = arith.constant 0 : i32
      %dma_wait3A_252 = arith.constant 0 : i32
      %dma_wait3A_253 = arith.constant 0 : i32
      %dma_wait3A_254 = tpu.memref_slice %arg4[%add3A, %dma_wait3A_251, %dma_wait3A_252, %dma_wait3A_253] : memref<32x15x128x128xf32, #tpu.memory_space<hbm>> -> memref<1x15x128x128xf32, #tpu.memory_space<hbm>>
      %dma_wait3A_255 = tpu.memref_squeeze %dma_wait3A_254 : memref<1x15x128x128xf32, #tpu.memory_space<hbm>> -> memref<15x128x128xf32, #tpu.memory_space<hbm>>
      %dma_wait3A_256 = arith.constant 0 : i32
      %dma_wait3A_257 = arith.constant 0 : i32
      %dma_wait3A_258 = tpu.memref_slice %dma_wait3A_255[%run_scoped3A_72, %dma_wait3A_256, %dma_wait3A_257] : memref<15x128x128xf32, #tpu.memory_space<hbm>> -> memref<1x128x128xf32, #tpu.memory_space<hbm>>
      %dma_wait3A_259 = tpu.memref_squeeze %dma_wait3A_258 : memref<1x128x128xf32, #tpu.memory_space<hbm>> -> memref<128x128xf32, #tpu.memory_space<hbm>>
      tpu.wait_dma2 semaphore(%run_scoped3A_223 : memref<!tpu.dma_semaphore, #tpu.memory_space<semaphore_mem>>) src(%arg6 : memref<128x128xf32, #tpu.memory_space<vmem>>) dst(%dma_wait3A_259 : memref<128x128xf32, #tpu.memory_space<hbm>>)
      tpu.yield
    }) : () -> ()
    %dma_start3A_73 = arith.constant 5 : i32
    %dma_start3A_74 = arith.constant 0 : i32
    %dma_start3A_75 = tpu.memref_slice %arg5[%dma_start3A_73, %dma_start3A_74] : memref<15x128xi32, #tpu.memory_space<vmem>> -> memref<1x128xi32, #tpu.memory_space<vmem>>
    %dma_start3A_76 = tpu.memref_squeeze %dma_start3A_75 : memref<1x128xi32, #tpu.memory_space<vmem>> -> memref<128xi32, #tpu.memory_space<vmem>>
    %dma_start3A_77 = arith.constant 0 : i32
    %dma_start3A_78 = arith.constant 0 : i32
    %dma_start3A_79 = tpu.memref_slice %arg2[%dma_start3A_77, %dma_start3A_78] : memref<49152x128xf32, #tpu.memory_space<hbm>> -> memref<49152x128xf32, #tpu.memory_space<hbm>>
    tpu.enqueue_indirect_dma source(%dma_start3A_79 : memref<49152x128xf32, #tpu.memory_space<hbm>>) target(%arg6 : memref<128x128xf32, #tpu.memory_space<vmem>>) offsets(%dma_start3A_76 : memref<128xi32, #tpu.memory_space<vmem>>) semaphore(%arg7 : memref<!tpu.dma_semaphore, #tpu.memory_space<semaphore_mem>>)
    %dma_wait3A_80 = arith.constant 5 : i32
    %dma_wait3A_81 = arith.constant 0 : i32
    %dma_wait3A_82 = tpu.memref_slice %arg5[%dma_wait3A_80, %dma_wait3A_81] : memref<15x128xi32, #tpu.memory_space<vmem>> -> memref<1x128xi32, #tpu.memory_space<vmem>>
    %dma_wait3A_83 = tpu.memref_squeeze %dma_wait3A_82 : memref<1x128xi32, #tpu.memory_space<vmem>> -> memref<128xi32, #tpu.memory_space<vmem>>
    %dma_wait3A_84 = arith.constant 0 : i32
    %dma_wait3A_85 = arith.constant 0 : i32
    %dma_wait3A_86 = tpu.memref_slice %arg2[%dma_wait3A_84, %dma_wait3A_85] : memref<49152x128xf32, #tpu.memory_space<hbm>> -> memref<49152x128xf32, #tpu.memory_space<hbm>>
    tpu.wait_indirect_dma semaphore(%arg7 : memref<!tpu.dma_semaphore, #tpu.memory_space<semaphore_mem>>) src(%dma_wait3A_86 : memref<49152x128xf32, #tpu.memory_space<hbm>>) dst(%arg6 : memref<128x128xf32, #tpu.memory_space<vmem>>)
    %run_scoped3A_87 = arith.constant 5 : i32
    "tpu.region"() ({
      %run_scoped3A_223 = tpu.sem_alloc : memref<!tpu.dma_semaphore, #tpu.memory_space<semaphore_mem>>
      %dma_start3A_224 = arith.constant 0 : i32
      %dma_start3A_225 = arith.constant 0 : i32
      %dma_start3A_226 = arith.constant 0 : i32
      %dma_start3A_227 = tpu.memref_slice %arg4[%add3A, %dma_start3A_224, %dma_start3A_225, %dma_start3A_226] : memref<32x15x128x128xf32, #tpu.memory_space<hbm>> -> memref<1x15x128x128xf32, #tpu.memory_space<hbm>>
      %dma_start3A_228 = tpu.memref_squeeze %dma_start3A_227 : memref<1x15x128x128xf32, #tpu.memory_space<hbm>> -> memref<15x128x128xf32, #tpu.memory_space<hbm>>
      %dma_start3A_229 = arith.constant 0 : i32
      %dma_start3A_230 = arith.constant 0 : i32
      %dma_start3A_231 = tpu.memref_slice %dma_start3A_228[%run_scoped3A_87, %dma_start3A_229, %dma_start3A_230] : memref<15x128x128xf32, #tpu.memory_space<hbm>> -> memref<1x128x128xf32, #tpu.memory_space<hbm>>
      %dma_start3A_232 = tpu.memref_squeeze %dma_start3A_231 : memref<1x128x128xf32, #tpu.memory_space<hbm>> -> memref<128x128xf32, #tpu.memory_space<hbm>>
      %dma_start3A_233 = arith.constant 0 : i32
      %dma_start3A_234 = arith.constant 0 : i32
      %dma_start3A_235 = arith.constant 0 : i32
      %dma_start3A_236 = tpu.memref_slice %arg4[%add3A, %dma_start3A_233, %dma_start3A_234, %dma_start3A_235] : memref<32x15x128x128xf32, #tpu.memory_space<hbm>> -> memref<1x15x128x128xf32, #tpu.memory_space<hbm>>
      %dma_start3A_237 = tpu.memref_squeeze %dma_start3A_236 : memref<1x15x128x128xf32, #tpu.memory_space<hbm>> -> memref<15x128x128xf32, #tpu.memory_space<hbm>>
      %dma_start3A_238 = arith.constant 0 : i32
      %dma_start3A_239 = arith.constant 0 : i32
      %dma_start3A_240 = tpu.memref_slice %dma_start3A_237[%run_scoped3A_87, %dma_start3A_238, %dma_start3A_239] : memref<15x128x128xf32, #tpu.memory_space<hbm>> -> memref<1x128x128xf32, #tpu.memory_space<hbm>>
      %dma_start3A_241 = tpu.memref_squeeze %dma_start3A_240 : memref<1x128x128xf32, #tpu.memory_space<hbm>> -> memref<128x128xf32, #tpu.memory_space<hbm>>
      tpu.enqueue_dma source(%arg6 : memref<128x128xf32, #tpu.memory_space<vmem>>) target(%dma_start3A_241 : memref<128x128xf32, #tpu.memory_space<hbm>>) target_semaphore(%run_scoped3A_223 : memref<!tpu.dma_semaphore, #tpu.memory_space<semaphore_mem>>)
      %dma_wait3A_242 = arith.constant 0 : i32
      %dma_wait3A_243 = arith.constant 0 : i32
      %dma_wait3A_244 = arith.constant 0 : i32
      %dma_wait3A_245 = tpu.memref_slice %arg4[%add3A, %dma_wait3A_242, %dma_wait3A_243, %dma_wait3A_244] : memref<32x15x128x128xf32, #tpu.memory_space<hbm>> -> memref<1x15x128x128xf32, #tpu.memory_space<hbm>>
      %dma_wait3A_246 = tpu.memref_squeeze %dma_wait3A_245 : memref<1x15x128x128xf32, #tpu.memory_space<hbm>> -> memref<15x128x128xf32, #tpu.memory_space<hbm>>
      %dma_wait3A_247 = arith.constant 0 : i32
      %dma_wait3A_248 = arith.constant 0 : i32
      %dma_wait3A_249 = tpu.memref_slice %dma_wait3A_246[%run_scoped3A_87, %dma_wait3A_247, %dma_wait3A_248] : memref<15x128x128xf32, #tpu.memory_space<hbm>> -> memref<1x128x128xf32, #tpu.memory_space<hbm>>
      %dma_wait3A_250 = tpu.memref_squeeze %dma_wait3A_249 : memref<1x128x128xf32, #tpu.memory_space<hbm>> -> memref<128x128xf32, #tpu.memory_space<hbm>>
      %dma_wait3A_251 = arith.constant 0 : i32
      %dma_wait3A_252 = arith.constant 0 : i32
      %dma_wait3A_253 = arith.constant 0 : i32
      %dma_wait3A_254 = tpu.memref_slice %arg4[%add3A, %dma_wait3A_251, %dma_wait3A_252, %dma_wait3A_253] : memref<32x15x128x128xf32, #tpu.memory_space<hbm>> -> memref<1x15x128x128xf32, #tpu.memory_space<hbm>>
      %dma_wait3A_255 = tpu.memref_squeeze %dma_wait3A_254 : memref<1x15x128x128xf32, #tpu.memory_space<hbm>> -> memref<15x128x128xf32, #tpu.memory_space<hbm>>
      %dma_wait3A_256 = arith.constant 0 : i32
      %dma_wait3A_257 = arith.constant 0 : i32
      %dma_wait3A_258 = tpu.memref_slice %dma_wait3A_255[%run_scoped3A_87, %dma_wait3A_256, %dma_wait3A_257] : memref<15x128x128xf32, #tpu.memory_space<hbm>> -> memref<1x128x128xf32, #tpu.memory_space<hbm>>
      %dma_wait3A_259 = tpu.memref_squeeze %dma_wait3A_258 : memref<1x128x128xf32, #tpu.memory_space<hbm>> -> memref<128x128xf32, #tpu.memory_space<hbm>>
      tpu.wait_dma2 semaphore(%run_scoped3A_223 : memref<!tpu.dma_semaphore, #tpu.memory_space<semaphore_mem>>) src(%arg6 : memref<128x128xf32, #tpu.memory_space<vmem>>) dst(%dma_wait3A_259 : memref<128x128xf32, #tpu.memory_space<hbm>>)
      tpu.yield
    }) : () -> ()
    %dma_start3A_88 = arith.constant 6 : i32
    %dma_start3A_89 = arith.constant 0 : i32
    %dma_start3A_90 = tpu.memref_slice %arg5[%dma_start3A_88, %dma_start3A_89] : memref<15x128xi32, #tpu.memory_space<vmem>> -> memref<1x128xi32, #tpu.memory_space<vmem>>
    %dma_start3A_91 = tpu.memref_squeeze %dma_start3A_90 : memref<1x128xi32, #tpu.memory_space<vmem>> -> memref<128xi32, #tpu.memory_space<vmem>>
    %dma_start3A_92 = arith.constant 0 : i32
    %dma_start3A_93 = arith.constant 0 : i32
    %dma_start3A_94 = tpu.memref_slice %arg2[%dma_start3A_92, %dma_start3A_93] : memref<49152x128xf32, #tpu.memory_space<hbm>> -> memref<49152x128xf32, #tpu.memory_space<hbm>>
    tpu.enqueue_indirect_dma source(%dma_start3A_94 : memref<49152x128xf32, #tpu.memory_space<hbm>>) target(%arg6 : memref<128x128xf32, #tpu.memory_space<vmem>>) offsets(%dma_start3A_91 : memref<128xi32, #tpu.memory_space<vmem>>) semaphore(%arg7 : memref<!tpu.dma_semaphore, #tpu.memory_space<semaphore_mem>>)
    %dma_wait3A_95 = arith.constant 6 : i32
    %dma_wait3A_96 = arith.constant 0 : i32
    %dma_wait3A_97 = tpu.memref_slice %arg5[%dma_wait3A_95, %dma_wait3A_96] : memref<15x128xi32, #tpu.memory_space<vmem>> -> memref<1x128xi32, #tpu.memory_space<vmem>>
    %dma_wait3A_98 = tpu.memref_squeeze %dma_wait3A_97 : memref<1x128xi32, #tpu.memory_space<vmem>> -> memref<128xi32, #tpu.memory_space<vmem>>
    %dma_wait3A_99 = arith.constant 0 : i32
    %dma_wait3A_100 = arith.constant 0 : i32
    %dma_wait3A_101 = tpu.memref_slice %arg2[%dma_wait3A_99, %dma_wait3A_100] : memref<49152x128xf32, #tpu.memory_space<hbm>> -> memref<49152x128xf32, #tpu.memory_space<hbm>>
    tpu.wait_indirect_dma semaphore(%arg7 : memref<!tpu.dma_semaphore, #tpu.memory_space<semaphore_mem>>) src(%dma_wait3A_101 : memref<49152x128xf32, #tpu.memory_space<hbm>>) dst(%arg6 : memref<128x128xf32, #tpu.memory_space<vmem>>)
    %run_scoped3A_102 = arith.constant 6 : i32
    "tpu.region"() ({
      %run_scoped3A_223 = tpu.sem_alloc : memref<!tpu.dma_semaphore, #tpu.memory_space<semaphore_mem>>
      %dma_start3A_224 = arith.constant 0 : i32
      %dma_start3A_225 = arith.constant 0 : i32
      %dma_start3A_226 = arith.constant 0 : i32
      %dma_start3A_227 = tpu.memref_slice %arg4[%add3A, %dma_start3A_224, %dma_start3A_225, %dma_start3A_226] : memref<32x15x128x128xf32, #tpu.memory_space<hbm>> -> memref<1x15x128x128xf32, #tpu.memory_space<hbm>>
      %dma_start3A_228 = tpu.memref_squeeze %dma_start3A_227 : memref<1x15x128x128xf32, #tpu.memory_space<hbm>> -> memref<15x128x128xf32, #tpu.memory_space<hbm>>
      %dma_start3A_229 = arith.constant 0 : i32
      %dma_start3A_230 = arith.constant 0 : i32
      %dma_start3A_231 = tpu.memref_slice %dma_start3A_228[%run_scoped3A_102, %dma_start3A_229, %dma_start3A_230] : memref<15x128x128xf32, #tpu.memory_space<hbm>> -> memref<1x128x128xf32, #tpu.memory_space<hbm>>
      %dma_start3A_232 = tpu.memref_squeeze %dma_start3A_231 : memref<1x128x128xf32, #tpu.memory_space<hbm>> -> memref<128x128xf32, #tpu.memory_space<hbm>>
      %dma_start3A_233 = arith.constant 0 : i32
      %dma_start3A_234 = arith.constant 0 : i32
      %dma_start3A_235 = arith.constant 0 : i32
      %dma_start3A_236 = tpu.memref_slice %arg4[%add3A, %dma_start3A_233, %dma_start3A_234, %dma_start3A_235] : memref<32x15x128x128xf32, #tpu.memory_space<hbm>> -> memref<1x15x128x128xf32, #tpu.memory_space<hbm>>
      %dma_start3A_237 = tpu.memref_squeeze %dma_start3A_236 : memref<1x15x128x128xf32, #tpu.memory_space<hbm>> -> memref<15x128x128xf32, #tpu.memory_space<hbm>>
      %dma_start3A_238 = arith.constant 0 : i32
      %dma_start3A_239 = arith.constant 0 : i32
      %dma_start3A_240 = tpu.memref_slice %dma_start3A_237[%run_scoped3A_102, %dma_start3A_238, %dma_start3A_239] : memref<15x128x128xf32, #tpu.memory_space<hbm>> -> memref<1x128x128xf32, #tpu.memory_space<hbm>>
      %dma_start3A_241 = tpu.memref_squeeze %dma_start3A_240 : memref<1x128x128xf32, #tpu.memory_space<hbm>> -> memref<128x128xf32, #tpu.memory_space<hbm>>
      tpu.enqueue_dma source(%arg6 : memref<128x128xf32, #tpu.memory_space<vmem>>) target(%dma_start3A_241 : memref<128x128xf32, #tpu.memory_space<hbm>>) target_semaphore(%run_scoped3A_223 : memref<!tpu.dma_semaphore, #tpu.memory_space<semaphore_mem>>)
      %dma_wait3A_242 = arith.constant 0 : i32
      %dma_wait3A_243 = arith.constant 0 : i32
      %dma_wait3A_244 = arith.constant 0 : i32
      %dma_wait3A_245 = tpu.memref_slice %arg4[%add3A, %dma_wait3A_242, %dma_wait3A_243, %dma_wait3A_244] : memref<32x15x128x128xf32, #tpu.memory_space<hbm>> -> memref<1x15x128x128xf32, #tpu.memory_space<hbm>>
      %dma_wait3A_246 = tpu.memref_squeeze %dma_wait3A_245 : memref<1x15x128x128xf32, #tpu.memory_space<hbm>> -> memref<15x128x128xf32, #tpu.memory_space<hbm>>
      %dma_wait3A_247 = arith.constant 0 : i32
      %dma_wait3A_248 = arith.constant 0 : i32
      %dma_wait3A_249 = tpu.memref_slice %dma_wait3A_246[%run_scoped3A_102, %dma_wait3A_247, %dma_wait3A_248] : memref<15x128x128xf32, #tpu.memory_space<hbm>> -> memref<1x128x128xf32, #tpu.memory_space<hbm>>
      %dma_wait3A_250 = tpu.memref_squeeze %dma_wait3A_249 : memref<1x128x128xf32, #tpu.memory_space<hbm>> -> memref<128x128xf32, #tpu.memory_space<hbm>>
      %dma_wait3A_251 = arith.constant 0 : i32
      %dma_wait3A_252 = arith.constant 0 : i32
      %dma_wait3A_253 = arith.constant 0 : i32
      %dma_wait3A_254 = tpu.memref_slice %arg4[%add3A, %dma_wait3A_251, %dma_wait3A_252, %dma_wait3A_253] : memref<32x15x128x128xf32, #tpu.memory_space<hbm>> -> memref<1x15x128x128xf32, #tpu.memory_space<hbm>>
      %dma_wait3A_255 = tpu.memref_squeeze %dma_wait3A_254 : memref<1x15x128x128xf32, #tpu.memory_space<hbm>> -> memref<15x128x128xf32, #tpu.memory_space<hbm>>
      %dma_wait3A_256 = arith.constant 0 : i32
      %dma_wait3A_257 = arith.constant 0 : i32
      %dma_wait3A_258 = tpu.memref_slice %dma_wait3A_255[%run_scoped3A_102, %dma_wait3A_256, %dma_wait3A_257] : memref<15x128x128xf32, #tpu.memory_space<hbm>> -> memref<1x128x128xf32, #tpu.memory_space<hbm>>
      %dma_wait3A_259 = tpu.memref_squeeze %dma_wait3A_258 : memref<1x128x128xf32, #tpu.memory_space<hbm>> -> memref<128x128xf32, #tpu.memory_space<hbm>>
      tpu.wait_dma2 semaphore(%run_scoped3A_223 : memref<!tpu.dma_semaphore, #tpu.memory_space<semaphore_mem>>) src(%arg6 : memref<128x128xf32, #tpu.memory_space<vmem>>) dst(%dma_wait3A_259 : memref<128x128xf32, #tpu.memory_space<hbm>>)
      tpu.yield
    }) : () -> ()
    %dma_start3A_103 = arith.constant 7 : i32
    %dma_start3A_104 = arith.constant 0 : i32
    %dma_start3A_105 = tpu.memref_slice %arg5[%dma_start3A_103, %dma_start3A_104] : memref<15x128xi32, #tpu.memory_space<vmem>> -> memref<1x128xi32, #tpu.memory_space<vmem>>
    %dma_start3A_106 = tpu.memref_squeeze %dma_start3A_105 : memref<1x128xi32, #tpu.memory_space<vmem>> -> memref<128xi32, #tpu.memory_space<vmem>>
    %dma_start3A_107 = arith.constant 0 : i32
    %dma_start3A_108 = arith.constant 0 : i32
    %dma_start3A_109 = tpu.memref_slice %arg2[%dma_start3A_107, %dma_start3A_108] : memref<49152x128xf32, #tpu.memory_space<hbm>> -> memref<49152x128xf32, #tpu.memory_space<hbm>>
    tpu.enqueue_indirect_dma source(%dma_start3A_109 : memref<49152x128xf32, #tpu.memory_space<hbm>>) target(%arg6 : memref<128x128xf32, #tpu.memory_space<vmem>>) offsets(%dma_start3A_106 : memref<128xi32, #tpu.memory_space<vmem>>) semaphore(%arg7 : memref<!tpu.dma_semaphore, #tpu.memory_space<semaphore_mem>>)
    %dma_wait3A_110 = arith.constant 7 : i32
    %dma_wait3A_111 = arith.constant 0 : i32
    %dma_wait3A_112 = tpu.memref_slice %arg5[%dma_wait3A_110, %dma_wait3A_111] : memref<15x128xi32, #tpu.memory_space<vmem>> -> memref<1x128xi32, #tpu.memory_space<vmem>>
    %dma_wait3A_113 = tpu.memref_squeeze %dma_wait3A_112 : memref<1x128xi32, #tpu.memory_space<vmem>> -> memref<128xi32, #tpu.memory_space<vmem>>
    %dma_wait3A_114 = arith.constant 0 : i32
    %dma_wait3A_115 = arith.constant 0 : i32
    %dma_wait3A_116 = tpu.memref_slice %arg2[%dma_wait3A_114, %dma_wait3A_115] : memref<49152x128xf32, #tpu.memory_space<hbm>> -> memref<49152x128xf32, #tpu.memory_space<hbm>>
    tpu.wait_indirect_dma semaphore(%arg7 : memref<!tpu.dma_semaphore, #tpu.memory_space<semaphore_mem>>) src(%dma_wait3A_116 : memref<49152x128xf32, #tpu.memory_space<hbm>>) dst(%arg6 : memref<128x128xf32, #tpu.memory_space<vmem>>)
    %run_scoped3A_117 = arith.constant 7 : i32
    "tpu.region"() ({
      %run_scoped3A_223 = tpu.sem_alloc : memref<!tpu.dma_semaphore, #tpu.memory_space<semaphore_mem>>
      %dma_start3A_224 = arith.constant 0 : i32
      %dma_start3A_225 = arith.constant 0 : i32
      %dma_start3A_226 = arith.constant 0 : i32
      %dma_start3A_227 = tpu.memref_slice %arg4[%add3A, %dma_start3A_224, %dma_start3A_225, %dma_start3A_226] : memref<32x15x128x128xf32, #tpu.memory_space<hbm>> -> memref<1x15x128x128xf32, #tpu.memory_space<hbm>>
      %dma_start3A_228 = tpu.memref_squeeze %dma_start3A_227 : memref<1x15x128x128xf32, #tpu.memory_space<hbm>> -> memref<15x128x128xf32, #tpu.memory_space<hbm>>
      %dma_start3A_229 = arith.constant 0 : i32
      %dma_start3A_230 = arith.constant 0 : i32
      %dma_start3A_231 = tpu.memref_slice %dma_start3A_228[%run_scoped3A_117, %dma_start3A_229, %dma_start3A_230] : memref<15x128x128xf32, #tpu.memory_space<hbm>> -> memref<1x128x128xf32, #tpu.memory_space<hbm>>
      %dma_start3A_232 = tpu.memref_squeeze %dma_start3A_231 : memref<1x128x128xf32, #tpu.memory_space<hbm>> -> memref<128x128xf32, #tpu.memory_space<hbm>>
      %dma_start3A_233 = arith.constant 0 : i32
      %dma_start3A_234 = arith.constant 0 : i32
      %dma_start3A_235 = arith.constant 0 : i32
      %dma_start3A_236 = tpu.memref_slice %arg4[%add3A, %dma_start3A_233, %dma_start3A_234, %dma_start3A_235] : memref<32x15x128x128xf32, #tpu.memory_space<hbm>> -> memref<1x15x128x128xf32, #tpu.memory_space<hbm>>
      %dma_start3A_237 = tpu.memref_squeeze %dma_start3A_236 : memref<1x15x128x128xf32, #tpu.memory_space<hbm>> -> memref<15x128x128xf32, #tpu.memory_space<hbm>>
      %dma_start3A_238 = arith.constant 0 : i32
      %dma_start3A_239 = arith.constant 0 : i32
      %dma_start3A_240 = tpu.memref_slice %dma_start3A_237[%run_scoped3A_117, %dma_start3A_238, %dma_start3A_239] : memref<15x128x128xf32, #tpu.memory_space<hbm>> -> memref<1x128x128xf32, #tpu.memory_space<hbm>>
      %dma_start3A_241 = tpu.memref_squeeze %dma_start3A_240 : memref<1x128x128xf32, #tpu.memory_space<hbm>> -> memref<128x128xf32, #tpu.memory_space<hbm>>
      tpu.enqueue_dma source(%arg6 : memref<128x128xf32, #tpu.memory_space<vmem>>) target(%dma_start3A_241 : memref<128x128xf32, #tpu.memory_space<hbm>>) target_semaphore(%run_scoped3A_223 : memref<!tpu.dma_semaphore, #tpu.memory_space<semaphore_mem>>)
      %dma_wait3A_242 = arith.constant 0 : i32
      %dma_wait3A_243 = arith.constant 0 : i32
      %dma_wait3A_244 = arith.constant 0 : i32
      %dma_wait3A_245 = tpu.memref_slice %arg4[%add3A, %dma_wait3A_242, %dma_wait3A_243, %dma_wait3A_244] : memref<32x15x128x128xf32, #tpu.memory_space<hbm>> -> memref<1x15x128x128xf32, #tpu.memory_space<hbm>>
      %dma_wait3A_246 = tpu.memref_squeeze %dma_wait3A_245 : memref<1x15x128x128xf32, #tpu.memory_space<hbm>> -> memref<15x128x128xf32, #tpu.memory_space<hbm>>
      %dma_wait3A_247 = arith.constant 0 : i32
      %dma_wait3A_248 = arith.constant 0 : i32
      %dma_wait3A_249 = tpu.memref_slice %dma_wait3A_246[%run_scoped3A_117, %dma_wait3A_247, %dma_wait3A_248] : memref<15x128x128xf32, #tpu.memory_space<hbm>> -> memref<1x128x128xf32, #tpu.memory_space<hbm>>
      %dma_wait3A_250 = tpu.memref_squeeze %dma_wait3A_249 : memref<1x128x128xf32, #tpu.memory_space<hbm>> -> memref<128x128xf32, #tpu.memory_space<hbm>>
      %dma_wait3A_251 = arith.constant 0 : i32
      %dma_wait3A_252 = arith.constant 0 : i32
      %dma_wait3A_253 = arith.constant 0 : i32
      %dma_wait3A_254 = tpu.memref_slice %arg4[%add3A, %dma_wait3A_251, %dma_wait3A_252, %dma_wait3A_253] : memref<32x15x128x128xf32, #tpu.memory_space<hbm>> -> memref<1x15x128x128xf32, #tpu.memory_space<hbm>>
      %dma_wait3A_255 = tpu.memref_squeeze %dma_wait3A_254 : memref<1x15x128x128xf32, #tpu.memory_space<hbm>> -> memref<15x128x128xf32, #tpu.memory_space<hbm>>
      %dma_wait3A_256 = arith.constant 0 : i32
      %dma_wait3A_257 = arith.constant 0 : i32
      %dma_wait3A_258 = tpu.memref_slice %dma_wait3A_255[%run_scoped3A_117, %dma_wait3A_256, %dma_wait3A_257] : memref<15x128x128xf32, #tpu.memory_space<hbm>> -> memref<1x128x128xf32, #tpu.memory_space<hbm>>
      %dma_wait3A_259 = tpu.memref_squeeze %dma_wait3A_258 : memref<1x128x128xf32, #tpu.memory_space<hbm>> -> memref<128x128xf32, #tpu.memory_space<hbm>>
      tpu.wait_dma2 semaphore(%run_scoped3A_223 : memref<!tpu.dma_semaphore, #tpu.memory_space<semaphore_mem>>) src(%arg6 : memref<128x128xf32, #tpu.memory_space<vmem>>) dst(%dma_wait3A_259 : memref<128x128xf32, #tpu.memory_space<hbm>>)
      tpu.yield
    }) : () -> ()
    %dma_start3A_118 = arith.constant 8 : i32
    %dma_start3A_119 = arith.constant 0 : i32
    %dma_start3A_120 = tpu.memref_slice %arg5[%dma_start3A_118, %dma_start3A_119] : memref<15x128xi32, #tpu.memory_space<vmem>> -> memref<1x128xi32, #tpu.memory_space<vmem>>
    %dma_start3A_121 = tpu.memref_squeeze %dma_start3A_120 : memref<1x128xi32, #tpu.memory_space<vmem>> -> memref<128xi32, #tpu.memory_space<vmem>>
    %dma_start3A_122 = arith.constant 0 : i32
    %dma_start3A_123 = arith.constant 0 : i32
    %dma_start3A_124 = tpu.memref_slice %arg2[%dma_start3A_122, %dma_start3A_123] : memref<49152x128xf32, #tpu.memory_space<hbm>> -> memref<49152x128xf32, #tpu.memory_space<hbm>>
    tpu.enqueue_indirect_dma source(%dma_start3A_124 : memref<49152x128xf32, #tpu.memory_space<hbm>>) target(%arg6 : memref<128x128xf32, #tpu.memory_space<vmem>>) offsets(%dma_start3A_121 : memref<128xi32, #tpu.memory_space<vmem>>) semaphore(%arg7 : memref<!tpu.dma_semaphore, #tpu.memory_space<semaphore_mem>>)
    %dma_wait3A_125 = arith.constant 8 : i32
    %dma_wait3A_126 = arith.constant 0 : i32
    %dma_wait3A_127 = tpu.memref_slice %arg5[%dma_wait3A_125, %dma_wait3A_126] : memref<15x128xi32, #tpu.memory_space<vmem>> -> memref<1x128xi32, #tpu.memory_space<vmem>>
    %dma_wait3A_128 = tpu.memref_squeeze %dma_wait3A_127 : memref<1x128xi32, #tpu.memory_space<vmem>> -> memref<128xi32, #tpu.memory_space<vmem>>
    %dma_wait3A_129 = arith.constant 0 : i32
    %dma_wait3A_130 = arith.constant 0 : i32
    %dma_wait3A_131 = tpu.memref_slice %arg2[%dma_wait3A_129, %dma_wait3A_130] : memref<49152x128xf32, #tpu.memory_space<hbm>> -> memref<49152x128xf32, #tpu.memory_space<hbm>>
    tpu.wait_indirect_dma semaphore(%arg7 : memref<!tpu.dma_semaphore, #tpu.memory_space<semaphore_mem>>) src(%dma_wait3A_131 : memref<49152x128xf32, #tpu.memory_space<hbm>>) dst(%arg6 : memref<128x128xf32, #tpu.memory_space<vmem>>)
    %run_scoped3A_132 = arith.constant 8 : i32
    "tpu.region"() ({
      %run_scoped3A_223 = tpu.sem_alloc : memref<!tpu.dma_semaphore, #tpu.memory_space<semaphore_mem>>
      %dma_start3A_224 = arith.constant 0 : i32
      %dma_start3A_225 = arith.constant 0 : i32
      %dma_start3A_226 = arith.constant 0 : i32
      %dma_start3A_227 = tpu.memref_slice %arg4[%add3A, %dma_start3A_224, %dma_start3A_225, %dma_start3A_226] : memref<32x15x128x128xf32, #tpu.memory_space<hbm>> -> memref<1x15x128x128xf32, #tpu.memory_space<hbm>>
      %dma_start3A_228 = tpu.memref_squeeze %dma_start3A_227 : memref<1x15x128x128xf32, #tpu.memory_space<hbm>> -> memref<15x128x128xf32, #tpu.memory_space<hbm>>
      %dma_start3A_229 = arith.constant 0 : i32
      %dma_start3A_230 = arith.constant 0 : i32
      %dma_start3A_231 = tpu.memref_slice %dma_start3A_228[%run_scoped3A_132, %dma_start3A_229, %dma_start3A_230] : memref<15x128x128xf32, #tpu.memory_space<hbm>> -> memref<1x128x128xf32, #tpu.memory_space<hbm>>
      %dma_start3A_232 = tpu.memref_squeeze %dma_start3A_231 : memref<1x128x128xf32, #tpu.memory_space<hbm>> -> memref<128x128xf32, #tpu.memory_space<hbm>>
      %dma_start3A_233 = arith.constant 0 : i32
      %dma_start3A_234 = arith.constant 0 : i32
      %dma_start3A_235 = arith.constant 0 : i32
      %dma_start3A_236 = tpu.memref_slice %arg4[%add3A, %dma_start3A_233, %dma_start3A_234, %dma_start3A_235] : memref<32x15x128x128xf32, #tpu.memory_space<hbm>> -> memref<1x15x128x128xf32, #tpu.memory_space<hbm>>
      %dma_start3A_237 = tpu.memref_squeeze %dma_start3A_236 : memref<1x15x128x128xf32, #tpu.memory_space<hbm>> -> memref<15x128x128xf32, #tpu.memory_space<hbm>>
      %dma_start3A_238 = arith.constant 0 : i32
      %dma_start3A_239 = arith.constant 0 : i32
      %dma_start3A_240 = tpu.memref_slice %dma_start3A_237[%run_scoped3A_132, %dma_start3A_238, %dma_start3A_239] : memref<15x128x128xf32, #tpu.memory_space<hbm>> -> memref<1x128x128xf32, #tpu.memory_space<hbm>>
      %dma_start3A_241 = tpu.memref_squeeze %dma_start3A_240 : memref<1x128x128xf32, #tpu.memory_space<hbm>> -> memref<128x128xf32, #tpu.memory_space<hbm>>
      tpu.enqueue_dma source(%arg6 : memref<128x128xf32, #tpu.memory_space<vmem>>) target(%dma_start3A_241 : memref<128x128xf32, #tpu.memory_space<hbm>>) target_semaphore(%run_scoped3A_223 : memref<!tpu.dma_semaphore, #tpu.memory_space<semaphore_mem>>)
      %dma_wait3A_242 = arith.constant 0 : i32
      %dma_wait3A_243 = arith.constant 0 : i32
      %dma_wait3A_244 = arith.constant 0 : i32
      %dma_wait3A_245 = tpu.memref_slice %arg4[%add3A, %dma_wait3A_242, %dma_wait3A_243, %dma_wait3A_244] : memref<32x15x128x128xf32, #tpu.memory_space<hbm>> -> memref<1x15x128x128xf32, #tpu.memory_space<hbm>>
      %dma_wait3A_246 = tpu.memref_squeeze %dma_wait3A_245 : memref<1x15x128x128xf32, #tpu.memory_space<hbm>> -> memref<15x128x128xf32, #tpu.memory_space<hbm>>
      %dma_wait3A_247 = arith.constant 0 : i32
      %dma_wait3A_248 = arith.constant 0 : i32
      %dma_wait3A_249 = tpu.memref_slice %dma_wait3A_246[%run_scoped3A_132, %dma_wait3A_247, %dma_wait3A_248] : memref<15x128x128xf32, #tpu.memory_space<hbm>> -> memref<1x128x128xf32, #tpu.memory_space<hbm>>
      %dma_wait3A_250 = tpu.memref_squeeze %dma_wait3A_249 : memref<1x128x128xf32, #tpu.memory_space<hbm>> -> memref<128x128xf32, #tpu.memory_space<hbm>>
      %dma_wait3A_251 = arith.constant 0 : i32
      %dma_wait3A_252 = arith.constant 0 : i32
      %dma_wait3A_253 = arith.constant 0 : i32
      %dma_wait3A_254 = tpu.memref_slice %arg4[%add3A, %dma_wait3A_251, %dma_wait3A_252, %dma_wait3A_253] : memref<32x15x128x128xf32, #tpu.memory_space<hbm>> -> memref<1x15x128x128xf32, #tpu.memory_space<hbm>>
      %dma_wait3A_255 = tpu.memref_squeeze %dma_wait3A_254 : memref<1x15x128x128xf32, #tpu.memory_space<hbm>> -> memref<15x128x128xf32, #tpu.memory_space<hbm>>
      %dma_wait3A_256 = arith.constant 0 : i32
      %dma_wait3A_257 = arith.constant 0 : i32
      %dma_wait3A_258 = tpu.memref_slice %dma_wait3A_255[%run_scoped3A_132, %dma_wait3A_256, %dma_wait3A_257] : memref<15x128x128xf32, #tpu.memory_space<hbm>> -> memref<1x128x128xf32, #tpu.memory_space<hbm>>
      %dma_wait3A_259 = tpu.memref_squeeze %dma_wait3A_258 : memref<1x128x128xf32, #tpu.memory_space<hbm>> -> memref<128x128xf32, #tpu.memory_space<hbm>>
      tpu.wait_dma2 semaphore(%run_scoped3A_223 : memref<!tpu.dma_semaphore, #tpu.memory_space<semaphore_mem>>) src(%arg6 : memref<128x128xf32, #tpu.memory_space<vmem>>) dst(%dma_wait3A_259 : memref<128x128xf32, #tpu.memory_space<hbm>>)
      tpu.yield
    }) : () -> ()
    %dma_start3A_133 = arith.constant 9 : i32
    %dma_start3A_134 = arith.constant 0 : i32
    %dma_start3A_135 = tpu.memref_slice %arg5[%dma_start3A_133, %dma_start3A_134] : memref<15x128xi32, #tpu.memory_space<vmem>> -> memref<1x128xi32, #tpu.memory_space<vmem>>
    %dma_start3A_136 = tpu.memref_squeeze %dma_start3A_135 : memref<1x128xi32, #tpu.memory_space<vmem>> -> memref<128xi32, #tpu.memory_space<vmem>>
    %dma_start3A_137 = arith.constant 0 : i32
    %dma_start3A_138 = arith.constant 0 : i32
    %dma_start3A_139 = tpu.memref_slice %arg2[%dma_start3A_137, %dma_start3A_138] : memref<49152x128xf32, #tpu.memory_space<hbm>> -> memref<49152x128xf32, #tpu.memory_space<hbm>>
    tpu.enqueue_indirect_dma source(%dma_start3A_139 : memref<49152x128xf32, #tpu.memory_space<hbm>>) target(%arg6 : memref<128x128xf32, #tpu.memory_space<vmem>>) offsets(%dma_start3A_136 : memref<128xi32, #tpu.memory_space<vmem>>) semaphore(%arg7 : memref<!tpu.dma_semaphore, #tpu.memory_space<semaphore_mem>>)
    %dma_wait3A_140 = arith.constant 9 : i32
    %dma_wait3A_141 = arith.constant 0 : i32
    %dma_wait3A_142 = tpu.memref_slice %arg5[%dma_wait3A_140, %dma_wait3A_141] : memref<15x128xi32, #tpu.memory_space<vmem>> -> memref<1x128xi32, #tpu.memory_space<vmem>>
    %dma_wait3A_143 = tpu.memref_squeeze %dma_wait3A_142 : memref<1x128xi32, #tpu.memory_space<vmem>> -> memref<128xi32, #tpu.memory_space<vmem>>
    %dma_wait3A_144 = arith.constant 0 : i32
    %dma_wait3A_145 = arith.constant 0 : i32
    %dma_wait3A_146 = tpu.memref_slice %arg2[%dma_wait3A_144, %dma_wait3A_145] : memref<49152x128xf32, #tpu.memory_space<hbm>> -> memref<49152x128xf32, #tpu.memory_space<hbm>>
    tpu.wait_indirect_dma semaphore(%arg7 : memref<!tpu.dma_semaphore, #tpu.memory_space<semaphore_mem>>) src(%dma_wait3A_146 : memref<49152x128xf32, #tpu.memory_space<hbm>>) dst(%arg6 : memref<128x128xf32, #tpu.memory_space<vmem>>)
    %run_scoped3A_147 = arith.constant 9 : i32
    "tpu.region"() ({
      %run_scoped3A_223 = tpu.sem_alloc : memref<!tpu.dma_semaphore, #tpu.memory_space<semaphore_mem>>
      %dma_start3A_224 = arith.constant 0 : i32
      %dma_start3A_225 = arith.constant 0 : i32
      %dma_start3A_226 = arith.constant 0 : i32
      %dma_start3A_227 = tpu.memref_slice %arg4[%add3A, %dma_start3A_224, %dma_start3A_225, %dma_start3A_226] : memref<32x15x128x128xf32, #tpu.memory_space<hbm>> -> memref<1x15x128x128xf32, #tpu.memory_space<hbm>>
      %dma_start3A_228 = tpu.memref_squeeze %dma_start3A_227 : memref<1x15x128x128xf32, #tpu.memory_space<hbm>> -> memref<15x128x128xf32, #tpu.memory_space<hbm>>
      %dma_start3A_229 = arith.constant 0 : i32
      %dma_start3A_230 = arith.constant 0 : i32
      %dma_start3A_231 = tpu.memref_slice %dma_start3A_228[%run_scoped3A_147, %dma_start3A_229, %dma_start3A_230] : memref<15x128x128xf32, #tpu.memory_space<hbm>> -> memref<1x128x128xf32, #tpu.memory_space<hbm>>
      %dma_start3A_232 = tpu.memref_squeeze %dma_start3A_231 : memref<1x128x128xf32, #tpu.memory_space<hbm>> -> memref<128x128xf32, #tpu.memory_space<hbm>>
      %dma_start3A_233 = arith.constant 0 : i32
      %dma_start3A_234 = arith.constant 0 : i32
      %dma_start3A_235 = arith.constant 0 : i32
      %dma_start3A_236 = tpu.memref_slice %arg4[%add3A, %dma_start3A_233, %dma_start3A_234, %dma_start3A_235] : memref<32x15x128x128xf32, #tpu.memory_space<hbm>> -> memref<1x15x128x128xf32, #tpu.memory_space<hbm>>
      %dma_start3A_237 = tpu.memref_squeeze %dma_start3A_236 : memref<1x15x128x128xf32, #tpu.memory_space<hbm>> -> memref<15x128x128xf32, #tpu.memory_space<hbm>>
      %dma_start3A_238 = arith.constant 0 : i32
      %dma_start3A_239 = arith.constant 0 : i32
      %dma_start3A_240 = tpu.memref_slice %dma_start3A_237[%run_scoped3A_147, %dma_start3A_238, %dma_start3A_239] : memref<15x128x128xf32, #tpu.memory_space<hbm>> -> memref<1x128x128xf32, #tpu.memory_space<hbm>>
      %dma_start3A_241 = tpu.memref_squeeze %dma_start3A_240 : memref<1x128x128xf32, #tpu.memory_space<hbm>> -> memref<128x128xf32, #tpu.memory_space<hbm>>
      tpu.enqueue_dma source(%arg6 : memref<128x128xf32, #tpu.memory_space<vmem>>) target(%dma_start3A_241 : memref<128x128xf32, #tpu.memory_space<hbm>>) target_semaphore(%run_scoped3A_223 : memref<!tpu.dma_semaphore, #tpu.memory_space<semaphore_mem>>)
      %dma_wait3A_242 = arith.constant 0 : i32
      %dma_wait3A_243 = arith.constant 0 : i32
      %dma_wait3A_244 = arith.constant 0 : i32
      %dma_wait3A_245 = tpu.memref_slice %arg4[%add3A, %dma_wait3A_242, %dma_wait3A_243, %dma_wait3A_244] : memref<32x15x128x128xf32, #tpu.memory_space<hbm>> -> memref<1x15x128x128xf32, #tpu.memory_space<hbm>>
      %dma_wait3A_246 = tpu.memref_squeeze %dma_wait3A_245 : memref<1x15x128x128xf32, #tpu.memory_space<hbm>> -> memref<15x128x128xf32, #tpu.memory_space<hbm>>
      %dma_wait3A_247 = arith.constant 0 : i32
      %dma_wait3A_248 = arith.constant 0 : i32
      %dma_wait3A_249 = tpu.memref_slice %dma_wait3A_246[%run_scoped3A_147, %dma_wait3A_247, %dma_wait3A_248] : memref<15x128x128xf32, #tpu.memory_space<hbm>> -> memref<1x128x128xf32, #tpu.memory_space<hbm>>
      %dma_wait3A_250 = tpu.memref_squeeze %dma_wait3A_249 : memref<1x128x128xf32, #tpu.memory_space<hbm>> -> memref<128x128xf32, #tpu.memory_space<hbm>>
      %dma_wait3A_251 = arith.constant 0 : i32
      %dma_wait3A_252 = arith.constant 0 : i32
      %dma_wait3A_253 = arith.constant 0 : i32
      %dma_wait3A_254 = tpu.memref_slice %arg4[%add3A, %dma_wait3A_251, %dma_wait3A_252, %dma_wait3A_253] : memref<32x15x128x128xf32, #tpu.memory_space<hbm>> -> memref<1x15x128x128xf32, #tpu.memory_space<hbm>>
      %dma_wait3A_255 = tpu.memref_squeeze %dma_wait3A_254 : memref<1x15x128x128xf32, #tpu.memory_space<hbm>> -> memref<15x128x128xf32, #tpu.memory_space<hbm>>
      %dma_wait3A_256 = arith.constant 0 : i32
      %dma_wait3A_257 = arith.constant 0 : i32
      %dma_wait3A_258 = tpu.memref_slice %dma_wait3A_255[%run_scoped3A_147, %dma_wait3A_256, %dma_wait3A_257] : memref<15x128x128xf32, #tpu.memory_space<hbm>> -> memref<1x128x128xf32, #tpu.memory_space<hbm>>
      %dma_wait3A_259 = tpu.memref_squeeze %dma_wait3A_258 : memref<1x128x128xf32, #tpu.memory_space<hbm>> -> memref<128x128xf32, #tpu.memory_space<hbm>>
      tpu.wait_dma2 semaphore(%run_scoped3A_223 : memref<!tpu.dma_semaphore, #tpu.memory_space<semaphore_mem>>) src(%arg6 : memref<128x128xf32, #tpu.memory_space<vmem>>) dst(%dma_wait3A_259 : memref<128x128xf32, #tpu.memory_space<hbm>>)
      tpu.yield
    }) : () -> ()
    %dma_start3A_148 = arith.constant 10 : i32
    %dma_start3A_149 = arith.constant 0 : i32
    %dma_start3A_150 = tpu.memref_slice %arg5[%dma_start3A_148, %dma_start3A_149] : memref<15x128xi32, #tpu.memory_space<vmem>> -> memref<1x128xi32, #tpu.memory_space<vmem>>
    %dma_start3A_151 = tpu.memref_squeeze %dma_start3A_150 : memref<1x128xi32, #tpu.memory_space<vmem>> -> memref<128xi32, #tpu.memory_space<vmem>>
    %dma_start3A_152 = arith.constant 0 : i32
    %dma_start3A_153 = arith.constant 0 : i32
    %dma_start3A_154 = tpu.memref_slice %arg2[%dma_start3A_152, %dma_start3A_153] : memref<49152x128xf32, #tpu.memory_space<hbm>> -> memref<49152x128xf32, #tpu.memory_space<hbm>>
    tpu.enqueue_indirect_dma source(%dma_start3A_154 : memref<49152x128xf32, #tpu.memory_space<hbm>>) target(%arg6 : memref<128x128xf32, #tpu.memory_space<vmem>>) offsets(%dma_start3A_151 : memref<128xi32, #tpu.memory_space<vmem>>) semaphore(%arg7 : memref<!tpu.dma_semaphore, #tpu.memory_space<semaphore_mem>>)
    %dma_wait3A_155 = arith.constant 10 : i32
    %dma_wait3A_156 = arith.constant 0 : i32
    %dma_wait3A_157 = tpu.memref_slice %arg5[%dma_wait3A_155, %dma_wait3A_156] : memref<15x128xi32, #tpu.memory_space<vmem>> -> memref<1x128xi32, #tpu.memory_space<vmem>>
    %dma_wait3A_158 = tpu.memref_squeeze %dma_wait3A_157 : memref<1x128xi32, #tpu.memory_space<vmem>> -> memref<128xi32, #tpu.memory_space<vmem>>
    %dma_wait3A_159 = arith.constant 0 : i32
    %dma_wait3A_160 = arith.constant 0 : i32
    %dma_wait3A_161 = tpu.memref_slice %arg2[%dma_wait3A_159, %dma_wait3A_160] : memref<49152x128xf32, #tpu.memory_space<hbm>> -> memref<49152x128xf32, #tpu.memory_space<hbm>>
    tpu.wait_indirect_dma semaphore(%arg7 : memref<!tpu.dma_semaphore, #tpu.memory_space<semaphore_mem>>) src(%dma_wait3A_161 : memref<49152x128xf32, #tpu.memory_space<hbm>>) dst(%arg6 : memref<128x128xf32, #tpu.memory_space<vmem>>)
    %run_scoped3A_162 = arith.constant 10 : i32
    "tpu.region"() ({
      %run_scoped3A_223 = tpu.sem_alloc : memref<!tpu.dma_semaphore, #tpu.memory_space<semaphore_mem>>
      %dma_start3A_224 = arith.constant 0 : i32
      %dma_start3A_225 = arith.constant 0 : i32
      %dma_start3A_226 = arith.constant 0 : i32
      %dma_start3A_227 = tpu.memref_slice %arg4[%add3A, %dma_start3A_224, %dma_start3A_225, %dma_start3A_226] : memref<32x15x128x128xf32, #tpu.memory_space<hbm>> -> memref<1x15x128x128xf32, #tpu.memory_space<hbm>>
      %dma_start3A_228 = tpu.memref_squeeze %dma_start3A_227 : memref<1x15x128x128xf32, #tpu.memory_space<hbm>> -> memref<15x128x128xf32, #tpu.memory_space<hbm>>
      %dma_start3A_229 = arith.constant 0 : i32
      %dma_start3A_230 = arith.constant 0 : i32
      %dma_start3A_231 = tpu.memref_slice %dma_start3A_228[%run_scoped3A_162, %dma_start3A_229, %dma_start3A_230] : memref<15x128x128xf32, #tpu.memory_space<hbm>> -> memref<1x128x128xf32, #tpu.memory_space<hbm>>
      %dma_start3A_232 = tpu.memref_squeeze %dma_start3A_231 : memref<1x128x128xf32, #tpu.memory_space<hbm>> -> memref<128x128xf32, #tpu.memory_space<hbm>>
      %dma_start3A_233 = arith.constant 0 : i32
      %dma_start3A_234 = arith.constant 0 : i32
      %dma_start3A_235 = arith.constant 0 : i32
      %dma_start3A_236 = tpu.memref_slice %arg4[%add3A, %dma_start3A_233, %dma_start3A_234, %dma_start3A_235] : memref<32x15x128x128xf32, #tpu.memory_space<hbm>> -> memref<1x15x128x128xf32, #tpu.memory_space<hbm>>
      %dma_start3A_237 = tpu.memref_squeeze %dma_start3A_236 : memref<1x15x128x128xf32, #tpu.memory_space<hbm>> -> memref<15x128x128xf32, #tpu.memory_space<hbm>>
      %dma_start3A_238 = arith.constant 0 : i32
      %dma_start3A_239 = arith.constant 0 : i32
      %dma_start3A_240 = tpu.memref_slice %dma_start3A_237[%run_scoped3A_162, %dma_start3A_238, %dma_start3A_239] : memref<15x128x128xf32, #tpu.memory_space<hbm>> -> memref<1x128x128xf32, #tpu.memory_space<hbm>>
      %dma_start3A_241 = tpu.memref_squeeze %dma_start3A_240 : memref<1x128x128xf32, #tpu.memory_space<hbm>> -> memref<128x128xf32, #tpu.memory_space<hbm>>
      tpu.enqueue_dma source(%arg6 : memref<128x128xf32, #tpu.memory_space<vmem>>) target(%dma_start3A_241 : memref<128x128xf32, #tpu.memory_space<hbm>>) target_semaphore(%run_scoped3A_223 : memref<!tpu.dma_semaphore, #tpu.memory_space<semaphore_mem>>)
      %dma_wait3A_242 = arith.constant 0 : i32
      %dma_wait3A_243 = arith.constant 0 : i32
      %dma_wait3A_244 = arith.constant 0 : i32
      %dma_wait3A_245 = tpu.memref_slice %arg4[%add3A, %dma_wait3A_242, %dma_wait3A_243, %dma_wait3A_244] : memref<32x15x128x128xf32, #tpu.memory_space<hbm>> -> memref<1x15x128x128xf32, #tpu.memory_space<hbm>>
      %dma_wait3A_246 = tpu.memref_squeeze %dma_wait3A_245 : memref<1x15x128x128xf32, #tpu.memory_space<hbm>> -> memref<15x128x128xf32, #tpu.memory_space<hbm>>
      %dma_wait3A_247 = arith.constant 0 : i32
      %dma_wait3A_248 = arith.constant 0 : i32
      %dma_wait3A_249 = tpu.memref_slice %dma_wait3A_246[%run_scoped3A_162, %dma_wait3A_247, %dma_wait3A_248] : memref<15x128x128xf32, #tpu.memory_space<hbm>> -> memref<1x128x128xf32, #tpu.memory_space<hbm>>
      %dma_wait3A_250 = tpu.memref_squeeze %dma_wait3A_249 : memref<1x128x128xf32, #tpu.memory_space<hbm>> -> memref<128x128xf32, #tpu.memory_space<hbm>>
      %dma_wait3A_251 = arith.constant 0 : i32
      %dma_wait3A_252 = arith.constant 0 : i32
      %dma_wait3A_253 = arith.constant 0 : i32
      %dma_wait3A_254 = tpu.memref_slice %arg4[%add3A, %dma_wait3A_251, %dma_wait3A_252, %dma_wait3A_253] : memref<32x15x128x128xf32, #tpu.memory_space<hbm>> -> memref<1x15x128x128xf32, #tpu.memory_space<hbm>>
      %dma_wait3A_255 = tpu.memref_squeeze %dma_wait3A_254 : memref<1x15x128x128xf32, #tpu.memory_space<hbm>> -> memref<15x128x128xf32, #tpu.memory_space<hbm>>
      %dma_wait3A_256 = arith.constant 0 : i32
      %dma_wait3A_257 = arith.constant 0 : i32
      %dma_wait3A_258 = tpu.memref_slice %dma_wait3A_255[%run_scoped3A_162, %dma_wait3A_256, %dma_wait3A_257] : memref<15x128x128xf32, #tpu.memory_space<hbm>> -> memref<1x128x128xf32, #tpu.memory_space<hbm>>
      %dma_wait3A_259 = tpu.memref_squeeze %dma_wait3A_258 : memref<1x128x128xf32, #tpu.memory_space<hbm>> -> memref<128x128xf32, #tpu.memory_space<hbm>>
      tpu.wait_dma2 semaphore(%run_scoped3A_223 : memref<!tpu.dma_semaphore, #tpu.memory_space<semaphore_mem>>) src(%arg6 : memref<128x128xf32, #tpu.memory_space<vmem>>) dst(%dma_wait3A_259 : memref<128x128xf32, #tpu.memory_space<hbm>>)
      tpu.yield
    }) : () -> ()
    %dma_start3A_163 = arith.constant 11 : i32
    %dma_start3A_164 = arith.constant 0 : i32
    %dma_start3A_165 = tpu.memref_slice %arg5[%dma_start3A_163, %dma_start3A_164] : memref<15x128xi32, #tpu.memory_space<vmem>> -> memref<1x128xi32, #tpu.memory_space<vmem>>
    %dma_start3A_166 = tpu.memref_squeeze %dma_start3A_165 : memref<1x128xi32, #tpu.memory_space<vmem>> -> memref<128xi32, #tpu.memory_space<vmem>>
    %dma_start3A_167 = arith.constant 0 : i32
    %dma_start3A_168 = arith.constant 0 : i32
    %dma_start3A_169 = tpu.memref_slice %arg2[%dma_start3A_167, %dma_start3A_168] : memref<49152x128xf32, #tpu.memory_space<hbm>> -> memref<49152x128xf32, #tpu.memory_space<hbm>>
    tpu.enqueue_indirect_dma source(%dma_start3A_169 : memref<49152x128xf32, #tpu.memory_space<hbm>>) target(%arg6 : memref<128x128xf32, #tpu.memory_space<vmem>>) offsets(%dma_start3A_166 : memref<128xi32, #tpu.memory_space<vmem>>) semaphore(%arg7 : memref<!tpu.dma_semaphore, #tpu.memory_space<semaphore_mem>>)
    %dma_wait3A_170 = arith.constant 11 : i32
    %dma_wait3A_171 = arith.constant 0 : i32
    %dma_wait3A_172 = tpu.memref_slice %arg5[%dma_wait3A_170, %dma_wait3A_171] : memref<15x128xi32, #tpu.memory_space<vmem>> -> memref<1x128xi32, #tpu.memory_space<vmem>>
    %dma_wait3A_173 = tpu.memref_squeeze %dma_wait3A_172 : memref<1x128xi32, #tpu.memory_space<vmem>> -> memref<128xi32, #tpu.memory_space<vmem>>
    %dma_wait3A_174 = arith.constant 0 : i32
    %dma_wait3A_175 = arith.constant 0 : i32
    %dma_wait3A_176 = tpu.memref_slice %arg2[%dma_wait3A_174, %dma_wait3A_175] : memref<49152x128xf32, #tpu.memory_space<hbm>> -> memref<49152x128xf32, #tpu.memory_space<hbm>>
    tpu.wait_indirect_dma semaphore(%arg7 : memref<!tpu.dma_semaphore, #tpu.memory_space<semaphore_mem>>) src(%dma_wait3A_176 : memref<49152x128xf32, #tpu.memory_space<hbm>>) dst(%arg6 : memref<128x128xf32, #tpu.memory_space<vmem>>)
    %run_scoped3A_177 = arith.constant 11 : i32
    "tpu.region"() ({
      %run_scoped3A_223 = tpu.sem_alloc : memref<!tpu.dma_semaphore, #tpu.memory_space<semaphore_mem>>
      %dma_start3A_224 = arith.constant 0 : i32
      %dma_start3A_225 = arith.constant 0 : i32
      %dma_start3A_226 = arith.constant 0 : i32
      %dma_start3A_227 = tpu.memref_slice %arg4[%add3A, %dma_start3A_224, %dma_start3A_225, %dma_start3A_226] : memref<32x15x128x128xf32, #tpu.memory_space<hbm>> -> memref<1x15x128x128xf32, #tpu.memory_space<hbm>>
      %dma_start3A_228 = tpu.memref_squeeze %dma_start3A_227 : memref<1x15x128x128xf32, #tpu.memory_space<hbm>> -> memref<15x128x128xf32, #tpu.memory_space<hbm>>
      %dma_start3A_229 = arith.constant 0 : i32
      %dma_start3A_230 = arith.constant 0 : i32
      %dma_start3A_231 = tpu.memref_slice %dma_start3A_228[%run_scoped3A_177, %dma_start3A_229, %dma_start3A_230] : memref<15x128x128xf32, #tpu.memory_space<hbm>> -> memref<1x128x128xf32, #tpu.memory_space<hbm>>
      %dma_start3A_232 = tpu.memref_squeeze %dma_start3A_231 : memref<1x128x128xf32, #tpu.memory_space<hbm>> -> memref<128x128xf32, #tpu.memory_space<hbm>>
      %dma_start3A_233 = arith.constant 0 : i32
      %dma_start3A_234 = arith.constant 0 : i32
      %dma_start3A_235 = arith.constant 0 : i32
      %dma_start3A_236 = tpu.memref_slice %arg4[%add3A, %dma_start3A_233, %dma_start3A_234, %dma_start3A_235] : memref<32x15x128x128xf32, #tpu.memory_space<hbm>> -> memref<1x15x128x128xf32, #tpu.memory_space<hbm>>
      %dma_start3A_237 = tpu.memref_squeeze %dma_start3A_236 : memref<1x15x128x128xf32, #tpu.memory_space<hbm>> -> memref<15x128x128xf32, #tpu.memory_space<hbm>>
      %dma_start3A_238 = arith.constant 0 : i32
      %dma_start3A_239 = arith.constant 0 : i32
      %dma_start3A_240 = tpu.memref_slice %dma_start3A_237[%run_scoped3A_177, %dma_start3A_238, %dma_start3A_239] : memref<15x128x128xf32, #tpu.memory_space<hbm>> -> memref<1x128x128xf32, #tpu.memory_space<hbm>>
      %dma_start3A_241 = tpu.memref_squeeze %dma_start3A_240 : memref<1x128x128xf32, #tpu.memory_space<hbm>> -> memref<128x128xf32, #tpu.memory_space<hbm>>
      tpu.enqueue_dma source(%arg6 : memref<128x128xf32, #tpu.memory_space<vmem>>) target(%dma_start3A_241 : memref<128x128xf32, #tpu.memory_space<hbm>>) target_semaphore(%run_scoped3A_223 : memref<!tpu.dma_semaphore, #tpu.memory_space<semaphore_mem>>)
      %dma_wait3A_242 = arith.constant 0 : i32
      %dma_wait3A_243 = arith.constant 0 : i32
      %dma_wait3A_244 = arith.constant 0 : i32
      %dma_wait3A_245 = tpu.memref_slice %arg4[%add3A, %dma_wait3A_242, %dma_wait3A_243, %dma_wait3A_244] : memref<32x15x128x128xf32, #tpu.memory_space<hbm>> -> memref<1x15x128x128xf32, #tpu.memory_space<hbm>>
      %dma_wait3A_246 = tpu.memref_squeeze %dma_wait3A_245 : memref<1x15x128x128xf32, #tpu.memory_space<hbm>> -> memref<15x128x128xf32, #tpu.memory_space<hbm>>
      %dma_wait3A_247 = arith.constant 0 : i32
      %dma_wait3A_248 = arith.constant 0 : i32
      %dma_wait3A_249 = tpu.memref_slice %dma_wait3A_246[%run_scoped3A_177, %dma_wait3A_247, %dma_wait3A_248] : memref<15x128x128xf32, #tpu.memory_space<hbm>> -> memref<1x128x128xf32, #tpu.memory_space<hbm>>
      %dma_wait3A_250 = tpu.memref_squeeze %dma_wait3A_249 : memref<1x128x128xf32, #tpu.memory_space<hbm>> -> memref<128x128xf32, #tpu.memory_space<hbm>>
      %dma_wait3A_251 = arith.constant 0 : i32
      %dma_wait3A_252 = arith.constant 0 : i32
      %dma_wait3A_253 = arith.constant 0 : i32
      %dma_wait3A_254 = tpu.memref_slice %arg4[%add3A, %dma_wait3A_251, %dma_wait3A_252, %dma_wait3A_253] : memref<32x15x128x128xf32, #tpu.memory_space<hbm>> -> memref<1x15x128x128xf32, #tpu.memory_space<hbm>>
      %dma_wait3A_255 = tpu.memref_squeeze %dma_wait3A_254 : memref<1x15x128x128xf32, #tpu.memory_space<hbm>> -> memref<15x128x128xf32, #tpu.memory_space<hbm>>
      %dma_wait3A_256 = arith.constant 0 : i32
      %dma_wait3A_257 = arith.constant 0 : i32
      %dma_wait3A_258 = tpu.memref_slice %dma_wait3A_255[%run_scoped3A_177, %dma_wait3A_256, %dma_wait3A_257] : memref<15x128x128xf32, #tpu.memory_space<hbm>> -> memref<1x128x128xf32, #tpu.memory_space<hbm>>
      %dma_wait3A_259 = tpu.memref_squeeze %dma_wait3A_258 : memref<1x128x128xf32, #tpu.memory_space<hbm>> -> memref<128x128xf32, #tpu.memory_space<hbm>>
      tpu.wait_dma2 semaphore(%run_scoped3A_223 : memref<!tpu.dma_semaphore, #tpu.memory_space<semaphore_mem>>) src(%arg6 : memref<128x128xf32, #tpu.memory_space<vmem>>) dst(%dma_wait3A_259 : memref<128x128xf32, #tpu.memory_space<hbm>>)
      tpu.yield
    }) : () -> ()
    %dma_start3A_178 = arith.constant 12 : i32
    %dma_start3A_179 = arith.constant 0 : i32
    %dma_start3A_180 = tpu.memref_slice %arg5[%dma_start3A_178, %dma_start3A_179] : memref<15x128xi32, #tpu.memory_space<vmem>> -> memref<1x128xi32, #tpu.memory_space<vmem>>
    %dma_start3A_181 = tpu.memref_squeeze %dma_start3A_180 : memref<1x128xi32, #tpu.memory_space<vmem>> -> memref<128xi32, #tpu.memory_space<vmem>>
    %dma_start3A_182 = arith.constant 0 : i32
    %dma_start3A_183 = arith.constant 0 : i32
    %dma_start3A_184 = tpu.memref_slice %arg2[%dma_start3A_182, %dma_start3A_183] : memref<49152x128xf32, #tpu.memory_space<hbm>> -> memref<49152x128xf32, #tpu.memory_space<hbm>>
    tpu.enqueue_indirect_dma source(%dma_start3A_184 : memref<49152x128xf32, #tpu.memory_space<hbm>>) target(%arg6 : memref<128x128xf32, #tpu.memory_space<vmem>>) offsets(%dma_start3A_181 : memref<128xi32, #tpu.memory_space<vmem>>) semaphore(%arg7 : memref<!tpu.dma_semaphore, #tpu.memory_space<semaphore_mem>>)
    %dma_wait3A_185 = arith.constant 12 : i32
    %dma_wait3A_186 = arith.constant 0 : i32
    %dma_wait3A_187 = tpu.memref_slice %arg5[%dma_wait3A_185, %dma_wait3A_186] : memref<15x128xi32, #tpu.memory_space<vmem>> -> memref<1x128xi32, #tpu.memory_space<vmem>>
    %dma_wait3A_188 = tpu.memref_squeeze %dma_wait3A_187 : memref<1x128xi32, #tpu.memory_space<vmem>> -> memref<128xi32, #tpu.memory_space<vmem>>
    %dma_wait3A_189 = arith.constant 0 : i32
    %dma_wait3A_190 = arith.constant 0 : i32
    %dma_wait3A_191 = tpu.memref_slice %arg2[%dma_wait3A_189, %dma_wait3A_190] : memref<49152x128xf32, #tpu.memory_space<hbm>> -> memref<49152x128xf32, #tpu.memory_space<hbm>>
    tpu.wait_indirect_dma semaphore(%arg7 : memref<!tpu.dma_semaphore, #tpu.memory_space<semaphore_mem>>) src(%dma_wait3A_191 : memref<49152x128xf32, #tpu.memory_space<hbm>>) dst(%arg6 : memref<128x128xf32, #tpu.memory_space<vmem>>)
    %run_scoped3A_192 = arith.constant 12 : i32
    "tpu.region"() ({
      %run_scoped3A_223 = tpu.sem_alloc : memref<!tpu.dma_semaphore, #tpu.memory_space<semaphore_mem>>
      %dma_start3A_224 = arith.constant 0 : i32
      %dma_start3A_225 = arith.constant 0 : i32
      %dma_start3A_226 = arith.constant 0 : i32
      %dma_start3A_227 = tpu.memref_slice %arg4[%add3A, %dma_start3A_224, %dma_start3A_225, %dma_start3A_226] : memref<32x15x128x128xf32, #tpu.memory_space<hbm>> -> memref<1x15x128x128xf32, #tpu.memory_space<hbm>>
      %dma_start3A_228 = tpu.memref_squeeze %dma_start3A_227 : memref<1x15x128x128xf32, #tpu.memory_space<hbm>> -> memref<15x128x128xf32, #tpu.memory_space<hbm>>
      %dma_start3A_229 = arith.constant 0 : i32
      %dma_start3A_230 = arith.constant 0 : i32
      %dma_start3A_231 = tpu.memref_slice %dma_start3A_228[%run_scoped3A_192, %dma_start3A_229, %dma_start3A_230] : memref<15x128x128xf32, #tpu.memory_space<hbm>> -> memref<1x128x128xf32, #tpu.memory_space<hbm>>
      %dma_start3A_232 = tpu.memref_squeeze %dma_start3A_231 : memref<1x128x128xf32, #tpu.memory_space<hbm>> -> memref<128x128xf32, #tpu.memory_space<hbm>>
      %dma_start3A_233 = arith.constant 0 : i32
      %dma_start3A_234 = arith.constant 0 : i32
      %dma_start3A_235 = arith.constant 0 : i32
      %dma_start3A_236 = tpu.memref_slice %arg4[%add3A, %dma_start3A_233, %dma_start3A_234, %dma_start3A_235] : memref<32x15x128x128xf32, #tpu.memory_space<hbm>> -> memref<1x15x128x128xf32, #tpu.memory_space<hbm>>
      %dma_start3A_237 = tpu.memref_squeeze %dma_start3A_236 : memref<1x15x128x128xf32, #tpu.memory_space<hbm>> -> memref<15x128x128xf32, #tpu.memory_space<hbm>>
      %dma_start3A_238 = arith.constant 0 : i32
      %dma_start3A_239 = arith.constant 0 : i32
      %dma_start3A_240 = tpu.memref_slice %dma_start3A_237[%run_scoped3A_192, %dma_start3A_238, %dma_start3A_239] : memref<15x128x128xf32, #tpu.memory_space<hbm>> -> memref<1x128x128xf32, #tpu.memory_space<hbm>>
      %dma_start3A_241 = tpu.memref_squeeze %dma_start3A_240 : memref<1x128x128xf32, #tpu.memory_space<hbm>> -> memref<128x128xf32, #tpu.memory_space<hbm>>
      tpu.enqueue_dma source(%arg6 : memref<128x128xf32, #tpu.memory_space<vmem>>) target(%dma_start3A_241 : memref<128x128xf32, #tpu.memory_space<hbm>>) target_semaphore(%run_scoped3A_223 : memref<!tpu.dma_semaphore, #tpu.memory_space<semaphore_mem>>)
      %dma_wait3A_242 = arith.constant 0 : i32
      %dma_wait3A_243 = arith.constant 0 : i32
      %dma_wait3A_244 = arith.constant 0 : i32
      %dma_wait3A_245 = tpu.memref_slice %arg4[%add3A, %dma_wait3A_242, %dma_wait3A_243, %dma_wait3A_244] : memref<32x15x128x128xf32, #tpu.memory_space<hbm>> -> memref<1x15x128x128xf32, #tpu.memory_space<hbm>>
      %dma_wait3A_246 = tpu.memref_squeeze %dma_wait3A_245 : memref<1x15x128x128xf32, #tpu.memory_space<hbm>> -> memref<15x128x128xf32, #tpu.memory_space<hbm>>
      %dma_wait3A_247 = arith.constant 0 : i32
      %dma_wait3A_248 = arith.constant 0 : i32
      %dma_wait3A_249 = tpu.memref_slice %dma_wait3A_246[%run_scoped3A_192, %dma_wait3A_247, %dma_wait3A_248] : memref<15x128x128xf32, #tpu.memory_space<hbm>> -> memref<1x128x128xf32, #tpu.memory_space<hbm>>
      %dma_wait3A_250 = tpu.memref_squeeze %dma_wait3A_249 : memref<1x128x128xf32, #tpu.memory_space<hbm>> -> memref<128x128xf32, #tpu.memory_space<hbm>>
      %dma_wait3A_251 = arith.constant 0 : i32
      %dma_wait3A_252 = arith.constant 0 : i32
      %dma_wait3A_253 = arith.constant 0 : i32
      %dma_wait3A_254 = tpu.memref_slice %arg4[%add3A, %dma_wait3A_251, %dma_wait3A_252, %dma_wait3A_253] : memref<32x15x128x128xf32, #tpu.memory_space<hbm>> -> memref<1x15x128x128xf32, #tpu.memory_space<hbm>>
      %dma_wait3A_255 = tpu.memref_squeeze %dma_wait3A_254 : memref<1x15x128x128xf32, #tpu.memory_space<hbm>> -> memref<15x128x128xf32, #tpu.memory_space<hbm>>
      %dma_wait3A_256 = arith.constant 0 : i32
      %dma_wait3A_257 = arith.constant 0 : i32
      %dma_wait3A_258 = tpu.memref_slice %dma_wait3A_255[%run_scoped3A_192, %dma_wait3A_256, %dma_wait3A_257] : memref<15x128x128xf32, #tpu.memory_space<hbm>> -> memref<1x128x128xf32, #tpu.memory_space<hbm>>
      %dma_wait3A_259 = tpu.memref_squeeze %dma_wait3A_258 : memref<1x128x128xf32, #tpu.memory_space<hbm>> -> memref<128x128xf32, #tpu.memory_space<hbm>>
      tpu.wait_dma2 semaphore(%run_scoped3A_223 : memref<!tpu.dma_semaphore, #tpu.memory_space<semaphore_mem>>) src(%arg6 : memref<128x128xf32, #tpu.memory_space<vmem>>) dst(%dma_wait3A_259 : memref<128x128xf32, #tpu.memory_space<hbm>>)
      tpu.yield
    }) : () -> ()
    %dma_start3A_193 = arith.constant 13 : i32
    %dma_start3A_194 = arith.constant 0 : i32
    %dma_start3A_195 = tpu.memref_slice %arg5[%dma_start3A_193, %dma_start3A_194] : memref<15x128xi32, #tpu.memory_space<vmem>> -> memref<1x128xi32, #tpu.memory_space<vmem>>
    %dma_start3A_196 = tpu.memref_squeeze %dma_start3A_195 : memref<1x128xi32, #tpu.memory_space<vmem>> -> memref<128xi32, #tpu.memory_space<vmem>>
    %dma_start3A_197 = arith.constant 0 : i32
    %dma_start3A_198 = arith.constant 0 : i32
    %dma_start3A_199 = tpu.memref_slice %arg2[%dma_start3A_197, %dma_start3A_198] : memref<49152x128xf32, #tpu.memory_space<hbm>> -> memref<49152x128xf32, #tpu.memory_space<hbm>>
    tpu.enqueue_indirect_dma source(%dma_start3A_199 : memref<49152x128xf32, #tpu.memory_space<hbm>>) target(%arg6 : memref<128x128xf32, #tpu.memory_space<vmem>>) offsets(%dma_start3A_196 : memref<128xi32, #tpu.memory_space<vmem>>) semaphore(%arg7 : memref<!tpu.dma_semaphore, #tpu.memory_space<semaphore_mem>>)
    %dma_wait3A_200 = arith.constant 13 : i32
    %dma_wait3A_201 = arith.constant 0 : i32
    %dma_wait3A_202 = tpu.memref_slice %arg5[%dma_wait3A_200, %dma_wait3A_201] : memref<15x128xi32, #tpu.memory_space<vmem>> -> memref<1x128xi32, #tpu.memory_space<vmem>>
    %dma_wait3A_203 = tpu.memref_squeeze %dma_wait3A_202 : memref<1x128xi32, #tpu.memory_space<vmem>> -> memref<128xi32, #tpu.memory_space<vmem>>
    %dma_wait3A_204 = arith.constant 0 : i32
    %dma_wait3A_205 = arith.constant 0 : i32
    %dma_wait3A_206 = tpu.memref_slice %arg2[%dma_wait3A_204, %dma_wait3A_205] : memref<49152x128xf32, #tpu.memory_space<hbm>> -> memref<49152x128xf32, #tpu.memory_space<hbm>>
    tpu.wait_indirect_dma semaphore(%arg7 : memref<!tpu.dma_semaphore, #tpu.memory_space<semaphore_mem>>) src(%dma_wait3A_206 : memref<49152x128xf32, #tpu.memory_space<hbm>>) dst(%arg6 : memref<128x128xf32, #tpu.memory_space<vmem>>)
    %run_scoped3A_207 = arith.constant 13 : i32
    "tpu.region"() ({
      %run_scoped3A_223 = tpu.sem_alloc : memref<!tpu.dma_semaphore, #tpu.memory_space<semaphore_mem>>
      %dma_start3A_224 = arith.constant 0 : i32
      %dma_start3A_225 = arith.constant 0 : i32
      %dma_start3A_226 = arith.constant 0 : i32
      %dma_start3A_227 = tpu.memref_slice %arg4[%add3A, %dma_start3A_224, %dma_start3A_225, %dma_start3A_226] : memref<32x15x128x128xf32, #tpu.memory_space<hbm>> -> memref<1x15x128x128xf32, #tpu.memory_space<hbm>>
      %dma_start3A_228 = tpu.memref_squeeze %dma_start3A_227 : memref<1x15x128x128xf32, #tpu.memory_space<hbm>> -> memref<15x128x128xf32, #tpu.memory_space<hbm>>
      %dma_start3A_229 = arith.constant 0 : i32
      %dma_start3A_230 = arith.constant 0 : i32
      %dma_start3A_231 = tpu.memref_slice %dma_start3A_228[%run_scoped3A_207, %dma_start3A_229, %dma_start3A_230] : memref<15x128x128xf32, #tpu.memory_space<hbm>> -> memref<1x128x128xf32, #tpu.memory_space<hbm>>
      %dma_start3A_232 = tpu.memref_squeeze %dma_start3A_231 : memref<1x128x128xf32, #tpu.memory_space<hbm>> -> memref<128x128xf32, #tpu.memory_space<hbm>>
      %dma_start3A_233 = arith.constant 0 : i32
      %dma_start3A_234 = arith.constant 0 : i32
      %dma_start3A_235 = arith.constant 0 : i32
      %dma_start3A_236 = tpu.memref_slice %arg4[%add3A, %dma_start3A_233, %dma_start3A_234, %dma_start3A_235] : memref<32x15x128x128xf32, #tpu.memory_space<hbm>> -> memref<1x15x128x128xf32, #tpu.memory_space<hbm>>
      %dma_start3A_237 = tpu.memref_squeeze %dma_start3A_236 : memref<1x15x128x128xf32, #tpu.memory_space<hbm>> -> memref<15x128x128xf32, #tpu.memory_space<hbm>>
      %dma_start3A_238 = arith.constant 0 : i32
      %dma_start3A_239 = arith.constant 0 : i32
      %dma_start3A_240 = tpu.memref_slice %dma_start3A_237[%run_scoped3A_207, %dma_start3A_238, %dma_start3A_239] : memref<15x128x128xf32, #tpu.memory_space<hbm>> -> memref<1x128x128xf32, #tpu.memory_space<hbm>>
      %dma_start3A_241 = tpu.memref_squeeze %dma_start3A_240 : memref<1x128x128xf32, #tpu.memory_space<hbm>> -> memref<128x128xf32, #tpu.memory_space<hbm>>
      tpu.enqueue_dma source(%arg6 : memref<128x128xf32, #tpu.memory_space<vmem>>) target(%dma_start3A_241 : memref<128x128xf32, #tpu.memory_space<hbm>>) target_semaphore(%run_scoped3A_223 : memref<!tpu.dma_semaphore, #tpu.memory_space<semaphore_mem>>)
      %dma_wait3A_242 = arith.constant 0 : i32
      %dma_wait3A_243 = arith.constant 0 : i32
      %dma_wait3A_244 = arith.constant 0 : i32
      %dma_wait3A_245 = tpu.memref_slice %arg4[%add3A, %dma_wait3A_242, %dma_wait3A_243, %dma_wait3A_244] : memref<32x15x128x128xf32, #tpu.memory_space<hbm>> -> memref<1x15x128x128xf32, #tpu.memory_space<hbm>>
      %dma_wait3A_246 = tpu.memref_squeeze %dma_wait3A_245 : memref<1x15x128x128xf32, #tpu.memory_space<hbm>> -> memref<15x128x128xf32, #tpu.memory_space<hbm>>
      %dma_wait3A_247 = arith.constant 0 : i32
      %dma_wait3A_248 = arith.constant 0 : i32
      %dma_wait3A_249 = tpu.memref_slice %dma_wait3A_246[%run_scoped3A_207, %dma_wait3A_247, %dma_wait3A_248] : memref<15x128x128xf32, #tpu.memory_space<hbm>> -> memref<1x128x128xf32, #tpu.memory_space<hbm>>
      %dma_wait3A_250 = tpu.memref_squeeze %dma_wait3A_249 : memref<1x128x128xf32, #tpu.memory_space<hbm>> -> memref<128x128xf32, #tpu.memory_space<hbm>>
      %dma_wait3A_251 = arith.constant 0 : i32
      %dma_wait3A_252 = arith.constant 0 : i32
      %dma_wait3A_253 = arith.constant 0 : i32
      %dma_wait3A_254 = tpu.memref_slice %arg4[%add3A, %dma_wait3A_251, %dma_wait3A_252, %dma_wait3A_253] : memref<32x15x128x128xf32, #tpu.memory_space<hbm>> -> memref<1x15x128x128xf32, #tpu.memory_space<hbm>>
      %dma_wait3A_255 = tpu.memref_squeeze %dma_wait3A_254 : memref<1x15x128x128xf32, #tpu.memory_space<hbm>> -> memref<15x128x128xf32, #tpu.memory_space<hbm>>
      %dma_wait3A_256 = arith.constant 0 : i32
      %dma_wait3A_257 = arith.constant 0 : i32
      %dma_wait3A_258 = tpu.memref_slice %dma_wait3A_255[%run_scoped3A_207, %dma_wait3A_256, %dma_wait3A_257] : memref<15x128x128xf32, #tpu.memory_space<hbm>> -> memref<1x128x128xf32, #tpu.memory_space<hbm>>
      %dma_wait3A_259 = tpu.memref_squeeze %dma_wait3A_258 : memref<1x128x128xf32, #tpu.memory_space<hbm>> -> memref<128x128xf32, #tpu.memory_space<hbm>>
      tpu.wait_dma2 semaphore(%run_scoped3A_223 : memref<!tpu.dma_semaphore, #tpu.memory_space<semaphore_mem>>) src(%arg6 : memref<128x128xf32, #tpu.memory_space<vmem>>) dst(%dma_wait3A_259 : memref<128x128xf32, #tpu.memory_space<hbm>>)
      tpu.yield
    }) : () -> ()
    %dma_start3A_208 = arith.constant 14 : i32
    %dma_start3A_209 = arith.constant 0 : i32
    %dma_start3A_210 = tpu.memref_slice %arg5[%dma_start3A_208, %dma_start3A_209] : memref<15x128xi32, #tpu.memory_space<vmem>> -> memref<1x128xi32, #tpu.memory_space<vmem>>
    %dma_start3A_211 = tpu.memref_squeeze %dma_start3A_210 : memref<1x128xi32, #tpu.memory_space<vmem>> -> memref<128xi32, #tpu.memory_space<vmem>>
    %dma_start3A_212 = arith.constant 0 : i32
    %dma_start3A_213 = arith.constant 0 : i32
    %dma_start3A_214 = tpu.memref_slice %arg2[%dma_start3A_212, %dma_start3A_213] : memref<49152x128xf32, #tpu.memory_space<hbm>> -> memref<49152x128xf32, #tpu.memory_space<hbm>>
    tpu.enqueue_indirect_dma source(%dma_start3A_214 : memref<49152x128xf32, #tpu.memory_space<hbm>>) target(%arg6 : memref<128x128xf32, #tpu.memory_space<vmem>>) offsets(%dma_start3A_211 : memref<128xi32, #tpu.memory_space<vmem>>) semaphore(%arg7 : memref<!tpu.dma_semaphore, #tpu.memory_space<semaphore_mem>>)
    %dma_wait3A_215 = arith.constant 14 : i32
    %dma_wait3A_216 = arith.constant 0 : i32
    %dma_wait3A_217 = tpu.memref_slice %arg5[%dma_wait3A_215, %dma_wait3A_216] : memref<15x128xi32, #tpu.memory_space<vmem>> -> memref<1x128xi32, #tpu.memory_space<vmem>>
    %dma_wait3A_218 = tpu.memref_squeeze %dma_wait3A_217 : memref<1x128xi32, #tpu.memory_space<vmem>> -> memref<128xi32, #tpu.memory_space<vmem>>
    %dma_wait3A_219 = arith.constant 0 : i32
    %dma_wait3A_220 = arith.constant 0 : i32
    %dma_wait3A_221 = tpu.memref_slice %arg2[%dma_wait3A_219, %dma_wait3A_220] : memref<49152x128xf32, #tpu.memory_space<hbm>> -> memref<49152x128xf32, #tpu.memory_space<hbm>>
    tpu.wait_indirect_dma semaphore(%arg7 : memref<!tpu.dma_semaphore, #tpu.memory_space<semaphore_mem>>) src(%dma_wait3A_221 : memref<49152x128xf32, #tpu.memory_space<hbm>>) dst(%arg6 : memref<128x128xf32, #tpu.memory_space<vmem>>)
    %run_scoped3A_222 = arith.constant 14 : i32
    "tpu.region"() ({
      %run_scoped3A_223 = tpu.sem_alloc : memref<!tpu.dma_semaphore, #tpu.memory_space<semaphore_mem>>
      %dma_start3A_224 = arith.constant 0 : i32
      %dma_start3A_225 = arith.constant 0 : i32
      %dma_start3A_226 = arith.constant 0 : i32
      %dma_start3A_227 = tpu.memref_slice %arg4[%add3A, %dma_start3A_224, %dma_start3A_225, %dma_start3A_226] : memref<32x15x128x128xf32, #tpu.memory_space<hbm>> -> memref<1x15x128x128xf32, #tpu.memory_space<hbm>>
      %dma_start3A_228 = tpu.memref_squeeze %dma_start3A_227 : memref<1x15x128x128xf32, #tpu.memory_space<hbm>> -> memref<15x128x128xf32, #tpu.memory_space<hbm>>
      %dma_start3A_229 = arith.constant 0 : i32
      %dma_start3A_230 = arith.constant 0 : i32
      %dma_start3A_231 = tpu.memref_slice %dma_start3A_228[%run_scoped3A_222, %dma_start3A_229, %dma_start3A_230] : memref<15x128x128xf32, #tpu.memory_space<hbm>> -> memref<1x128x128xf32, #tpu.memory_space<hbm>>
      %dma_start3A_232 = tpu.memref_squeeze %dma_start3A_231 : memref<1x128x128xf32, #tpu.memory_space<hbm>> -> memref<128x128xf32, #tpu.memory_space<hbm>>
      %dma_start3A_233 = arith.constant 0 : i32
      %dma_start3A_234 = arith.constant 0 : i32
      %dma_start3A_235 = arith.constant 0 : i32
      %dma_start3A_236 = tpu.memref_slice %arg4[%add3A, %dma_start3A_233, %dma_start3A_234, %dma_start3A_235] : memref<32x15x128x128xf32, #tpu.memory_space<hbm>> -> memref<1x15x128x128xf32, #tpu.memory_space<hbm>>
      %dma_start3A_237 = tpu.memref_squeeze %dma_start3A_236 : memref<1x15x128x128xf32, #tpu.memory_space<hbm>> -> memref<15x128x128xf32, #tpu.memory_space<hbm>>
      %dma_start3A_238 = arith.constant 0 : i32
      %dma_start3A_239 = arith.constant 0 : i32
      %dma_start3A_240 = tpu.memref_slice %dma_start3A_237[%run_scoped3A_222, %dma_start3A_238, %dma_start3A_239] : memref<15x128x128xf32, #tpu.memory_space<hbm>> -> memref<1x128x128xf32, #tpu.memory_space<hbm>>
      %dma_start3A_241 = tpu.memref_squeeze %dma_start3A_240 : memref<1x128x128xf32, #tpu.memory_space<hbm>> -> memref<128x128xf32, #tpu.memory_space<hbm>>
      tpu.enqueue_dma source(%arg6 : memref<128x128xf32, #tpu.memory_space<vmem>>) target(%dma_start3A_241 : memref<128x128xf32, #tpu.memory_space<hbm>>) target_semaphore(%run_scoped3A_223 : memref<!tpu.dma_semaphore, #tpu.memory_space<semaphore_mem>>)
      %dma_wait3A_242 = arith.constant 0 : i32
      %dma_wait3A_243 = arith.constant 0 : i32
      %dma_wait3A_244 = arith.constant 0 : i32
      %dma_wait3A_245 = tpu.memref_slice %arg4[%add3A, %dma_wait3A_242, %dma_wait3A_243, %dma_wait3A_244] : memref<32x15x128x128xf32, #tpu.memory_space<hbm>> -> memref<1x15x128x128xf32, #tpu.memory_space<hbm>>
      %dma_wait3A_246 = tpu.memref_squeeze %dma_wait3A_245 : memref<1x15x128x128xf32, #tpu.memory_space<hbm>> -> memref<15x128x128xf32, #tpu.memory_space<hbm>>
      %dma_wait3A_247 = arith.constant 0 : i32
      %dma_wait3A_248 = arith.constant 0 : i32
      %dma_wait3A_249 = tpu.memref_slice %dma_wait3A_246[%run_scoped3A_222, %dma_wait3A_247, %dma_wait3A_248] : memref<15x128x128xf32, #tpu.memory_space<hbm>> -> memref<1x128x128xf32, #tpu.memory_space<hbm>>
      %dma_wait3A_250 = tpu.memref_squeeze %dma_wait3A_249 : memref<1x128x128xf32, #tpu.memory_space<hbm>> -> memref<128x128xf32, #tpu.memory_space<hbm>>
      %dma_wait3A_251 = arith.constant 0 : i32
      %dma_wait3A_252 = arith.constant 0 : i32
      %dma_wait3A_253 = arith.constant 0 : i32
      %dma_wait3A_254 = tpu.memref_slice %arg4[%add3A, %dma_wait3A_251, %dma_wait3A_252, %dma_wait3A_253] : memref<32x15x128x128xf32, #tpu.memory_space<hbm>> -> memref<1x15x128x128xf32, #tpu.memory_space<hbm>>
      %dma_wait3A_255 = tpu.memref_squeeze %dma_wait3A_254 : memref<1x15x128x128xf32, #tpu.memory_space<hbm>> -> memref<15x128x128xf32, #tpu.memory_space<hbm>>
      %dma_wait3A_256 = arith.constant 0 : i32
      %dma_wait3A_257 = arith.constant 0 : i32
      %dma_wait3A_258 = tpu.memref_slice %dma_wait3A_255[%run_scoped3A_222, %dma_wait3A_256, %dma_wait3A_257] : memref<15x128x128xf32, #tpu.memory_space<hbm>> -> memref<1x128x128xf32, #tpu.memory_space<hbm>>
      %dma_wait3A_259 = tpu.memref_squeeze %dma_wait3A_258 : memref<1x128x128xf32, #tpu.memory_space<hbm>> -> memref<128x128xf32, #tpu.memory_space<hbm>>
      tpu.wait_dma2 semaphore(%run_scoped3A_223 : memref<!tpu.dma_semaphore, #tpu.memory_space<semaphore_mem>>) src(%arg6 : memref<128x128xf32, #tpu.memory_space<vmem>>) dst(%dma_wait3A_259 : memref<128x128xf32, #tpu.memory_space<hbm>>)
      tpu.yield
    }) : () -> ()
    return
  }
}

module attributes {stable_mosaic.version = 14 : i64} {
  func.func @_stage1_body(%arg0: i32, %arg1: i32, %arg2: memref<1x6x3072xf32, #tpu.memory_space<vmem>>, %arg3: memref<6x256xf32, #tpu.memory_space<vmem>>, %arg4: memref<256xf32, #tpu.memory_space<vmem>>, %arg5: memref<256x16xf32, #tpu.memory_space<vmem>>, %arg6: memref<1x3072x16xf32, #tpu.memory_space<vmem>>, %arg7: memref<1x3072x128xf32, #tpu.memory_space<vmem>>) attributes {dimension_semantics = [#tpu.dimension_semantics<arbitrary>, #tpu.dimension_semantics<arbitrary>], iteration_bounds = array<i64: 2, 8>, scalar_prefetch = 0 : i64, scratch_operands = 0 : i64, tpu.core_type = #tpu.core_type<tc>, window_params = [{transform_indices = @transform_0, window_bounds = array<i64: 1, 6, 3072>}, {pipeline_mode = #tpu.pipeline_mode<synchronous>, transform_indices = @transform_1, window_bounds = array<i64: 6, 256>}, {pipeline_mode = #tpu.pipeline_mode<synchronous>, transform_indices = @transform_2, window_bounds = array<i64: 256>}, {pipeline_mode = #tpu.pipeline_mode<synchronous>, transform_indices = @transform_3, window_bounds = array<i64: 256, 16>}, {transform_indices = @transform_4, window_bounds = array<i64: 1, 3072, 16>}, {transform_indices = @transform_5, window_bounds = array<i64: 1, 3072, 128>}]} {
    %get3A = arith.constant 0 : index
    %get3A_0 = arith.constant 0 : index
    %get3A_1 = arith.constant 0 : index
    %get3A_2 = vector.load %arg2[%get3A, %get3A_0, %get3A_1] : memref<1x6x3072xf32, #tpu.memory_space<vmem>>, vector<1x6x3072xf32>
    %get3A_3 = vector.shape_cast %get3A_2 : vector<1x6x3072xf32> to vector<6x3072xf32>
    %transpose3A = tpu.transpose %get3A_3, [1, 0] : vector<6x3072xf32> -> vector<3072x6xf32>
    %get3A_4 = arith.constant 0 : index
    %get3A_5 = arith.constant 0 : index
    %get3A_6 = vector.load %arg3[%get3A_4, %get3A_5] : memref<6x256xf32, #tpu.memory_space<vmem>>, vector<6x256xf32>
    %dot_general3A = arith.constant dense<0.000000e+00> : vector<3072x256xf32>
    %dot_general3A_7 = tpu.matmul %transpose3A, %get3A_6, %dot_general3A {dimension_numbers = #tpu.dot_dimension_numbers<[1], [0], [0], [1], [0, 0, 1, 1], [], []>, transpose_lhs_hint = false} : vector<3072x6xf32>, vector<6x256xf32>, vector<3072x256xf32> -> vector<3072x256xf32>
    %get3A_8 = arith.constant 0 : index
    %get3A_9 = vector.load %arg4[%get3A_8] : memref<256xf32, #tpu.memory_space<vmem>>, vector<256xf32>
    %broadcast_in_dim3A = vector.shape_cast %get3A_9 : vector<256xf32> to vector<1x256xf32>
    %add3A = vector.broadcast %broadcast_in_dim3A : vector<1x256xf32> to vector<3072x256xf32>
    %add3A_10 = arith.addf %dot_general3A_7, %add3A : vector<3072x256xf32>
    %max3A = arith.constant 0.000000e+00 : f32
    %max3A_11 = vector.broadcast %max3A : f32 to vector<3072x256xf32>
    %max3A_12 = arith.maximumf %add3A_10, %max3A_11 : vector<3072x256xf32>
    %get3A_13 = arith.constant 0 : index
    %get3A_14 = arith.constant 0 : index
    %get3A_15 = vector.load %arg5[%get3A_13, %get3A_14] : memref<256x16xf32, #tpu.memory_space<vmem>>, vector<256x16xf32>
    %dot_general3A_16 = arith.constant dense<0.000000e+00> : vector<3072x16xf32>
    %dot_general3A_17 = tpu.matmul %max3A_12, %get3A_15, %dot_general3A_16 {dimension_numbers = #tpu.dot_dimension_numbers<[1], [0], [0], [1], [0, 0, 1, 1], [], []>, transpose_lhs_hint = false} : vector<3072x256xf32>, vector<256x16xf32>, vector<3072x16xf32> -> vector<3072x16xf32>
    %swap3A = arith.constant 0 : index
    %swap3A_18 = arith.constant 0 : index
    %swap3A_19 = arith.constant 0 : index
    %swap3A_20 = vector.load %arg6[%swap3A, %swap3A_18, %swap3A_19] : memref<1x3072x16xf32, #tpu.memory_space<vmem>>, vector<1x3072x16xf32>
    %swap3A_21 = vector.shape_cast %swap3A_20 : vector<1x3072x16xf32> to vector<3072x16xf32>
    %swap3A_22 = vector.shape_cast %dot_general3A_17 : vector<3072x16xf32> to vector<1x3072x16xf32>
    tpu.vector_store %arg6[%swap3A, %swap3A_18, %swap3A_19], %swap3A_22 {strides = array<i32>} : memref<1x3072x16xf32, #tpu.memory_space<vmem>>, vector<1x3072x16xf32>,
    %jit3A = arith.constant 0 : i32
    %convert_element_type3A = arith.sitofp %jit3A : i32 to f32
    %pad3A = vector.broadcast %convert_element_type3A : f32 to vector<3072x122xf32>
    %pad3A_23 = tpu.concatenate %transpose3A, %pad3A in 1 : vector<3072x6xf32>, vector<3072x122xf32> -> vector<3072x128xf32>
    %swap3A_24 = arith.constant 0 : index
    %swap3A_25 = arith.constant 0 : index
    %swap3A_26 = arith.constant 0 : index
    %swap3A_27 = vector.load %arg7[%swap3A_24, %swap3A_25, %swap3A_26] : memref<1x3072x128xf32, #tpu.memory_space<vmem>>, vector<1x3072x128xf32>
    %swap3A_28 = vector.shape_cast %swap3A_27 : vector<1x3072x128xf32> to vector<3072x128xf32>
    %swap3A_29 = vector.shape_cast %pad3A_23 : vector<3072x128xf32> to vector<1x3072x128xf32>
    tpu.vector_store %arg7[%swap3A_24, %swap3A_25, %swap3A_26], %swap3A_29 {strides = array<i32>} : memref<1x3072x128xf32, #tpu.memory_space<vmem>>, vector<1x3072x128xf32>,
    return
  }
  func.func @transform_0(%arg0: i32, %arg1: i32) -> (i32, i32, i32) {
    %c0_i32 = arith.constant 0 : i32
    %c0_i32_0 = arith.constant 0 : i32
    return %arg0, %c0_i32, %arg1 : i32, i32, i32
  }
  func.func @transform_1(%arg0: i32, %arg1: i32) -> (i32, i32) {
    %c0_i32 = arith.constant 0 : i32
    %c0_i32_0 = arith.constant 0 : i32
    %c0_i32_1 = arith.constant 0 : i32
    return %c0_i32, %c0_i32_0 : i32, i32
  }
  func.func @transform_2(%arg0: i32, %arg1: i32) -> i32 {
    %c0_i32 = arith.constant 0 : i32
    %c0_i32_0 = arith.constant 0 : i32
    return %c0_i32 : i32
  }
  func.func @transform_3(%arg0: i32, %arg1: i32) -> (i32, i32) {
    %c0_i32 = arith.constant 0 : i32
    %c0_i32_0 = arith.constant 0 : i32
    %c0_i32_1 = arith.constant 0 : i32
    return %c0_i32, %c0_i32_0 : i32, i32
  }
  func.func @transform_4(%arg0: i32, %arg1: i32) -> (i32, i32, i32) {
    %c0_i32 = arith.constant 0 : i32
    %c0_i32_0 = arith.constant 0 : i32
    return %arg0, %arg1, %c0_i32 : i32, i32, i32
  }
  func.func @transform_5(%arg0: i32, %arg1: i32) -> (i32, i32, i32) {
    %c0_i32 = arith.constant 0 : i32
    %c0_i32_0 = arith.constant 0 : i32
    return %arg0, %arg1, %c0_i32 : i32, i32, i32
  }
}

module attributes {stable_mosaic.version = 14 : i64} {
  func.func @_stage2_body(%arg0: i32, %arg1: memref<1x3072x128xf32, #tpu.memory_space<vmem>>, %arg2: memref<6x256xf32, #tpu.memory_space<vmem>>, %arg3: memref<256xf32, #tpu.memory_space<vmem>>, %arg4: memref<256x8xf32, #tpu.memory_space<vmem>>, %arg5: memref<1x3072x8xf32, #tpu.memory_space<vmem>>, %arg6: memref<1x6x3072xf32, #tpu.memory_space<vmem>>) attributes {dimension_semantics = [#tpu.dimension_semantics<arbitrary>], iteration_bounds = array<i64: 20>, scalar_prefetch = 0 : i64, scratch_operands = 0 : i64, tpu.core_type = #tpu.core_type<tc>, window_params = [{transform_indices = @transform_0, window_bounds = array<i64: 1, 3072, 128>}, {pipeline_mode = #tpu.pipeline_mode<synchronous>, transform_indices = @transform_1, window_bounds = array<i64: 6, 256>}, {pipeline_mode = #tpu.pipeline_mode<synchronous>, transform_indices = @transform_2, window_bounds = array<i64: 256>}, {pipeline_mode = #tpu.pipeline_mode<synchronous>, transform_indices = @transform_3, window_bounds = array<i64: 256, 8>}, {transform_indices = @transform_4, window_bounds = array<i64: 1, 3072, 8>}, {transform_indices = @transform_5, window_bounds = array<i64: 1, 6, 3072>}]} {
    %get3A = arith.constant 0 : index
    %get3A_0 = arith.constant 0 : index
    %get3A_1 = arith.constant 0 : index
    %get3A_2 = vector.load %arg1[%get3A, %get3A_0, %get3A_1] : memref<1x3072x128xf32, #tpu.memory_space<vmem>>, vector<1x3072x6xf32>
    %get3A_3 = vector.shape_cast %get3A_2 : vector<1x3072x6xf32> to vector<3072x6xf32>
    %slice3A = vector.extract_strided_slice %get3A_3 {offsets = [0, 0], sizes = [3072, 3], strides = [1, 1]} : vector<3072x6xf32> to vector<3072x3xf32>
    %reduce_sum3A = arith.constant dense<0.000000e+00> : vector<3xf32>
    %reduce_sum3A_4 = vector.multi_reduction <add>, %slice3A, %reduce_sum3A [0] : vector<3072x3xf32> to vector<3xf32>
    %broadcast_in_dim3A = vector.shape_cast %reduce_sum3A_4 : vector<3xf32> to vector<1x3xf32>
    %div3A = arith.constant 3.072000e+03 : f32
    %div3A_5 = vector.broadcast %div3A : f32 to vector<1x3xf32>
    %div3A_6 = arith.divf %broadcast_in_dim3A, %div3A_5 : vector<1x3xf32>
    %sub3A = vector.broadcast %div3A_6 : vector<1x3xf32> to vector<3072x3xf32>
    %sub3A_7 = arith.subf %slice3A, %sub3A : vector<3072x3xf32>
    %slice3A_8 = vector.extract_strided_slice %get3A_3 {offsets = [0, 3], sizes = [3072, 3], strides = [1, 1]} : vector<3072x6xf32> to vector<3072x3xf32>
    %concatenate3A = tpu.concatenate %sub3A_7, %slice3A_8 in 1 : vector<3072x3xf32>, vector<3072x3xf32> -> vector<3072x6xf32>
    %get3A_9 = arith.constant 0 : index
    %get3A_10 = arith.constant 0 : index
    %get3A_11 = vector.load %arg2[%get3A_9, %get3A_10] : memref<6x256xf32, #tpu.memory_space<vmem>>, vector<6x256xf32>
    %dot_general3A = arith.constant dense<0.000000e+00> : vector<3072x256xf32>
    %dot_general3A_12 = tpu.matmul %concatenate3A, %get3A_11, %dot_general3A {dimension_numbers = #tpu.dot_dimension_numbers<[1], [0], [0], [1], [0, 0, 1, 1], [], []>, transpose_lhs_hint = false} : vector<3072x6xf32>, vector<6x256xf32>, vector<3072x256xf32> -> vector<3072x256xf32>
    %get3A_13 = arith.constant 0 : index
    %get3A_14 = vector.load %arg3[%get3A_13] : memref<256xf32, #tpu.memory_space<vmem>>, vector<256xf32>
    %broadcast_in_dim3A_15 = vector.shape_cast %get3A_14 : vector<256xf32> to vector<1x256xf32>
    %add3A = vector.broadcast %broadcast_in_dim3A_15 : vector<1x256xf32> to vector<3072x256xf32>
    %add3A_16 = arith.addf %dot_general3A_12, %add3A : vector<3072x256xf32>
    %max3A = arith.constant 0.000000e+00 : f32
    %max3A_17 = vector.broadcast %max3A : f32 to vector<3072x256xf32>
    %max3A_18 = arith.maximumf %add3A_16, %max3A_17 : vector<3072x256xf32>
    %get3A_19 = arith.constant 0 : index
    %get3A_20 = arith.constant 0 : index
    %get3A_21 = vector.load %arg4[%get3A_19, %get3A_20] : memref<256x8xf32, #tpu.memory_space<vmem>>, vector<256x8xf32>
    %dot_general3A_22 = arith.constant dense<0.000000e+00> : vector<3072x8xf32>
    %dot_general3A_23 = tpu.matmul %max3A_18, %get3A_21, %dot_general3A_22 {dimension_numbers = #tpu.dot_dimension_numbers<[1], [0], [0], [1], [0, 0, 1, 1], [], []>, transpose_lhs_hint = false} : vector<3072x256xf32>, vector<256x8xf32>, vector<3072x8xf32> -> vector<3072x8xf32>
    %swap3A = arith.constant 0 : index
    %swap3A_24 = arith.constant 0 : index
    %swap3A_25 = arith.constant 0 : index
    %swap3A_26 = vector.load %arg5[%swap3A, %swap3A_24, %swap3A_25] : memref<1x3072x8xf32, #tpu.memory_space<vmem>>, vector<1x3072x8xf32>
    %swap3A_27 = vector.shape_cast %swap3A_26 : vector<1x3072x8xf32> to vector<3072x8xf32>
    %swap3A_28 = vector.shape_cast %dot_general3A_23 : vector<3072x8xf32> to vector<1x3072x8xf32>
    tpu.vector_store %arg5[%swap3A, %swap3A_24, %swap3A_25], %swap3A_28 {strides = array<i32>} : memref<1x3072x8xf32, #tpu.memory_space<vmem>>, vector<1x3072x8xf32>,
    %transpose3A = tpu.transpose %concatenate3A, [1, 0] : vector<3072x6xf32> -> vector<6x3072xf32>
    %swap3A_29 = arith.constant 0 : index
    %swap3A_30 = arith.constant 0 : index
    %swap3A_31 = arith.constant 0 : index
    %swap3A_32 = vector.load %arg6[%swap3A_29, %swap3A_30, %swap3A_31] : memref<1x6x3072xf32, #tpu.memory_space<vmem>>, vector<1x6x3072xf32>
    %swap3A_33 = vector.shape_cast %swap3A_32 : vector<1x6x3072xf32> to vector<6x3072xf32>
    %swap3A_34 = vector.shape_cast %transpose3A : vector<6x3072xf32> to vector<1x6x3072xf32>
    tpu.vector_store %arg6[%swap3A_29, %swap3A_30, %swap3A_31], %swap3A_34 {strides = array<i32>} : memref<1x6x3072xf32, #tpu.memory_space<vmem>>, vector<1x6x3072xf32>,
    return
  }
  func.func @transform_0(%arg0: i32) -> (i32, i32, i32) {
    %c0_i32 = arith.constant 0 : i32
    %c0_i32_0 = arith.constant 0 : i32
    %c0_i32_1 = arith.constant 0 : i32
    return %arg0, %c0_i32, %c0_i32_0 : i32, i32, i32
  }
  func.func @transform_1(%arg0: i32) -> (i32, i32) {
    %c0_i32 = arith.constant 0 : i32
    %c0_i32_0 = arith.constant 0 : i32
    %c0_i32_1 = arith.constant 0 : i32
    return %c0_i32, %c0_i32_0 : i32, i32
  }
  func.func @transform_2(%arg0: i32) -> i32 {
    %c0_i32 = arith.constant 0 : i32
    %c0_i32_0 = arith.constant 0 : i32
    return %c0_i32 : i32
  }
  func.func @transform_3(%arg0: i32) -> (i32, i32) {
    %c0_i32 = arith.constant 0 : i32
    %c0_i32_0 = arith.constant 0 : i32
    %c0_i32_1 = arith.constant 0 : i32
    return %c0_i32, %c0_i32_0 : i32, i32
  }
  func.func @transform_4(%arg0: i32) -> (i32, i32, i32) {
    %c0_i32 = arith.constant 0 : i32
    %c0_i32_0 = arith.constant 0 : i32
    %c0_i32_1 = arith.constant 0 : i32
    return %arg0, %c0_i32, %c0_i32_0 : i32, i32, i32
  }
  func.func @transform_5(%arg0: i32) -> (i32, i32, i32) {
    %c0_i32 = arith.constant 0 : i32
    %c0_i32_0 = arith.constant 0 : i32
    %c0_i32_1 = arith.constant 0 : i32
    return %arg0, %c0_i32, %c0_i32_0 : i32, i32, i32
  }
}

</mosaic_0001>

<sc_bundles>
// kernel: kernel.5.cloned.1.call-start
scs
__scs_entry_jumppad:
0x0: {  	(pc) =	sbr.rel $0x88, $3  }
0x1: {  	(tag) =	ssettag $0x0;
	lr =	simm.s32 $0x1  }
0x2: {  	[smem:$0x3F95] =	sst lr;
	_ =	strace $0xD0000000  }
0x3: {  	_ = 	snop  }
0x4: {  	_ = 	snop  }
0x5: {  	_ = 	snop  }
0x6: {  	_ = 	snop  }
0x7: {  	_ = 	snop  }
__scs_overlays_trampoline_lowered:
0x8: {  	[smem:$0x3FA4] =	sst s0  }
0x9: {  	[smem:$0x3FA5] =	sst s1  }
0xa: {  	[smem:$0x3FA6] =	sst s2  }
0xb: {  	[smem:$0x3FA7] =	sst s3  }
0xc: {  	[smem:$0x3FA8] =	sst s4  }
0xd: {  	[smem:$0x3FA9] =	sst s5  }
0xe: {  	[smem:$0x3FAA] =	sst s6  }
0xf: {  	[smem:$0x3FAB] =	sst s7  }
0x10: {  	[smem:$0x3FAC] =	sst s8  }
0x11: {  	[smem:$0x3FAD] =	sst s9;
	s0 =	simm.s32 @!p0 $0x0  }
0x12: {  	s1 =	sld [smem:$0x3F93];
	s0 =	simm.s32 @p0 $0x1  }
0x13: {  	[smem:$0x3FAE] =	sst s0;
	s0 =	simm.s32 @!p1 $0x0  }
0x14: {  	s2 =	sld [smem:$0x3F92];
	s0 =	simm.s32 @p1 $0x1  }
0x15: {  	[smem:$0x3FAF] =	sst s0;
	s0 =	simm.s32 @!p2 $0x0  }
0x16: {  	s3 =	sld [smem:$0x3FDB];
	s0 =	simm.s32 @p2 $0x1  }
0x17: {  	s4 =	simm.s32 $0x1BF5;
	[smem:$0x3FB1] =	sst s0  }
0x18: {  	s0 =	sld [smem:$0x3F94];
	_ =	swait.ge [sflag:s4], $0x0  }
0x19: {  	s7 =	sld [smem:$0x3F95]  }
0x1a: {  	s8 =	sadd.s32 $0xFFFFE003, lr  }
0x1b: {  	s9 =	sadd.s32 $0xFFFFFEF7, lr;
	s5 =	simm.s32 $0xFFFFFFFF;
	p2 =	slt.u32 s8, $0xFFFFF086  }
0x1c: {  	p1 =	slt.u32 s9, $0xF7A;
	s5 =	simm.s32 @!p2 $0x0  }
0x1d: {  	s5 =	simm.s32 @p1 $0x1;
	p0 =	seq.s32 s7, s2  }
0x1e: {  	s7 =	smul.u32 @!p0 $0xF7A, s2;
	p2 =	seq.s32 @!p0 s5, $0x0  }
0x1f: {  	s9 =	smul.u32 $0xF7A, s1;
	s8 =	simm.s32 @!p0 $0x1BF5;
	p2 =	por !p2, p0  }
0x20: {  	[sflag:s8] =	ssyncset.s32 @!p0 $0xFFFFF086;
	s6 =	sadd.s32 @!p0 s3, s7;
	s7 =	simm.s32 @!p0 $0x108  }
0x21: {  	s3 =	sadd.s32 s3, s9;
	s6 =	sadd.s32 @!p0 $0x88, s6;
	s7 =	simm.s32 @p2 $0x1082  }
0x22: {  	[simem:s7], [sflag:s8] =	dma.local @!p0 [hbm:s6], $0xF7A  }
0x23: {  	s9 =	sor.u32 $0xD0000000, s2;
	s6 =	simm.s32 $0x108;
	_ =	swait.ge @!p0 [sflag:s8], $0x0  }
0x24: {  	s3 =	sadd.s32 $0x88, s3;
	s6 =	simm.s32 @!p1 $0x1082;
	[sflag:s4] =	ssyncset.s32 $0xFFFFF086  }
0x25: {  	[simem:s6], [sflag:s4] =	dma.local [hbm:s3], $0xF7A  }
0x26: {  	[smem:$0x3F95] =	sst s1;
	(tag) =	ssettag s2;
	_ =	strace s9  }
0x27: {  	s1 =	sld [smem:$0x3FA5]  }
0x28: {  	s2 =	sld [smem:$0x3FA6]  }
0x29: {  	s4 =	sld [smem:$0x3FA8]  }
0x2a: {  	p0 =	seq.s32 s5, $0x0;
	s5 =	sld [smem:$0x3FA9]  }
0x2b: {  	s6 =	sld [smem:$0x3FAA]  }
0x2c: {  	s7 =	sld [smem:$0x3FAB]  }
0x2d: {  	s3 =	simm.s32 $0x108;
	s8 =	sld [smem:$0x3FAC]  }
0x2e: {  	s3 =	simm.s32 @!p0 $0x1082;
	s9 =	sld [smem:$0x3FAD]  }
0x2f: {  	lr =	sadd.s32 s0, s3;
	s0 =	sld [smem:$0x3FA4]  }
0x30: {  	s3 =	sld [smem:$0x3FA7]  }
0x31: {  	[smem:$0x3FB0] =	sst s10  }
0x32: {  	s10 =	sld [smem:$0x3FAE];
	_ =	sdelay $0x3  }
0x33: {  	p0 =	seq.s32 s10, $0x1;
	s10 =	sld [smem:$0x3FB0];
	_ =	sdelay $0x3  }
0x34: {  	[smem:$0x3FB0] =	sst s10  }
0x35: {  	s10 =	sld [smem:$0x3FAF];
	_ =	sdelay $0x3  }
0x36: {  	p1 =	seq.s32 s10, $0x1;
	s10 =	sld [smem:$0x3FB0];
	_ =	sdelay $0x3  }
0x37: {  	[smem:$0x3FB0] =	sst s10  }
0x38: {  	s10 =	sld [smem:$0x3FB1]  }
0x39: {  	_ = 	snop;
	(pc) =	sbr.ind lr, $3  }
0x3a: {  	_ = 	snop  }
0x3b: {  	_ = 	snop  }
0x3c: {  	p2 =	seq.s32 s10, $0x1;
	s10 =	sld [smem:$0x3FB0]  }
0x3d: {  	_ =	shalt  }
0x3e: {  	_ =	shalt  }
0x3f: {  	_ =	shalt  }
0x40: {  	_ =	shalt  }
0x41: {  	_ =	shalt  }
0x42: {  	_ =	shalt  }
0x43: {  	_ =	shalt  }
0x44: {  	_ =	shalt  }
0x45: {  	_ =	shalt  }
0x46: {  	_ =	shalt  }
0x47: {  	_ =	shalt  }
0x48: {  	_ =	shalt  }
0x49: {  	_ =	shalt  }
0x4a: {  	_ =	shalt  }
0x4b: {  	_ =	shalt  }
0x4c: {  	_ =	shalt  }
0x4d: {  	_ =	shalt  }
0x4e: {  	_ =	shalt  }
0x4f: {  	_ =	shalt  }
0x50: {  	_ =	shalt  }
0x51: {  	_ =	shalt  }
0x52: {  	_ =	shalt  }
0x53: {  	_ =	shalt  }
0x54: {  	_ =	shalt  }
0x55: {  	_ =	shalt  }
0x56: {  	_ =	shalt  }
0x57: {  	_ =	shalt  }
0x58: {  	_ =	shalt  }
0x59: {  	_ =	shalt  }
0x5a: {  	_ =	shalt  }
0x5b: {  	_ =	shalt  }
0x5c: {  	_ =	shalt  }
0x5d: {  	_ =	shalt  }
0x5e: {  	_ =	shalt  }
0x5f: {  	_ =	shalt  }
0x60: {  	_ =	shalt  }
0x61: {  	_ =	shalt  }
0x62: {  	_ =	shalt  }
0x63: {  	_ =	shalt  }
0x64: {  	_ =	shalt  }
0x65: {  	_ =	shalt  }
0x66: {  	_ =	shalt  }
0x67: {  	_ =	shalt  }
0x68: {  	_ =	shalt  }
0x69: {  	_ =	shalt  }
0x6a: {  	_ =	shalt  }
0x6b: {  	_ =	shalt  }
0x6c: {  	_ =	shalt  }
0x6d: {  	_ =	shalt  }
0x6e: {  	_ =	shalt  }
0x6f: {  	_ =	shalt  }
0x70: {  	_ =	shalt  }
0x71: {  	_ =	shalt  }
0x72: {  	_ =	shalt  }
0x73: {  	_ =	shalt  }
0x74: {  	_ =	shalt  }
0x75: {  	_ =	shalt  }
0x76: {  	_ =	shalt  }
0x77: {  	_ =	shalt  }
0x78: {  	_ =	shalt  }
0x79: {  	_ =	shalt  }
0x7a: {  	_ =	shalt  }
0x7b: {  	_ =	shalt  }
0x7c: {  	_ =	shalt  }
0x7d: {  	_ =	shalt  }
0x7e: {  	_ =	shalt  }
0x7f: {  	_ =	shalt  }
0x80: {  	_ =	shalt  }
0x81: {  	_ =	shalt  }
0x82: {  	_ =	shalt  }
0x83: {  	_ =	shalt  }
0x84: {  	_ =	shalt  }
0x85: {  	_ =	shalt  }
0x86: {  	_ =	shalt  }
0x87: {  	_ =	shalt  }
.Lfunc_end0:
.L_simem_size_0:
called_computation.2_lowered:
.L_overlay_start_0:
0x88: {  	s2 =	sld [smem:$0x3FD9]  }
0x89: {  	s3 =	sld [smem:$0x3FFE];
	_ =	sdelay $0x1  }
0x8a: {  	s1 =	srdreg.scid  }
0x8b: {  	s0 =	sand.u32 $0x1, s1  }
0x8c: {  	s14 =	sshll.u32 s0, $0xA;
	s2 =	sadd.s32 s3, s2  }
0x8d: {  	s2 =	sadd.s32 s2, s14  }
0x8e: {  	[smem:$0x3FBC] =	sst s2  }
0x8f: {  	_ = 	snop  }
0x90: {  	s2 =	sld [smem:$0x3FD0];
	_ =	sdelay $0x2  }
0x91: {  	s15 =	simm.s32 $0xB;
	s4 =	simm.s32 $0x10  }
0x92: {  	[smem:s4], [sflag:s15] =	dma.local [hbm:s2], $0x1  }
0x93: {  	_ =	swait.eq [sflag:s15], $0x1  }
0x94: {  	[sflag:s15] =	ssyncset.done $0x0  }
0x95: {  	[sflag:s15] =	ssyncadd.s32 $0xFFFFFFFF  }
0x96: {  	s16 =	sld [smem:$0x13];
	(tm) =	ssettm $0x1  }
0x97: {  	s17 =	sld [smem:$0x3FFB];
	_ =	sdelay $0x3  }
0x98: {  	_ =	strace s17  }
0x99: {  	s3 =	sld [smem:$0x3FFC];
	_ =	sdelay $0x3  }
0x9a: {  	_ =	strace s3  }
0x9b: {  	s3 =	sld [smem:$0x3FFD];
	_ =	sdelay $0x3  }
0x9c: {  	_ =	strace s3  }
0x9d: {  	_ =	strace $0x8FFFFFFF  }
0x9e: {  	s18 =	sld [smem:$0x3FDB];
	_ =	sdelay $0x1  }
0x9f: {  	s19 =	simm.s32 $_scs_section_size  }
0xa0: {  	s5 =	simm.s32 $_size__tile_overlayer_lowered;
	s6 =	simm.s32 $_tile_overlayer_lowered  }
0xa1: {  	s22 =	simm.s32 $0x1BFF;
	s21 =	sshll.u32 s6, $0x1;
	s3 =	sadd.s32 s19, s18  }
0xa2: {  	s7 =	simm.s32 $0x0;
	s20 =	sshll.u32 s5, $0x1;
	s5 =	sadd.s32 s21, s3  }
0xa3: {  	[timem:s7], [sflag:s22] =	dma.local [hbm:s5], s20  }
0xa4: {  	_ =	swait.ge [sflag:s22], s20  }
0xa5: {  	s4 =	ssub.s32 $0x0, s20;
	[sflag:s22] =	ssyncset.done $0x0  }
0xa6: {  	[sflag:s22] =	ssyncadd.s32 s4;
	_ =	sdelay $0x1  }
0xa7: {  	s23 =	simm.s32 $0x1B8B  }
0xa8: {  	_ =	swait.ge [sflag:s23], $0x1  }
0xa9: {  	[sflag:s23] =	ssyncset.done $0x0  }
0xaa: {  	s25 =	simm.s32 $0x1B8E;
	s24 =	sld [smem:$0x3FFE];
	[sflag:s23] =	ssyncadd.s32 $0xFFFFFFFF  }
0xab: {  	s26 =	simm.s32 $execute0_lowered;
	[smem:$0x3FD2] =	sst s25  }
0xac: {  	s5 =	sshll.u32 s26, $0x1;
	_ =	strace $0x8000004C;
	[dreg:$0x1] =	wrdreg $0xFFFFFFFF  }
0xad: {  	s28 =	simm.s32 $_size_execute0_lowered;
	s3 =	sadd.s32 s3, s5;
	[dreg:$0x0] =	wrdreg $0x0  }
0xae: {  	s5 =	sshll.u32 s28, $0x1;
	[dreg:$0x2] =	wrdreg s3  }
0xaf: {  	[dreg:$0x3] =	wrdreg s5  }
0xb0: {  	[dreg:$0x4] =	wrdreg $0xC0  }
0xb1: {  	_ =	task [dreg:s7], $0x5FFFF  }
0xb2: {  	[dreg:$0x1] =	wrdreg $0xFFFFFFFF  }
0xb3: {  	[dreg:$0x0] =	wrdreg $0x60  }
0xb4: {  	[dreg:$0x2] =	wrdreg s24  }
0xb5: {  	[dreg:$0x3] =	wrdreg s16  }
0xb6: {  	[dreg:$0x4] =	wrdreg $0x9  }
0xb7: {  	_ =	task.clear_ibuf [dreg:s7], $0x5FFFF;
	_ =	strace $0x9000004C  }
0xb8: {  	s29 =	simm.s32 $0x9;
	_ =	strace $0x8000004E  }
0xb9: {  	_ =	swait.ge [sflag:s29], $0x1  }
0xba: {  	[sflag:s29] =	ssyncadd.s32 $0xFFFFFFFF  }
0xbb: {  	_ =	strace $0x9000004E  }
0xbc: {  	_ =	sfence  }
0xbd: {  	s30 =	sld [smem:$0x0];
	_ =	sdelay $0x2  }
0xbe: {  	s31 =	sshll.u32 s1, $0xD;
	s1 =	sshrl.u32 s1, $0x2  }
0xbf: {  	s3 =	sand.u32 $0x4000, s31;
	s1 =	sadd.s32 s1, s30  }
0xc0: {  	s0 =	sor.u32 s3, s0;
	s1 =	sshll.u32 s1, $0x11  }
0xc1: {  	s0 =	sor.u32 s1, s0  }
0xc2: {  	s0 =	sadd.s32 $0x8F2B, s0  }
0xc3: {  	[sflag:s0] =	ssyncadd.remote.s32 $0x1  }
0xc4: {  	_ =	sfence.sel $0xFFFF  }
0xc5: {  	[dreg:$0x0] =	wrdreg $0xFFFFFFFF;
	(pc) =	sbr.abs _section_cstart, $3  }
0xc6: {  	[dreg:$0x1] =	wrdreg $0xFFFFFFFF  }
0xc7: {  	_ =	task.clear_ibuf [dreg:s7], $0x2FFFF;
	_ =	strace $0x9FFFFFFF  }
0xc8: {  	(tm) =	ssettm $0x7FFFFFFF  }
0xc9: {  	_ =	shalt  }
tec
execute0_lowered:
.L_overlay_start_1:
0x0: {  	(tag) =	ssettag $0x1  }
0x1: {  	s0 =	srdreg.scid  }
0x2: {  	s1 =	stileid.u32;
	s5 =	rddreg [dreg:$0x0]  }
0x3: {  	s3 =	rddreg [dreg:$0x1];
	s0 =	sand.u32 $0x1, s0;
	s1 =	sshll.u32 s1, $0x1  }
0x4: {  	s2 =	simm.s32 $0x0;
	s19 =	simm.s32 $0x100;
	s1 =	sor.u32 s0, s1  }
0x5: {  	s21 =	simm.s32 $0x180;
	[smem:$0x7FF] =	sst s2;
	s4 =	smul.u32 $0x7800, s1  }
0x6: {  	_ =	strace $0x8000004D;
	[dreg:$0x5] =	wrdreg s19;
	s1 =	sshll.u32 s1, $0x8  }
0x7: {  	[dreg:$0x7] =	wrdreg s21;
	s1 =	sadd.s32 s3, s1;
	s4 =	sadd.s32 s4, s5  }
0x8: {  	[dreg:$0x3] =	wrdreg s1;
	s3 =	sadd.s32 $0x23D400, s4  }
0x9: {  	s6 =	rddreg [dreg:$0x3];
	s18 =	sadd.s32 $0x800, s3  }
0xa: {  	[tilespmem:s2], [sflag:$0x2] =	stream.linear.gather [hbm4b:s6+s2], $0x780, $0x38;
	[tilespmem:$0x4800] =	vst v63  }
0xb: {  	s20 =	sadd.s32 $0x1000, s3;
	[dreg:$0x4] =	wrdreg s18  }
0xc: {  	s4 =	simm.s32 $0x2;
	[dreg:$0x6] =	wrdreg s20  }
0xd: {  	_ =	swait.ge [sflag:s4], $0x780  }
0xe: {  	s7 =	simm.s32 $0x800;
	s8 =	simm.s32 $0x1;
	[sflag:s4] =	ssyncset.done $0x0  }
0xf: {  	s5 =	sadd.s32 $0x17D400, s5;
	s6 =	simm.s32 $0x80;
	[sflag:s4] =	ssyncadd.s32 $0xFFFFF880  }
0x10: {  	[tilespmem:s7], [sflag:$0x1] =	stream.indirect.gather [hbm4b:s5+s6], $0x80, s2, s6, $0xb8;
	[tilespmem:$0x4800] =	vst v63  }
0x11: {  	_ =	swait.ge [sflag:s8], $0x4000  }
0x12: {  	[sflag:s8] =	ssyncset.done $0x0  }
0x13: {  	[sflag:s8] =	ssyncadd.s32 $0xFFFFC000  }
0x14: {  	[hbm4b:s3+s2] =	stream.linear.scatter [tilespmem:s7], [sflag:$0x2], $0x4000, $0x38;
	[tilespmem:$0x4800] =	vst v63  }
0x15: {  	_ =	swait.ge [sflag:s4], $0x4000  }
0x16: {  	[sflag:s4] =	ssyncset.done $0x0  }
0x17: {  	[sflag:s4] =	ssyncadd.s32 $0xFFFFC000  }
0x18: {  	[tilespmem:s7], [sflag:$0x1] =	stream.indirect.gather [hbm4b:s5+s6], $0x80, s6, s6, $0xb8;
	[tilespmem:$0x4800] =	vst v63  }
0x19: {  	_ =	swait.ge [sflag:s8], $0x4000  }
0x1a: {  	[sflag:s8] =	ssyncset.done $0x0  }
0x1b: {  	s22 =	rddreg [dreg:$0x4];
	[sflag:s8] =	ssyncadd.s32 $0xFFFFC000  }
0x1c: {  	[hbm4b:s22+s2] =	stream.linear.scatter [tilespmem:s7], [sflag:$0x2], $0x4000, $0x38;
	[tilespmem:$0x4800] =	vst v63  }
0x1d: {  	_ =	swait.ge [sflag:s4], $0x4000  }
0x1e: {  	[sflag:s4] =	ssyncset.done $0x0  }
0x1f: {  	s23 =	rddreg [dreg:$0x5];
	[sflag:s4] =	ssyncadd.s32 $0xFFFFC000  }
0x20: {  	[tilespmem:s7], [sflag:$0x1] =	stream.indirect.gather [hbm4b:s5+s6], $0x80, s23, s6, $0xb8;
	[tilespmem:$0x4800] =	vst v63  }
0x21: {  	_ =	swait.ge [sflag:s8], $0x4000  }
0x22: {  	[sflag:s8] =	ssyncset.done $0x0  }
0x23: {  	s24 =	rddreg [dreg:$0x6];
	[sflag:s8] =	ssyncadd.s32 $0xFFFFC000  }
0x24: {  	[hbm4b:s24+s2] =	stream.linear.scatter [tilespmem:s7], [sflag:$0x2], $0x4000, $0x38;
	[tilespmem:$0x4800] =	vst v63  }
0x25: {  	_ =	swait.ge [sflag:s4], $0x4000  }
0x26: {  	[sflag:s4] =	ssyncset.done $0x0  }
0x27: {  	s25 =	rddreg [dreg:$0x7];
	[sflag:s4] =	ssyncadd.s32 $0xFFFFC000  }
0x28: {  	[tilespmem:s7], [sflag:$0x1] =	stream.indirect.gather [hbm4b:s5+s6], $0x80, s25, s6, $0xb8;
	[tilespmem:$0x4800] =	vst v63  }
0x29: {  	_ =	swait.ge [sflag:s8], $0x4000  }
0x2a: {  	[sflag:s8] =	ssyncset.done $0x0  }
0x2b: {  	s9 =	sadd.s32 $0x1800, s3;
	[sflag:s8] =	ssyncadd.s32 $0xFFFFC000  }
0x2c: {  	[hbm4b:s9+s2] =	stream.linear.scatter [tilespmem:s7], [sflag:$0x2], $0x4000, $0x38;
	[tilespmem:$0x4800] =	vst v63  }
0x2d: {  	_ =	swait.ge [sflag:s4], $0x4000  }
0x2e: {  	[sflag:s4] =	ssyncset.done $0x0  }
0x2f: {  	s26 =	simm.s32 $0x200;
	[sflag:s4] =	ssyncadd.s32 $0xFFFFC000  }
0x30: {  	[tilespmem:s7], [sflag:$0x1] =	stream.indirect.gather [hbm4b:s5+s6], $0x80, s26, s6, $0xb8;
	[tilespmem:$0x4800] =	vst v63  }
0x31: {  	_ =	swait.ge [sflag:s8], $0x4000  }
0x32: {  	[sflag:s8] =	ssyncset.done $0x0  }
0x33: {  	s11 =	sadd.s32 $0x2000, s3;
	[sflag:s8] =	ssyncadd.s32 $0xFFFFC000  }
0x34: {  	[hbm4b:s11+s2] =	stream.linear.scatter [tilespmem:s7], [sflag:$0x2], $0x4000, $0x38;
	[tilespmem:$0x4800] =	vst v63  }
0x35: {  	_ =	swait.ge [sflag:s4], $0x4000  }
0x36: {  	[sflag:s4] =	ssyncset.done $0x0  }
0x37: {  	s12 =	simm.s32 $0x280;
	[sflag:s4] =	ssyncadd.s32 $0xFFFFC000  }
0x38: {  	[tilespmem:s7], [sflag:$0x1] =	stream.indirect.gather [hbm4b:s5+s6], $0x80, s12, s6, $0xb8;
	[tilespmem:$0x4800] =	vst v63  }
0x39: {  	_ =	swait.ge [sflag:s8], $0x4000  }
0x3a: {  	[sflag:s8] =	ssyncset.done $0x0  }
0x3b: {  	s13 =	sadd.s32 $0x2800, s3;
	[sflag:s8] =	ssyncadd.s32 $0xFFFFC000  }
0x3c: {  	[hbm4b:s13+s2] =	stream.linear.scatter [tilespmem:s7], [sflag:$0x2], $0x4000, $0x38;
	[tilespmem:$0x4800] =	vst v63  }
0x3d: {  	_ =	swait.ge [sflag:s4], $0x4000  }
0x3e: {  	[sflag:s4] =	ssyncset.done $0x0  }
0x3f: {  	s14 =	simm.s32 $0x300;
	[sflag:s4] =	ssyncadd.s32 $0xFFFFC000  }
0x40: {  	[tilespmem:s7], [sflag:$0x1] =	stream.indirect.gather [hbm4b:s5+s6], $0x80, s14, s6, $0xb8;
	[tilespmem:$0x4800] =	vst v63  }
0x41: {  	_ =	swait.ge [sflag:s8], $0x4000  }
0x42: {  	[sflag:s8] =	ssyncset.done $0x0  }
0x43: {  	s15 =	sadd.s32 $0x3000, s3;
	[sflag:s8] =	ssyncadd.s32 $0xFFFFC000  }
0x44: {  	[hbm4b:s15+s2] =	stream.linear.scatter [tilespmem:s7], [sflag:$0x2], $0x4000, $0x38;
	[tilespmem:$0x4800] =	vst v63  }
0x45: {  	_ =	swait.ge [sflag:s4], $0x4000  }
0x46: {  	[sflag:s4] =	ssyncset.done $0x0  }
0x47: {  	s16 =	simm.s32 $0x380;
	[sflag:s4] =	ssyncadd.s32 $0xFFFFC000  }
0x48: {  	[tilespmem:s7], [sflag:$0x1] =	stream.indirect.gather [hbm4b:s5+s6], $0x80, s16, s6, $0xb8;
	[tilespmem:$0x4800] =	vst v63  }
0x49: {  	_ =	swait.ge [sflag:s8], $0x4000  }
0x4a: {  	[sflag:s8] =	ssyncset.done $0x0  }
0x4b: {  	s17 =	sadd.s32 $0x3800, s3;
	[sflag:s8] =	ssyncadd.s32 $0xFFFFC000  }
0x4c: {  	[hbm4b:s17+s2] =	stream.linear.scatter [tilespmem:s7], [sflag:$0x2], $0x4000, $0x38;
	[tilespmem:$0x4800] =	vst v63  }
0x4d: {  	_ =	swait.ge [sflag:s4], $0x4000  }
0x4e: {  	[sflag:s4] =	ssyncset.done $0x0  }
0x4f: {  	s18 =	simm.s32 $0x400;
	[sflag:s4] =	ssyncadd.s32 $0xFFFFC000  }
0x50: {  	[tilespmem:s7], [sflag:$0x1] =	stream.indirect.gather [hbm4b:s5+s6], $0x80, s18, s6, $0xb8;
	[tilespmem:$0x4800] =	vst v63  }
0x51: {  	_ =	swait.ge [sflag:s8], $0x4000  }
0x52: {  	[sflag:s8] =	ssyncset.done $0x0  }
0x53: {  	s19 =	sadd.s32 $0x4000, s3;
	[sflag:s8] =	ssyncadd.s32 $0xFFFFC000  }
0x54: {  	[hbm4b:s19+s2] =	stream.linear.scatter [tilespmem:s7], [sflag:$0x2], $0x4000, $0x38;
	[tilespmem:$0x4800] =	vst v63  }
0x55: {  	_ =	swait.ge [sflag:s4], $0x4000  }
0x56: {  	[sflag:s4] =	ssyncset.done $0x0  }
0x57: {  	s20 =	simm.s32 $0x480;
	[sflag:s4] =	ssyncadd.s32 $0xFFFFC000  }
0x58: {  	[tilespmem:s7], [sflag:$0x1] =	stream.indirect.gather [hbm4b:s5+s6], $0x80, s20, s6, $0xb8;
	[tilespmem:$0x4800] =	vst v63  }
0x59: {  	_ =	swait.ge [sflag:s8], $0x4000  }
0x5a: {  	[sflag:s8] =	ssyncset.done $0x0  }
0x5b: {  	s21 =	sadd.s32 $0x4800, s3;
	[sflag:s8] =	ssyncadd.s32 $0xFFFFC000  }
0x5c: {  	[hbm4b:s21+s2] =	stream.linear.scatter [tilespmem:s7], [sflag:$0x2], $0x4000, $0x38;
	[tilespmem:$0x4800] =	vst v63  }
0x5d: {  	_ =	swait.ge [sflag:s4], $0x4000  }
0x5e: {  	[sflag:s4] =	ssyncset.done $0x0  }
0x5f: {  	s22 =	simm.s32 $0x500;
	[sflag:s4] =	ssyncadd.s32 $0xFFFFC000  }
0x60: {  	[tilespmem:s7], [sflag:$0x1] =	stream.indirect.gather [hbm4b:s5+s6], $0x80, s22, s6, $0xb8;
	[tilespmem:$0x4800] =	vst v63  }
0x61: {  	_ =	swait.ge [sflag:s8], $0x4000  }
0x62: {  	[sflag:s8] =	ssyncset.done $0x0  }
0x63: {  	s23 =	sadd.s32 $0x5000, s3;
	[sflag:s8] =	ssyncadd.s32 $0xFFFFC000  }
0x64: {  	[hbm4b:s23+s2] =	stream.linear.scatter [tilespmem:s7], [sflag:$0x2], $0x4000, $0x38;
	[tilespmem:$0x4800] =	vst v63  }
0x65: {  	_ =	swait.ge [sflag:s4], $0x4000  }
0x66: {  	[sflag:s4] =	ssyncset.done $0x0  }
0x67: {  	s24 =	simm.s32 $0x580;
	[sflag:s4] =	ssyncadd.s32 $0xFFFFC000  }
0x68: {  	[tilespmem:s7], [sflag:$0x1] =	stream.indirect.gather [hbm4b:s5+s6], $0x80, s24, s6, $0xb8;
	[tilespmem:$0x4800] =	vst v63  }
0x69: {  	_ =	swait.ge [sflag:s8], $0x4000  }
0x6a: {  	[sflag:s8] =	ssyncset.done $0x0  }
0x6b: {  	s25 =	sadd.s32 $0x5800, s3;
	[sflag:s8] =	ssyncadd.s32 $0xFFFFC000  }
0x6c: {  	[hbm4b:s25+s2] =	stream.linear.scatter [tilespmem:s7], [sflag:$0x2], $0x4000, $0x38;
	[tilespmem:$0x4800] =	vst v63  }
0x6d: {  	_ =	swait.ge [sflag:s4], $0x4000  }
0x6e: {  	[sflag:s4] =	ssyncset.done $0x0  }
0x6f: {  	s26 =	simm.s32 $0x600;
	[sflag:s4] =	ssyncadd.s32 $0xFFFFC000  }
0x70: {  	[tilespmem:s7], [sflag:$0x1] =	stream.indirect.gather [hbm4b:s5+s6], $0x80, s26, s6, $0xb8;
	[tilespmem:$0x4800] =	vst v63  }
0x71: {  	_ =	swait.ge [sflag:s8], $0x4000  }
0x72: {  	[sflag:s8] =	ssyncset.done $0x0  }
0x73: {  	s28 =	sadd.s32 $0x6000, s3;
	[sflag:s8] =	ssyncadd.s32 $0xFFFFC000  }
0x74: {  	[hbm4b:s28+s2] =	stream.linear.scatter [tilespmem:s7], [sflag:$0x2], $0x4000, $0x38;
	[tilespmem:$0x4800] =	vst v63  }
0x75: {  	_ =	swait.ge [sflag:s4], $0x4000  }
0x76: {  	[sflag:s4] =	ssyncset.done $0x0  }
0x77: {  	s29 =	simm.s32 $0x680;
	[sflag:s4] =	ssyncadd.s32 $0xFFFFC000  }
0x78: {  	[tilespmem:s7], [sflag:$0x1] =	stream.indirect.gather [hbm4b:s5+s6], $0x80, s29, s6, $0xb8;
	[tilespmem:$0x4800] =	vst v63  }
0x79: {  	_ =	swait.ge [sflag:s8], $0x4000  }
0x7a: {  	s0 =	ssub.s32 $0x2, s0;
	[sflag:s8] =	ssyncset.done $0x0  }
0x7b: {  	s10 =	sshrl.u32 s0, $0x1;
	s30 =	sadd.s32 $0x6800, s3;
	[sflag:s8] =	ssyncadd.s32 $0xFFFFC000  }
0x7c: {  	[hbm4b:s30+s2] =	stream.linear.scatter [tilespmem:s7], [sflag:$0x2], $0x4000, $0x38;
	[tilespmem:$0x4800] =	vst v63  }
0x7d: {  	s0 =	ssub.s32 s0, s10;
	_ =	swait.ge [sflag:s4], $0x4000  }
0x7e: {  	s0 =	smax.u32 s0, $0x1;
	[sflag:s4] =	ssyncset.done $0x0  }
0x7f: {  	s31 =	simm.s32 $0x700;
	p0 =	sne.s32 s0, $0x1;
	[sflag:s4] =	ssyncadd.s32 $0xFFFFC000  }
0x80: {  	[tilespmem:s7], [sflag:$0x1] =	stream.indirect.gather [hbm4b:s5+s6], $0x80, s31, s6, $0xb8;
	[tilespmem:$0x4800] =	vst v63  }
.Ltmp0:
0x81: {  	_ =	swait.ge [sflag:s8], $0x4000;
	(pc) =	sbr.rel @!p0 .LBB2_2-.Ltmp0, $4  }
0x82: {  	[sflag:s8] =	ssyncset.done $0x0  }
0x83: {  	s1 =	sadd.s32 $0x7000, s3;
	[sflag:s8] =	ssyncadd.s32 $0xFFFFC000  }
0x84: {  	[hbm4b:s1+s2] =	stream.linear.scatter [tilespmem:s7], [sflag:$0x2], $0x4000, $0x38;
	[tilespmem:$0x4800] =	vst v63  }
0x85: {  	s0 =	sadd.s32 $0xFFFFFFFF, s0;
	_ =	swait.ge [sflag:s4], $0x4000  }
.LBB2_1:
0x86: {  	[sflag:s4] =	ssyncset.done $0x0  }
0x87: {  	s10 =	rddreg [dreg:$0x3];
	[sflag:s4] =	ssyncadd.s32 $0xFFFFC000  }
0x88: {  	[tilespmem:s2], [sflag:$0x2] =	stream.linear.gather [hbm4b:s10+s2], $0x780, $0x38;
	[tilespmem:$0x4800] =	vst v63  }
0x89: {  	_ =	swait.ge [sflag:s4], $0x780  }
0x8a: {  	[sflag:s4] =	ssyncset.done $0x0  }
0x8b: {  	[sflag:s4] =	ssyncadd.s32 $0xFFFFF880  }
0x8c: {  	[tilespmem:s7], [sflag:$0x1] =	stream.indirect.gather [hbm4b:s5+s6], $0x80, s2, s6, $0xb8;
	[tilespmem:$0x4800] =	vst v63  }
0x8d: {  	_ =	swait.ge [sflag:s8], $0x4000  }
0x8e: {  	[sflag:s8] =	ssyncset.done $0x0  }
0x8f: {  	[sflag:s8] =	ssyncadd.s32 $0xFFFFC000  }
0x90: {  	[hbm4b:s3+s2] =	stream.linear.scatter [tilespmem:s7], [sflag:$0x2], $0x4000, $0x38;
	[tilespmem:$0x4800] =	vst v63  }
0x91: {  	_ =	swait.ge [sflag:s4], $0x4000  }
0x92: {  	[sflag:s4] =	ssyncset.done $0x0  }
0x93: {  	[sflag:s4] =	ssyncadd.s32 $0xFFFFC000  }
0x94: {  	[tilespmem:s7], [sflag:$0x1] =	stream.indirect.gather [hbm4b:s5+s6], $0x80, s6, s6, $0xb8;
	[tilespmem:$0x4800] =	vst v63  }
0x95: {  	_ =	swait.ge [sflag:s8], $0x4000  }
0x96: {  	[sflag:s8] =	ssyncset.done $0x0  }
0x97: {  	s10 =	rddreg [dreg:$0x4];
	[sflag:s8] =	ssyncadd.s32 $0xFFFFC000  }
0x98: {  	[hbm4b:s10+s2] =	stream.linear.scatter [tilespmem:s7], [sflag:$0x2], $0x4000, $0x38;
	[tilespmem:$0x4800] =	vst v63  }
0x99: {  	_ =	swait.ge [sflag:s4], $0x4000  }
0x9a: {  	[sflag:s4] =	ssyncset.done $0x0  }
0x9b: {  	s10 =	rddreg [dreg:$0x5];
	[sflag:s4] =	ssyncadd.s32 $0xFFFFC000  }
0x9c: {  	[tilespmem:s7], [sflag:$0x1] =	stream.indirect.gather [hbm4b:s5+s6], $0x80, s10, s6, $0xb8;
	[tilespmem:$0x4800] =	vst v63  }
0x9d: {  	_ =	swait.ge [sflag:s8], $0x4000  }
0x9e: {  	[sflag:s8] =	ssyncset.done $0x0  }
0x9f: {  	s10 =	rddreg [dreg:$0x6];
	[sflag:s8] =	ssyncadd.s32 $0xFFFFC000  }
0xa0: {  	[hbm4b:s10+s2] =	stream.linear.scatter [tilespmem:s7], [sflag:$0x2], $0x4000, $0x38;
	[tilespmem:$0x4800] =	vst v63  }
0xa1: {  	_ =	swait.ge [sflag:s4], $0x4000  }
0xa2: {  	[sflag:s4] =	ssyncset.done $0x0  }
0xa3: {  	s10 =	rddreg [dreg:$0x7];
	[sflag:s4] =	ssyncadd.s32 $0xFFFFC000  }
0xa4: {  	[tilespmem:s7], [sflag:$0x1] =	stream.indirect.gather [hbm4b:s5+s6], $0x80, s10, s6, $0xb8;
	[tilespmem:$0x4800] =	vst v63  }
0xa5: {  	_ =	swait.ge [sflag:s8], $0x4000  }
0xa6: {  	[sflag:s8] =	ssyncset.done $0x0  }
0xa7: {  	[sflag:s8] =	ssyncadd.s32 $0xFFFFC000  }
0xa8: {  	[hbm4b:s9+s2] =	stream.linear.scatter [tilespmem:s7], [sflag:$0x2], $0x4000, $0x38;
	[tilespmem:$0x4800] =	vst v63  }
0xa9: {  	_ =	swait.ge [sflag:s4], $0x4000  }
0xaa: {  	[sflag:s4] =	ssyncset.done $0x0  }
0xab: {  	s10 =	simm.s32 $0x200;
	[sflag:s4] =	ssyncadd.s32 $0xFFFFC000  }
0xac: {  	[tilespmem:s7], [sflag:$0x1] =	stream.indirect.gather [hbm4b:s5+s6], $0x80, s10, s6, $0xb8;
	[tilespmem:$0x4800] =	vst v63  }
0xad: {  	_ =	swait.ge [sflag:s8], $0x4000  }
0xae: {  	[sflag:s8] =	ssyncset.done $0x0  }
0xaf: {  	[sflag:s8] =	ssyncadd.s32 $0xFFFFC000  }
0xb0: {  	[hbm4b:s11+s2] =	stream.linear.scatter [tilespmem:s7], [sflag:$0x2], $0x4000, $0x38;
	[tilespmem:$0x4800] =	vst v63  }
0xb1: {  	_ =	swait.ge [sflag:s4], $0x4000  }
0xb2: {  	[sflag:s4] =	ssyncset.done $0x0  }
0xb3: {  	[sflag:s4] =	ssyncadd.s32 $0xFFFFC000  }
0xb4: {  	[tilespmem:s7], [sflag:$0x1] =	stream.indirect.gather [hbm4b:s5+s6], $0x80, s12, s6, $0xb8;
	[tilespmem:$0x4800] =	vst v63  }
0xb5: {  	_ =	swait.ge [sflag:s8], $0x4000  }
0xb6: {  	[sflag:s8] =	ssyncset.done $0x0  }
0xb7: {  	[sflag:s8] =	ssyncadd.s32 $0xFFFFC000  }
0xb8: {  	[hbm4b:s13+s2] =	stream.linear.scatter [tilespmem:s7], [sflag:$0x2], $0x4000, $0x38;
	[tilespmem:$0x4800] =	vst v63  }
0xb9: {  	_ =	swait.ge [sflag:s4], $0x4000  }
0xba: {  	[sflag:s4] =	ssyncset.done $0x0  }
0xbb: {  	[sflag:s4] =	ssyncadd.s32 $0xFFFFC000  }
0xbc: {  	[tilespmem:s7], [sflag:$0x1] =	stream.indirect.gather [hbm4b:s5+s6], $0x80, s14, s6, $0xb8;
	[tilespmem:$0x4800] =	vst v63  }
0xbd: {  	_ =	swait.ge [sflag:s8], $0x4000  }
0xbe: {  	[sflag:s8] =	ssyncset.done $0x0  }
0xbf: {  	[sflag:s8] =	ssyncadd.s32 $0xFFFFC000  }
0xc0: {  	[hbm4b:s15+s2] =	stream.linear.scatter [tilespmem:s7], [sflag:$0x2], $0x4000, $0x38;
	[tilespmem:$0x4800] =	vst v63  }
0xc1: {  	_ =	swait.ge [sflag:s4], $0x4000  }
0xc2: {  	[sflag:s4] =	ssyncset.done $0x0  }
0xc3: {  	[sflag:s4] =	ssyncadd.s32 $0xFFFFC000  }
0xc4: {  	[tilespmem:s7], [sflag:$0x1] =	stream.indirect.gather [hbm4b:s5+s6], $0x80, s16, s6, $0xb8;
	[tilespmem:$0x4800] =	vst v63  }
0xc5: {  	_ =	swait.ge [sflag:s8], $0x4000  }
0xc6: {  	[sflag:s8] =	ssyncset.done $0x0  }
0xc7: {  	[sflag:s8] =	ssyncadd.s32 $0xFFFFC000  }
0xc8: {  	[hbm4b:s17+s2] =	stream.linear.scatter [tilespmem:s7], [sflag:$0x2], $0x4000, $0x38;
	[tilespmem:$0x4800] =	vst v63  }
0xc9: {  	_ =	swait.ge [sflag:s4], $0x4000  }
0xca: {  	[sflag:s4] =	ssyncset.done $0x0  }
0xcb: {  	[sflag:s4] =	ssyncadd.s32 $0xFFFFC000  }
0xcc: {  	[tilespmem:s7], [sflag:$0x1] =	stream.indirect.gather [hbm4b:s5+s6], $0x80, s18, s6, $0xb8;
	[tilespmem:$0x4800] =	vst v63  }
0xcd: {  	_ =	swait.ge [sflag:s8], $0x4000  }
0xce: {  	[sflag:s8] =	ssyncset.done $0x0  }
0xcf: {  	[sflag:s8] =	ssyncadd.s32 $0xFFFFC000  }
0xd0: {  	[hbm4b:s19+s2] =	stream.linear.scatter [tilespmem:s7], [sflag:$0x2], $0x4000, $0x38;
	[tilespmem:$0x4800] =	vst v63  }
0xd1: {  	_ =	swait.ge [sflag:s4], $0x4000  }
0xd2: {  	[sflag:s4] =	ssyncset.done $0x0  }
0xd3: {  	[sflag:s4] =	ssyncadd.s32 $0xFFFFC000  }
0xd4: {  	[tilespmem:s7], [sflag:$0x1] =	stream.indirect.gather [hbm4b:s5+s6], $0x80, s20, s6, $0xb8;
	[tilespmem:$0x4800] =	vst v63  }
0xd5: {  	_ =	swait.ge [sflag:s8], $0x4000  }
0xd6: {  	[sflag:s8] =	ssyncset.done $0x0  }
0xd7: {  	[sflag:s8] =	ssyncadd.s32 $0xFFFFC000  }
0xd8: {  	[hbm4b:s21+s2] =	stream.linear.scatter [tilespmem:s7], [sflag:$0x2], $0x4000, $0x38;
	[tilespmem:$0x4800] =	vst v63  }
0xd9: {  	_ =	swait.ge [sflag:s4], $0x4000  }
0xda: {  	[sflag:s4] =	ssyncset.done $0x0  }
0xdb: {  	[sflag:s4] =	ssyncadd.s32 $0xFFFFC000  }
0xdc: {  	[tilespmem:s7], [sflag:$0x1] =	stream.indirect.gather [hbm4b:s5+s6], $0x80, s22, s6, $0xb8;
	[tilespmem:$0x4800] =	vst v63  }
0xdd: {  	_ =	swait.ge [sflag:s8], $0x4000  }
0xde: {  	[sflag:s8] =	ssyncset.done $0x0  }
0xdf: {  	[sflag:s8] =	ssyncadd.s32 $0xFFFFC000  }
0xe0: {  	[hbm4b:s23+s2] =	stream.linear.scatter [tilespmem:s7], [sflag:$0x2], $0x4000, $0x38;
	[tilespmem:$0x4800] =	vst v63  }
0xe1: {  	_ =	swait.ge [sflag:s4], $0x4000  }
0xe2: {  	[sflag:s4] =	ssyncset.done $0x0  }
0xe3: {  	[sflag:s4] =	ssyncadd.s32 $0xFFFFC000  }
0xe4: {  	[tilespmem:s7], [sflag:$0x1] =	stream.indirect.gather [hbm4b:s5+s6], $0x80, s24, s6, $0xb8;
	[tilespmem:$0x4800] =	vst v63  }
0xe5: {  	_ =	swait.ge [sflag:s8], $0x4000  }
0xe6: {  	[sflag:s8] =	ssyncset.done $0x0  }
0xe7: {  	[sflag:s8] =	ssyncadd.s32 $0xFFFFC000  }
0xe8: {  	[hbm4b:s25+s2] =	stream.linear.scatter [tilespmem:s7], [sflag:$0x2], $0x4000, $0x38;
	[tilespmem:$0x4800] =	vst v63  }
0xe9: {  	_ =	swait.ge [sflag:s4], $0x4000  }
0xea: {  	[sflag:s4] =	ssyncset.done $0x0  }
0xeb: {  	[sflag:s4] =	ssyncadd.s32 $0xFFFFC000  }
0xec: {  	[tilespmem:s7], [sflag:$0x1] =	stream.indirect.gather [hbm4b:s5+s6], $0x80, s26, s6, $0xb8;
	[tilespmem:$0x4800] =	vst v63  }
0xed: {  	_ =	swait.ge [sflag:s8], $0x4000  }
0xee: {  	[sflag:s8] =	ssyncset.done $0x0  }
0xef: {  	[sflag:s8] =	ssyncadd.s32 $0xFFFFC000  }
0xf0: {  	[hbm4b:s28+s2] =	stream.linear.scatter [tilespmem:s7], [sflag:$0x2], $0x4000, $0x38;
	[tilespmem:$0x4800] =	vst v63  }
0xf1: {  	_ =	swait.ge [sflag:s4], $0x4000  }
0xf2: {  	[sflag:s4] =	ssyncset.done $0x0  }
0xf3: {  	[sflag:s4] =	ssyncadd.s32 $0xFFFFC000  }
0xf4: {  	[tilespmem:s7], [sflag:$0x1] =	stream.indirect.gather [hbm4b:s5+s6], $0x80, s29, s6, $0xb8;
	[tilespmem:$0x4800] =	vst v63  }
0xf5: {  	_ =	swait.ge [sflag:s8], $0x4000  }
0xf6: {  	[sflag:s8] =	ssyncset.done $0x0  }
0xf7: {  	[sflag:s8] =	ssyncadd.s32 $0xFFFFC000  }
0xf8: {  	[hbm4b:s30+s2] =	stream.linear.scatter [tilespmem:s7], [sflag:$0x2], $0x4000, $0x38;
	[tilespmem:$0x4800] =	vst v63  }
0xf9: {  	_ =	swait.ge [sflag:s4], $0x4000  }
0xfa: {  	[sflag:s4] =	ssyncset.done $0x0  }
0xfb: {  	p0 =	sne.s32 s0, $0x1;
	[sflag:s4] =	ssyncadd.s32 $0xFFFFC000  }
0xfc: {  	[tilespmem:s7], [sflag:$0x1] =	stream.indirect.gather [hbm4b:s5+s6], $0x80, s31, s6, $0xb8;
	[tilespmem:$0x4800] =	vst v63  }
.Ltmp1:
0xfd: {  	_ =	swait.ge [sflag:s8], $0x4000;
	(pc) =	sbr.rel @p0 .LBB2_1-.Ltmp1, $4  }
0xfe: {  	[sflag:s8] =	ssyncset.done $0x0  }
0xff: {  	[sflag:s8] =	ssyncadd.s32 $0xFFFFC000  }
0x100: {  	[hbm4b:s1+s2] =	stream.linear.scatter [tilespmem:s7], [sflag:$0x2], $0x4000, $0x38;
	[tilespmem:$0x4800] =	vst v63  }
0x101: {  	s0 =	sadd.s32 $0xFFFFFFFF, s0;
	_ =	swait.ge [sflag:s4], $0x4000  }
.LBB2_2:
0x102: {  	[sflag:s4] =	ssyncset.done $0x0  }
0x103: {  	[sflag:s4] =	ssyncadd.s32 $0xFFFFC000  }
0x104: {  	_ =	sfence.sel $0x180000  }
0x105: {  	[bflag:$0x0] =	sbarrier.arrive $0xFFFF  }
0x106: {  	_ =	strace $0x9000004D  }
0x107: {  	s0 =	stileid.u32;
	[bflag:$0x2] =	sbarrier.arrive $0xFFFF  }
0x108: {  	p0 =	sne.s32 s0, $0x0;
	s0 =	rddreg [dreg:$0x2]  }
0x109: {  	s0 =	sadd.s32 @!p0 $0x100000, s0  }
0x10a: {  	[sflag:s0] =	ssyncadd.tile.s32 @!p0 $0x1;
	_ =	shalt  }
.Lfunc_end2:
_tile_overlayer_lowered:
.L_overlay_start_2:
0x10b: {  	(tag) =	ssettag $0x2  }
0x10c: {  	s0 =	rddreg [dreg:$0x0];
	s2 =	stileid.u32  }
0x10d: {  	s1 =	rddreg [dreg:$0x1];
	p0 =	sne.s32 s2, $0x0  }
0x10e: {  	s3 =	rddreg [dreg:$0x2];
	[bflag:$0x3] =	sbarrier.arrive $0xFFFF;
	s2 =	simm.s32 @!p0 $0x1C02  }
0x10f: {  	[timem:s3], [sflag:s2] =	dma.local @!p0 [hbm:s0], s1  }
0x110: {  	s0 =	simm.s32 @!p0 $0x2  }
0x111: {  	_ =	swait.ge @!p0 [sflag:s0], s1  }
0x112: {  	s1 =	ssub.s32 @!p0 $0x0, s1;
	[sflag:s0] =	ssyncset.done @!p0 $0x0  }
0x113: {  	[sflag:s0] =	ssyncadd.s32 @!p0 s1  }
0x114: {  	[bflag:$0x3] =	sbarrier.arrive $0xFFFF  }
0x115: {  	_ =	shalt  }

// kernel: scatter_offload_async_start.1
scs
__scs_entry_jumppad:
0x0: {  	(pc) =	sbr.rel $0x88, $3  }
0x1: {  	(tag) =	ssettag $0x0;
	lr =	simm.s32 $0x1  }
0x2: {  	[smem:$0x3F95] =	sst lr;
	_ =	strace $0xD0000000  }
0x3: {  	_ = 	snop  }
0x4: {  	_ = 	snop  }
0x5: {  	_ = 	snop  }
0x6: {  	_ = 	snop  }
0x7: {  	_ = 	snop  }
__scs_overlays_trampoline_lowered:
0x8: {  	[smem:$0x3FA4] =	sst s0  }
0x9: {  	[smem:$0x3FA5] =	sst s1  }
0xa: {  	[smem:$0x3FA6] =	sst s2  }
0xb: {  	[smem:$0x3FA7] =	sst s3  }
0xc: {  	[smem:$0x3FA8] =	sst s4  }
0xd: {  	[smem:$0x3FA9] =	sst s5  }
0xe: {  	[smem:$0x3FAA] =	sst s6  }
0xf: {  	[smem:$0x3FAB] =	sst s7  }
0x10: {  	[smem:$0x3FAC] =	sst s8  }
0x11: {  	[smem:$0x3FAD] =	sst s9;
	s0 =	simm.s32 @!p0 $0x0  }
0x12: {  	s1 =	sld [smem:$0x3F93];
	s0 =	simm.s32 @p0 $0x1  }
0x13: {  	[smem:$0x3FAE] =	sst s0;
	s0 =	simm.s32 @!p1 $0x0  }
0x14: {  	s2 =	sld [smem:$0x3F92];
	s0 =	simm.s32 @p1 $0x1  }
0x15: {  	[smem:$0x3FAF] =	sst s0;
	s0 =	simm.s32 @!p2 $0x0  }
0x16: {  	s3 =	sld [smem:$0x3FDB];
	s0 =	simm.s32 @p2 $0x1  }
0x17: {  	s4 =	simm.s32 $0x1BF5;
	[smem:$0x3FB1] =	sst s0  }
0x18: {  	s0 =	sld [smem:$0x3F94];
	_ =	swait.ge [sflag:s4], $0x0  }
0x19: {  	s7 =	sld [smem:$0x3F95]  }
0x1a: {  	s8 =	sadd.s32 $0xFFFFE003, lr  }
0x1b: {  	s9 =	sadd.s32 $0xFFFFFEF7, lr;
	s5 =	simm.s32 $0xFFFFFFFF;
	p2 =	slt.u32 s8, $0xFFFFF086  }
0x1c: {  	p1 =	slt.u32 s9, $0xF7A;
	s5 =	simm.s32 @!p2 $0x0  }
0x1d: {  	s5 =	simm.s32 @p1 $0x1;
	p0 =	seq.s32 s7, s2  }
0x1e: {  	s7 =	smul.u32 @!p0 $0xF7A, s2;
	p2 =	seq.s32 @!p0 s5, $0x0  }
0x1f: {  	s9 =	smul.u32 $0xF7A, s1;
	s8 =	simm.s32 @!p0 $0x1BF5;
	p2 =	por !p2, p0  }
0x20: {  	[sflag:s8] =	ssyncset.s32 @!p0 $0xFFFFF086;
	s6 =	sadd.s32 @!p0 s3, s7;
	s7 =	simm.s32 @!p0 $0x108  }
0x21: {  	s3 =	sadd.s32 s3, s9;
	s6 =	sadd.s32 @!p0 $0x88, s6;
	s7 =	simm.s32 @p2 $0x1082  }
0x22: {  	[simem:s7], [sflag:s8] =	dma.local @!p0 [hbm:s6], $0xF7A  }
0x23: {  	s9 =	sor.u32 $0xD0000000, s2;
	s6 =	simm.s32 $0x108;
	_ =	swait.ge @!p0 [sflag:s8], $0x0  }
0x24: {  	s3 =	sadd.s32 $0x88, s3;
	s6 =	simm.s32 @!p1 $0x1082;
	[sflag:s4] =	ssyncset.s32 $0xFFFFF086  }
0x25: {  	[simem:s6], [sflag:s4] =	dma.local [hbm:s3], $0xF7A  }
0x26: {  	[smem:$0x3F95] =	sst s1;
	(tag) =	ssettag s2;
	_ =	strace s9  }
0x27: {  	s1 =	sld [smem:$0x3FA5]  }
0x28: {  	s2 =	sld [smem:$0x3FA6]  }
0x29: {  	s4 =	sld [smem:$0x3FA8]  }
0x2a: {  	p0 =	seq.s32 s5, $0x0;
	s5 =	sld [smem:$0x3FA9]  }
0x2b: {  	s6 =	sld [smem:$0x3FAA]  }
0x2c: {  	s7 =	sld [smem:$0x3FAB]  }
0x2d: {  	s3 =	simm.s32 $0x108;
	s8 =	sld [smem:$0x3FAC]  }
0x2e: {  	s3 =	simm.s32 @!p0 $0x1082;
	s9 =	sld [smem:$0x3FAD]  }
0x2f: {  	lr =	sadd.s32 s0, s3;
	s0 =	sld [smem:$0x3FA4]  }
0x30: {  	s3 =	sld [smem:$0x3FA7]  }
0x31: {  	[smem:$0x3FB0] =	sst s10  }
0x32: {  	s10 =	sld [smem:$0x3FAE];
	_ =	sdelay $0x3  }
0x33: {  	p0 =	seq.s32 s10, $0x1;
	s10 =	sld [smem:$0x3FB0];
	_ =	sdelay $0x3  }
0x34: {  	[smem:$0x3FB0] =	sst s10  }
0x35: {  	s10 =	sld [smem:$0x3FAF];
	_ =	sdelay $0x3  }
0x36: {  	p1 =	seq.s32 s10, $0x1;
	s10 =	sld [smem:$0x3FB0];
	_ =	sdelay $0x3  }
0x37: {  	[smem:$0x3FB0] =	sst s10  }
0x38: {  	s10 =	sld [smem:$0x3FB1]  }
0x39: {  	_ = 	snop;
	(pc) =	sbr.ind lr, $3  }
0x3a: {  	_ = 	snop  }
0x3b: {  	_ = 	snop  }
0x3c: {  	p2 =	seq.s32 s10, $0x1;
	s10 =	sld [smem:$0x3FB0]  }
0x3d: {  	_ =	shalt  }
0x3e: {  	_ =	shalt  }
0x3f: {  	_ =	shalt  }
0x40: {  	_ =	shalt  }
0x41: {  	_ =	shalt  }
0x42: {  	_ =	shalt  }
0x43: {  	_ =	shalt  }
0x44: {  	_ =	shalt  }
0x45: {  	_ =	shalt  }
0x46: {  	_ =	shalt  }
0x47: {  	_ =	shalt  }
0x48: {  	_ =	shalt  }
0x49: {  	_ =	shalt  }
0x4a: {  	_ =	shalt  }
0x4b: {  	_ =	shalt  }
0x4c: {  	_ =	shalt  }
0x4d: {  	_ =	shalt  }
0x4e: {  	_ =	shalt  }
0x4f: {  	_ =	shalt  }
0x50: {  	_ =	shalt  }
0x51: {  	_ =	shalt  }
0x52: {  	_ =	shalt  }
0x53: {  	_ =	shalt  }
0x54: {  	_ =	shalt  }
0x55: {  	_ =	shalt  }
0x56: {  	_ =	shalt  }
0x57: {  	_ =	shalt  }
0x58: {  	_ =	shalt  }
0x59: {  	_ =	shalt  }
0x5a: {  	_ =	shalt  }
0x5b: {  	_ =	shalt  }
0x5c: {  	_ =	shalt  }
0x5d: {  	_ =	shalt  }
0x5e: {  	_ =	shalt  }
0x5f: {  	_ =	shalt  }
0x60: {  	_ =	shalt  }
0x61: {  	_ =	shalt  }
0x62: {  	_ =	shalt  }
0x63: {  	_ =	shalt  }
0x64: {  	_ =	shalt  }
0x65: {  	_ =	shalt  }
0x66: {  	_ =	shalt  }
0x67: {  	_ =	shalt  }
0x68: {  	_ =	shalt  }
0x69: {  	_ =	shalt  }
0x6a: {  	_ =	shalt  }
0x6b: {  	_ =	shalt  }
0x6c: {  	_ =	shalt  }
0x6d: {  	_ =	shalt  }
0x6e: {  	_ =	shalt  }
0x6f: {  	_ =	shalt  }
0x70: {  	_ =	shalt  }
0x71: {  	_ =	shalt  }
0x72: {  	_ =	shalt  }
0x73: {  	_ =	shalt  }
0x74: {  	_ =	shalt  }
0x75: {  	_ =	shalt  }
0x76: {  	_ =	shalt  }
0x77: {  	_ =	shalt  }
0x78: {  	_ =	shalt  }
0x79: {  	_ =	shalt  }
0x7a: {  	_ =	shalt  }
0x7b: {  	_ =	shalt  }
0x7c: {  	_ =	shalt  }
0x7d: {  	_ =	shalt  }
0x7e: {  	_ =	shalt  }
0x7f: {  	_ =	shalt  }
0x80: {  	_ =	shalt  }
0x81: {  	_ =	shalt  }
0x82: {  	_ =	shalt  }
0x83: {  	_ =	shalt  }
0x84: {  	_ =	shalt  }
0x85: {  	_ =	shalt  }
0x86: {  	_ =	shalt  }
0x87: {  	_ =	shalt  }
.Lfunc_end0:
.L_simem_size_0:
called_computation.1_lowered:
.L_overlay_start_0:
0x88: {  	s0 =	sld [smem:$0x3FD9]  }
0x89: {  	s1 =	sld [smem:$0x3FFE];
	_ =	sdelay $0x3  }
0x8a: {  	s0 =	sadd.s32 s1, s0  }
0x8b: {  	[smem:$0x3FBC] =	sst s0  }
0x8c: {  	_ = 	snop  }
0x8d: {  	s0 =	sld [smem:$0x3FD0];
	_ =	sdelay $0x2  }
0x8e: {  	s14 =	simm.s32 $0xB;
	s2 =	simm.s32 $0x10  }
0x8f: {  	[smem:s2], [sflag:s14] =	dma.local [hbm:s0], $0x1  }
0x90: {  	_ =	swait.eq [sflag:s14], $0x1  }
0x91: {  	s15 =	sld [smem:$0x10];
	[sflag:s14] =	ssyncset.done $0x0  }
0x92: {  	s16 =	sld [smem:$0x13];
	[sflag:s14] =	ssyncadd.s32 $0xFFFFFFFF  }
0x93: {  	s17 =	sld [smem:$0x14];
	(tm) =	ssettm $0x1  }
0x94: {  	s3 =	sld [smem:$0x3FFB];
	_ =	sdelay $0x3  }
0x95: {  	_ =	strace s3  }
0x96: {  	s3 =	sld [smem:$0x3FFC];
	_ =	sdelay $0x3  }
0x97: {  	_ =	strace s3  }
0x98: {  	s3 =	sld [smem:$0x3FFD];
	_ =	sdelay $0x3  }
0x99: {  	_ =	strace s3  }
0x9a: {  	_ =	strace $0x8FFFFFFF  }
0x9b: {  	s18 =	sld [smem:$0x3FDB];
	_ =	sdelay $0x1  }
0x9c: {  	s4 =	simm.s32 $_scs_section_size  }
0x9d: {  	s5 =	simm.s32 $_size__tile_overlayer_lowered;
	s6 =	simm.s32 $_tile_overlayer_lowered  }
0x9e: {  	s21 =	simm.s32 $0x1BFF;
	s20 =	sshll.u32 s6, $0x1;
	s3 =	sadd.s32 s4, s18  }
0x9f: {  	s7 =	simm.s32 $0x0;
	s19 =	sshll.u32 s5, $0x1;
	s5 =	sadd.s32 s20, s3  }
0xa0: {  	[timem:s7], [sflag:s21] =	dma.local [hbm:s5], s19  }
0xa1: {  	_ =	swait.ge [sflag:s21], s19  }
0xa2: {  	s4 =	ssub.s32 $0x0, s19;
	[sflag:s21] =	ssyncset.done $0x0  }
0xa3: {  	[sflag:s21] =	ssyncadd.s32 s4;
	_ =	sdelay $0x1  }
0xa4: {  	s22 =	simm.s32 $0x1B8B  }
0xa5: {  	_ =	swait.ge [sflag:s22], $0x1  }
0xa6: {  	[sflag:s22] =	ssyncset.done $0x0  }
0xa7: {  	s23 =	simm.s32 $0x1B8E;
	[sflag:s22] =	ssyncadd.s32 $0xFFFFFFFF  }
0xa8: {  	s24 =	simm.s32 $execute0_lowered;
	[smem:$0x3FD2] =	sst s23  }
0xa9: {  	s4 =	sshll.u32 s24, $0x1;
	_ =	strace $0x80000046;
	[dreg:$0x1] =	wrdreg $0xFFFFFFFF  }
0xaa: {  	s25 =	simm.s32 $_size_execute0_lowered;
	s3 =	sadd.s32 s3, s4;
	[dreg:$0x0] =	wrdreg $0x0  }
0xab: {  	s4 =	sshll.u32 s25, $0x1;
	[dreg:$0x2] =	wrdreg s3  }
0xac: {  	[dreg:$0x3] =	wrdreg s4  }
0xad: {  	[dreg:$0x4] =	wrdreg $0xC0  }
0xae: {  	_ =	task [dreg:s7], $0x5FFFF  }
0xaf: {  	[dreg:$0x1] =	wrdreg $0xFFFFFFFF  }
0xb0: {  	[dreg:$0x0] =	wrdreg $0x60  }
0xb1: {  	[dreg:$0x2] =	wrdreg s15  }
0xb2: {  	[dreg:$0x3] =	wrdreg s16  }
0xb3: {  	[dreg:$0x4] =	wrdreg s17  }
0xb4: {  	[dreg:$0x5] =	wrdreg $0xA  }
0xb5: {  	_ =	task.clear_ibuf [dreg:s7], $0x6FFFF;
	_ =	strace $0x90000046  }
0xb6: {  	s26 =	simm.s32 $0xA;
	_ =	strace $0x80000048  }
0xb7: {  	_ =	swait.ge [sflag:s26], $0x1  }
0xb8: {  	[sflag:s26] =	ssyncadd.s32 $0xFFFFFFFF  }
0xb9: {  	_ =	strace $0x90000048  }
0xba: {  	_ =	sfence  }
0xbb: {  	s28 =	sld [smem:$0x0];
	_ =	sdelay $0x1  }
0xbc: {  	s29 =	srdreg.scid  }
0xbd: {  	s30 =	sshll.u32 s29, $0xD;
	s31 =	sshrl.u32 s29, $0x2  }
0xbe: {  	s1 =	sand.u32 $0x1, s29;
	s2 =	sand.u32 $0x4000, s30;
	s0 =	sadd.s32 s31, s28  }
0xbf: {  	s1 =	sor.u32 s2, s1;
	s0 =	sshll.u32 s0, $0x11  }
0xc0: {  	s0 =	sor.u32 s0, s1  }
0xc1: {  	s0 =	sadd.s32 $0x8F2B, s0  }
0xc2: {  	[sflag:s0] =	ssyncadd.remote.s32 $0x1  }
0xc3: {  	_ =	sfence.sel $0xFFFF  }
0xc4: {  	[dreg:$0x0] =	wrdreg $0xFFFFFFFF;
	(pc) =	sbr.abs _section_cstart, $3  }
0xc5: {  	[dreg:$0x1] =	wrdreg $0xFFFFFFFF  }
0xc6: {  	_ =	task.clear_ibuf [dreg:s7], $0x2FFFF;
	_ =	strace $0x9FFFFFFF  }
0xc7: {  	(tm) =	ssettm $0x7FFFFFFF  }
tec
execute0_lowered:
.L_overlay_start_1:
0x0: {  	(tag) =	ssettag $0x1  }
0x1: {  	s14 =	stileid.u32  }
0x2: {  	s1 =	rddreg [dreg:$0x0];
	s0 =	smin.u32 s14, $0x4  }
0x3: {  	s3 =	rddreg [dreg:$0x1];
	s0 =	sadd.s32 s14, s0  }
0x4: {  	p0 =	slt.u32 s14, $0x4;
	s5 =	smul.u32 $0x960, s0;
	s0 =	simm.s32 $0x12C0  }
0x5: {  	_ =	strace $0x80000047;
	s2 =	simm.s32 $0x1;
	s0 =	simm.s32 @!p0 $0x960  }
0x6: {  	v1 =	vimm.s32 $0xFFFFFFFF;
	[sflag:s2] =	ssyncpa.u1 $0x0;
	s0 =	sadd.s32 s0, s5  }
0x7: {  	[tilespmem:$0x10] =	vst v1;
	s6 =	smin.u32 s0, $0xBB80  }
0x8: {  	v0 =	vimm.f32 $0.0e+00;
	[tilespmem:$0x20] =	vst v1;
	s0 =	ssub.s32 s6, s5  }
0x9: {  	[tilespmem:$0x30] =	vst v0;
	p0 =	sgt.s32 s0, $0x0  }
0xa: {  	s7 =	simm.s32 $0x2;
	[tilespmem:$0x40] =	vst v0;
	s0 =	simm.s32 @!p0 $0x0  }
0xb: {  	s8 =	simm.s32 $0x8;
	s31 =	simm.s32 $0x9;
	[tilespmem:$0x50] =	vst v0;
	s4 =	sand.u32 $0xFFE0, s0  }
0xc: {  	s16 =	simm.s32 $0x0;
	s17 =	simm.s32 $0xF0;
	[tilespmem:$0x60] =	vst v1;
	s4 =	sshrl.u32 s4, $0x5  }
0xd: {  	s18 =	simm.s32 $0xFFFFFFFF;
	s19 =	simm.s32 $0xFFFFEE40;
	[tilespmem:$0x70] =	vst v1;
	s4 =	smul.u32 $0x36A, s4  }
0xe: {  	s20 =	simm.s32 $0xFFFFFFFE;
	s21 =	simm.s32 $0xF;
	s22 =	simm.s32 $0x30;
	[tilespmem:$0x80] =	vst v1  }
0xf: {  	s25 =	simm.s32 $0x0;
	s10 =	sshll.u32 s14, $0x1;
	v1 =	vimm.s32 $0x0;
	[tilespmem:$0xB0] =	vst v0;
	s4 =	sshrl.u32 s4, $0x10  }
0x10: {  	s24 =	simm.s32 $0x0;
	s13 =	sor.u32 $0x81, s10;
	[tilespmem:$0x90] =	vst v1;
	s9 =	smul.u32 $0x960, s4  }
.Ltmp0:
0x11: {  	[tilespmem:$0xA0] =	vst v1;
	[sflag:s7] =	ssyncpa.u1 $0x0;
	s7 =	simm.s32 $0x7;
	(pc) =	sbr.rel .LBB2_1-.Ltmp0, $4  }
0x12: {  	s14 =	sshllo.u32 s14, $0x1;
	[sflag:s7] =	ssyncpa.u1 $0x0;
	p0 =	sne.s32 s0, s9  }
0x13: {  	s15 =	sor.u32 $0x80, s10;
	[sflag:s8] =	ssyncpa.u1 $0x0;
	s2 =	simm.s32 @!p0 $0x0  }
0x14: {  	vm0 =	vmmov $0xffff;
	v2 =	vlaneseq.u32;
	s23 =	smov.u32 s5;
	[sflag:s31] =	ssyncpa.u1 $0x0;
	s9 =	sadd.s32 s4, s2  }
0x15: {  	vm1 =	vmxor vm1, vm1;
	vm2 =	vmmov $0x1;
	vm3 =	vcmask $0x3F3C;
	p0 =	por $0x0, $0x0;
	s11 =	sadd.s32 $0x1, s9;
	s12 =	sadd.s32 $0x2, s9  }
.LBB2_9:
0x16: {  	p1 =	slt.u32 s24, $0x3  }
0x17: {  	s0 =	simm.s32 @!p1 $0x2  }
0x18: {  	_ =	swait.ge @!p1 [sflag:s0], $0x960  }
0x19: {  	[sflag:s0] =	ssyncset.done @!p1 $0x0  }
0x1a: {  	[sflag:s0] =	ssyncadd.s32 @!p1 $0xFFFFF6A0;
	s0 =	simm.s32 @!p1 $0x9  }
0x1b: {  	_ =	swait.ge @!p1 [sflag:s0], $0x10  }
0x1c: {  	[sflag:s0] =	ssyncset.done @!p1 $0x0  }
0x1d: {  	[sflag:s0] =	ssyncadd.s32 @!p1 $0xFFFFFFF0;
	p1 =	sne.s32 s24, s12  }
.Ltmp1:
0x1e: {  	s2 =	sadd.s32 $0x960, s23;
	(pc) =	sbr.rel @!p1 .LBB2_10-.Ltmp1, $4  }
0x1f: {  	s4 =	smov.u32 s5;
	s31 =	sadd.s32 $0x1, s24;
	s17 =	sadd.s32 $0x960, s17  }
0x20: {  	s18 =	sadd.s32 $0x1, s18;
	s25 =	smov.u32 s23;
	p2 =	slt.s32 s2, s6  }
0x21: {  	p0 =	por !p0, !p0;
	s19 =	sadd.s32 $0x960, s19;
	s4 =	smov.u32 @p2 s2  }
0x22: {  	s20 =	sadd.s32 $0x1, s20;
	s23 =	smov.u32 s4;
	s24 =	smov.u32 s31  }
.LBB2_1:
0x23: {  	p1 =	sge.u32 s24, s9  }
0x24: {  	s0 =	smulhi.u32 @!p1 $0xAAAAAAAB, s24;
	_ =	sdelay $0x1  }
0x25: {  	s0 =	sshrl.u32 @!p1 s0, $0x1  }
0x26: {  	s0 =	smul.u32 @!p1 $0x3, s0;
	_ =	sdelay $0x1  }
0x27: {  	s0 =	ssub.s32 @!p1 s24, s0  }
0x28: {  	s0 =	smul.u32 @!p1 $0x2580, s0;
	_ =	sdelay $0x1  }
0x29: {  	s2 =	sshrl.u32 @!p1 s23, $0x3;
	s0 =	sshrl.u32 @!p1 s0, $0x2  }
0x2a: {  	s4 =	sand.u32 @!p1 $0x7, s23;
	s2 =	sadd.s32 @!p1 s3, s2;
	s0 =	sadd.s32 @!p1 $0x100, s0  }
0x2b: {  	[tilespmem:s0], [sflag:$0x7] =	stream.linear.gather @!p1 [hbm4b:s2+s4], $0x960, $0x38;
	[tilespmem:$0x5580] =	vst v63  }
0x2c: {  	s0 =	sadd.s32 $0xFFFFFFFF, s24  }
0x2d: {  	p1 =	sge.u32 s0, s9  }
.Ltmp2:
0x2e: {  	_ = 	snop;
	(pc) =	sbr.rel @p1 .LBB2_5-.Ltmp2, $1  }
0x2f: {  	_ =	sdelay $0x3  }
0x30: {  	s2 =	smulhi.u32 $0xAAAAAAAB, s0;
	_ =	sdelay $0x1  }
0x31: {  	s2 =	sshrl.u32 s2, $0x1  }
0x32: {  	s2 =	smul.u32 $0x3, s2;
	_ =	sdelay $0x1  }
0x33: {  	s2 =	ssub.s32 s0, s2  }
0x34: {  	s2 =	smul.u32 $0x2580, s2  }
0x35: {  	_ =	swait.ge [sflag:s7], $0x960  }
0x36: {  	[sflag:s7] =	ssyncset.done $0x0;
	s2 =	sshrl.u32 s2, $0x2  }
0x37: {  	[sflag:s7] =	ssyncadd.s32 $0xFFFFF6A0;
	(ifvalue) =	ssetifvalue $0xFFFFFFFF;
	v3 =	vld.msk [tilespmem:s2+$0x100 ss:$0x1], $0xffff;
	_ =	sdelay $0x2  }
0x38: {  	s30 =	smulhi.u32 $0xAAAAAAAB, s18;
	p1 =	sne.s32 s24, $0x1  }
0x39: {  	v4 =	vimm.s32 @!p1 $0x0  }
0x3a: {  	s2 =	sshrl.u32 s30, $0x1;
	v4 =	vperm.xlane @!p1 v3, v4  }
0x3b: {  	s4 =	sshll.u32 s24, $0x4;
	s2 =	smul.u32 $0xFFFF8F80, s2;
	vm4 =	vlt.u32 v3, $0x80  }
0x3c: {  	s4 =	sand.u32 $0x10, s4;
	v3 =	vnsel vm4, $0xFFFFFFFE, v3;
	vm4 =	vlt.u32 @!p1 v4, $0x80  }
0x3d: {  	s2 =	sshra.s32 s2, $0x2;
	[tilespmem:s4+$0x60] =	vst v3;
	v3 =	vnsel @!p1 vm4, $0xFFFFFFFE, v4  }
0x3e: {  	s28 =	sadd.s32 s2, s17;
	[tilespmem:$0x80] =	vst @!p1 v3  }
0x3f: {  	v3 =	vld.msk [tilespmem:s28+$0x0 ss:$0x1], $0xffff;
	_ =	sdelay $0x4  }
0x40: {  	(xrf1) =	vunique.msk.u32 $0xffff, v3;
	_ =	sdelay $0xd  }
0x41: {  	v4 =	vimm.s32 $0xFFFFFFFF;
	v5, _, _ =	vpop (xrf1)  }
0x42: {  	vm5 =	vne.s32 v3, v4;
	vm4 =	veq.s32 v5, v2  }
0x43: {  	vm6 =	vlt.u32 v3, $0x80;
	vm4 =	vmand vm5, vm4  }
0x44: {  	vm4 =	vmand vm6, vm4  }
0x45: {  	v4 =	vnsel vm4, $0xFFFFFFFF, v3  }
0x46: {  	s31 =	sand.u32 $0x1, s0  }
0x47: {  	s0 =	simm.s32 $0x960;
	p1 =	seq.s32 s31, $0x1  }
0x48: {  	s0 =	simm.s32 @!p1 $0x0  }
0x49: {  	s26 =	sadd.s32 $0x2670, s0;
	(ifvalue) =	ssetifvalue $0xFFFFFFFF  }
0x4a: {  	v3 =	vperm.xlane v3, v1;
	[tilespmem:s26], [sflag:$0x8] =	stream.indirect_vreg.gather [hbm4b:s1+s16], $0x1, v4, vm0, $0x4038;
	v4 =	vnsel vm6, $0xFFFFFFFE, v4;
	[tilespmem:$0x5580] =	vst v63  }
0x4b: {  	s2 =	simm.s32 $0x0;
	s4 =	sadd.s32 $0xFFFFFFF0, s28;
	[tilespmem:s28+$0x0] =	vst v4  }
.LBB2_3:
0x4c: {  	v4 =	vld.msk [tilespmem:s4+$0x0 ss:$0x1], $0xffff;
	s2 =	sadd.s32 $0x10, s2;
	v5 =	vmov v3;
	s28 =	smov.u32 s4  }
0x4d: {  	p1 =	slt.u32 s2, $0x950;
	_ =	sdelay $0x4  }
0x4e: {  	v3 =	vperm.xlane v4, v1;
	(xrf1) =	vunique.msk.u32 $0xffff, v4;
	_ =	sdelay $0xd  }
0x4f: {  	v6, _, _ =	vpop (xrf1)  }
0x50: {  	vm5 =	vne.s32 v4, v5;
	vm4 =	veq.s32 v6, v2  }
0x51: {  	vm6 =	vlt.u32 v4, $0x80;
	vm4 =	vmand vm5, vm4  }
0x52: {  	vm4 =	vmand vm6, vm4  }
0x53: {  	v4 =	vnsel vm4, $0xFFFFFFFF, v4  }
.Ltmp3:
0x54: {  	v5 =	vnsel vm6, $0xFFFFFFFE, v4;
	(pc) =	sbr.rel @p1 .LBB2_3-.Ltmp3, $3  }
0x55: {  	_ =	sdelay $0x1  }
0x56: {  	s4 =	sadd.s32 $0xFFFFFFF0, s4;
	s26 =	sadd.s32 $0xFFFFFFF0, s26;
	(ifvalue) =	ssetifvalue $0xFFFFFFFF  }
0x57: {  	[tilespmem:s26], [sflag:$0x8] =	stream.indirect_vreg.gather [hbm4b:s1+s16], $0x1, v4, vm0, $0x4038;
	[tilespmem:s28+$0x0] =	vst v5  }
0x58: {  	s2 =	sshrl.u32 s25, $0x3;
	s4 =	rddreg [dreg:$0x2]  }
0x59: {  	s0 =	sadd.s32 $0x2FE0, s0;
	s2 =	sadd.s32 s4, s2  }
0x5a: {  	[tilespmem:s0], [sflag:$0x8] =	stream.linear.gather [hbm:s2], $0x960, $0x38;
	[tilespmem:$0x5580] =	vst v63  }
.LBB2_5:
0x5b: {  	p1 =	slt.u32 s24, $0x2  }
0x5c: {  	p2 =	sge.u32 @!p1 s24, s12  }
0x5d: {  	p1 =	por p1, p2  }
.Ltmp4:
0x5e: {  	_ = 	snop;
	(pc) =	sbr.rel @p1 .LBB2_9-.Ltmp4, $1  }
0x5f: {  	_ =	sdelay $0x3  }
0x60: {  	s0 =	sadd.s32 $0xFFFFFFFE, s24  }
0x61: {  	s2 =	smulhi.u32 $0xAAAAAAAB, s0;
	_ =	sdelay $0x1  }
0x62: {  	s2 =	sshrl.u32 s2, $0x1  }
0x63: {  	s2 =	smul.u32 $0x3, s2;
	_ =	sdelay $0x1  }
0x64: {  	s0 =	ssub.s32 s0, s2  }
0x65: {  	_ =	swait.ge [sflag:s8], $0x12C0;
	s0 =	smul.u32 $0x960, s0  }
0x66: {  	p1 =	sne.s32 s24, s11;
	[sflag:s8] =	ssyncset.done $0x0  }
0x67: {  	[sflag:s8] =	ssyncadd.s32 $0xFFFFED40;
	s2 =	sadd.s32 @!p1 $0xA5F, s0  }
0x68: {  	[spmem:s13] =	stream.linear.scatter @!p1 [tilespmem:s2], [sflag:$0x1], $0x1, $0x38;
	[tilespmem:$0x5580] =	vst v63  }
0x69: {  	s2 =	simm.s32 @!p1 $0x1  }
0x6a: {  	_ =	swait.ge @!p1 [sflag:s2], $0x1  }
0x6b: {  	s4 =	sshll.u32 s24, $0x4;
	[sflag:s2] =	ssyncset.done @!p1 $0x0  }
0x6c: {  	s25 =	sand.u32 $0x10, s4;
	[sflag:s2] =	ssyncadd.s32 @!p1 $0xFFFFFFFF  }
0x6d: {  	s2 =	sxor.u32 $0x10, s25;
	v4 =	vld [tilespmem:s25+$0x10]  }
0x6e: {  	v5 =	vld [tilespmem:s2+$0x60]  }
0x6f: {  	v3 =	vld [tilespmem:$0x80];
	_ =	sdelay $0x2  }
0x70: {  	(v2sf) =	vpush v4, $0x0  }
0x71: {  	(v2sf) =	vpush v5, $0x0  }
0x72: {  	(v2sf) =	vpush v3, $0x0;
	_ =	sdelay $0xc  }
0x73: {  	s4 =	spop (v2sf)  }
0x74: {  	s26 =	spop (v2sf)  }
0x75: {  	s28 =	spop (v2sf)  }
0x76: {  	p2 =	seq.s32 s4, s26;
	p3 =	seq.s32 s28, s4  }
0x77: {  	p3 =	por p2, p3  }
0x78: {  	s26 =	sand.u32 $0x1, s24;
	v4 =	vpsel p3, $0xFFFFFFFF, v4  }
0x79: {  	s29 =	smul.u32 $0x960, s26;
	[tilespmem:s25+$0x10] =	vst.msk $0x1, v4  }
0x7a: {  	v4 =	vld [tilespmem:$0x30]  }
0x7b: {  	v5 =	vld [tilespmem:s29+$0x2FE0]  }
0x7c: {  	v6 =	vld [tilespmem:s25+$0x40];
	_ =	sdelay $0x3  }
0x7d: {  	vm4 =	vmmov vm1;
	v5 =	vadd.f32 v5, v4  }
0x7e: {  	vm5 =	vmmov vm2;
	vm4 =	vmmov @p2 vm2;
	s4 =	sshll.u32 s26, $0x4;
	v4 =	vadd.f32 v6, v4  }
0x7f: {  	s26 =	sor.u32 $0x5560, s4;
	vm5 =	vmmov @p3 vm1;
	[tilespmem:s29+$0x2FE0] =	vst.msk vm4, v5  }
0x80: {  	[tilespmem:s26+$0x0] =	vst.msk vm5, v4  }
0x81: {  	v4 =	vld [tilespmem:s29+$0x2670];
	_ =	sdelay $0x3  }
0x82: {  	v5 =	vimm.f32 $0.0e+00  }
0x83: {  	v4 =	vshift.insert v4, v5, s21  }
0x84: {  	s4 =	sor.u32 $0x40, s2  }
0x85: {  	[tilespmem:s4+$0x0] =	vst.msk $0x1, v4  }
0x86: {  	[tilespmem:s29+$0x267F] =	vst.msk $0x1, v5  }
0x87: {  	v4 =	vld [tilespmem:s0+$0xA50];
	_ =	sdelay $0x1  }
0x88: {  	s4 =	smulhi.u32 $0xAAAAAAAB, s20;
	s0 =	simm.s32 $0x1  }
0x89: {  	s0 =	simm.s32 @!p0 $0x0  }
0x8a: {  	s4 =	sshrl.u32 s4, $0x1;
	s0 =	smul.u32 $0x2580, s0  }
0x8b: {  	s4 =	smul.u32 $0xFFFF8F80, s4;
	v4 =	vshift.insert v4, v1, s21  }
0x8c: {  	s0 =	sshrl.u32 s0, $0x2  }
0x8d: {  	s4 =	sshra.s32 s4, $0x2;
	s30 =	sadd.s32 $0x2FE0, s0;
	[tilespmem:s2+$0x10] =	vst.msk $0x1, v4  }
0x8e: {  	s4 =	sadd.s32 s4, s19;
	v6 =	vld [tilespmem:s30+$0x0]  }
0x8f: {  	v7 =	vld [tilespmem:s4+$0x0];
	_ =	sdelay $0x3  }
0x90: {  	v5 =	vadd.f32 v6, v5  }
0x91: {  	vm4 =	vne.s32 v7, $0xFFFFFFFF  }
0x92: {  	(xrf2) =	vadd.seg.scan.f32 vm4, v5;
	_ =	sdelay $0x3  }
0x93: {  	s31 =	sadd.s32 $0x1D20, s0;
	v5 =	vperm.xlane v4, v1  }
0x94: {  	v6 =	vld [tilespmem:s31+$0x0]  }
0x95: {  	vm5 =	veq.s32 v7, v3;
	vm6 =	veq.s32 v7, v5  }
0x96: {  	vm7 =	vgt.u32 v7, $0xFFFFFFFD;
	vm6 =	vmor vm6, vm5  }
0x97: {  	vm6 =	vmor vm6, vm7  }
0x98: {  	v9 =	vld [tilespmem:$0xA0];
	v7 =	vsel vm6, $0xFFFFFFFF, v7  }
0x99: {  	v10 =	vld [tilespmem:$0x90];
	v6 =	vsel vm5, $0x0, v6;
	v8, _, _ =	vpop (xrf2)  }
0x9a: {  	v6 =	vadd.f32 v8, v6  }
0x9b: {  	s0 =	sadd.s32 $0x42A0, s0  }
0x9c: {  	vm4 =	vmand vm4, vm3;
	[tilespmem:s0+$0x0] =	vst v6;
	(ifvalue) =	ssetifvalue $0xFFFFFFFF  }
0x9d: {  	vm6 =	veq.s32 v9, $0x1;
	[hbm4b:s1+s16] =	stream.indirect_vreg.scatter [tilespmem:s0], [sflag:$0x2], $0x1, v7, vm0, $0x4038;
	v7 =	vsel vm4, $0x0, v8;
	[tilespmem:$0x5580] =	vst v63  }
0x9e: {  	s2 =	simm.s32 $0x0;
	s4 =	sadd.s32 $0x10, s4;
	vm4 =	vmor vm6, vm5;
	v6 =	vsel vm5, v8, v10;
	v7 =	vshift.insert v7, v0, s21  }
.LBB2_7:
0x9f: {  	v8 =	vld [tilespmem:s4+$0x0];
	s30 =	sadd.s32 $0x10, s30  }
0xa0: {  	s31 =	sadd.s32 $0x10, s31;
	v9 =	vld [tilespmem:s30+$0x0]  }
0xa1: {  	s2 =	sadd.s32 $0x10, s2;
	v10 =	vld [tilespmem:s31+$0x0]  }
0xa2: {  	p2 =	slt.u32 s2, $0x950;
	_ =	sdelay $0x2  }
0xa3: {  	v7 =	vadd.f32 v9, v7  }
0xa4: {  	vm5 =	vne.s32 v8, $0xFFFFFFFF  }
0xa5: {  	vm6 =	vmand vm5, vm3;
	(xrf2) =	vadd.seg.scan.f32 vm5, v7;
	_ =	sdelay $0x5  }
0xa6: {  	vm7 =	veq.s32 v8, v5;
	vm5 =	veq.s32 v8, v3  }
0xa7: {  	vm8 =	vgt.u32 v8, $0xFFFFFFFD;
	vm4 =	vmor vm4, vm5;
	vm7 =	vmor vm7, vm5  }
0xa8: {  	vm7 =	vmor vm7, vm8  }
0xa9: {  	v8 =	vsel vm7, $0xFFFFFFFF, v8  }
.Ltmp5:
0xaa: {  	v7 =	vsel vm5, $0x0, v10;
	v9, _, _ =	vpop (xrf2);
	(pc) =	sbr.rel @p2 .LBB2_7-.Ltmp5, $4  }
0xab: {  	v6 =	vsel vm5, v9, v6;
	v10 =	vadd.f32 v9, v7;
	v7 =	vsel vm6, $0x0, v9  }
0xac: {  	s0 =	sadd.s32 $0x10, s0;
	v7 =	vshift.insert v7, v0, s21  }
0xad: {  	s4 =	sadd.s32 $0x10, s4;
	[tilespmem:s0+$0x0] =	vst v10;
	(ifvalue) =	ssetifvalue $0xFFFFFFFF  }
0xae: {  	[hbm4b:s1+s16] =	stream.indirect_vreg.scatter [tilespmem:s0], [sflag:$0x2], $0x1, v8, vm0, $0x4038;
	[tilespmem:$0x5580] =	vst v63  }
0xaf: {  	v3 =	vld [tilespmem:s29+$0x4BF0];
	_ =	sdelay $0x4  }
0xb0: {  	v3 =	vshift.insert v3, v0, s21;
	_ =	sdelay $0x1  }
0xb1: {  	[tilespmem:s22+$0x0] =	vst.msk $0x1, v3  }
0xb2: {  	v3 =	vsel vm4, $0x1, v1;
	[tilespmem:$0x90] =	vst v6  }
0xb3: {  	s0 =	sadd.s32 @!p1 $0x4BFF, s29;
	[tilespmem:$0xA0] =	vst v3  }
0xb4: {  	[spmem:s14] =	stream.linear.scatter @!p1 [tilespmem:s0], [sflag:$0x1], $0x1, $0x38;
	[tilespmem:$0x5580] =	vst v63  }
0xb5: {  	s0 =	simm.s32 @!p1 $0x1  }
0xb6: {  	v3 =	vmctz.xlane @!p1 vm4;
	_ =	swait.ge @!p1 [sflag:s0], $0x1  }
0xb7: {  	(v2sf) =	vpush @!p1 v4, $0x0  }
0xb8: {  	(v2sf) =	vpush @!p1 v3, $0x0;
	_ =	sdelay $0xd  }
0xb9: {  	s2 =	spop @!p1 (v2sf)  }
0xba: {  	s4 =	spop @!p1 (v2sf)  }
0xbb: {  	p2 =	sne.s32 @!p1 s28, s2;
	p3 =	slt.s32 @!p1 s4, $0xF  }
0xbc: {  	[sflag:s0] =	ssyncset.done @!p1 $0x0;
	p2 =	por p2, p1;
	p3 =	por !p3, p1  }
0xbd: {  	[sflag:s0] =	ssyncadd.s32 @!p1 $0xFFFFFFFF;
	v3 =	vimm.s32 @!p2 $0xFFFFFFFF;
	s4 =	simm.s32 @p3 $0xF  }
0xbe: {  	[tilespmem:$0x80] =	vst @!p2 v3;
	s2 =	sadd.s32 @!p1 $0x90, s4  }
0xbf: {  	[spmem:s10] =	stream.linear.scatter @!p1 [tilespmem:s2], [sflag:$0x1], $0x1, $0x38;
	[tilespmem:$0x5580] =	vst v63  }
0xc0: {  	_ =	swait.ge @!p1 [sflag:s0], $0x1  }
0xc1: {  	[sflag:s0] =	ssyncset.done @!p1 $0x0  }
0xc2: {  	s2 =	simm.s32 @!p1 $0x80;
	[sflag:s0] =	ssyncadd.s32 @!p1 $0xFFFFFFFF  }
0xc3: {  	[spmem:s15] =	stream.linear.scatter @!p1 [tilespmem:s2], [sflag:$0x1], $0x1, $0x38;
	[tilespmem:$0x5580] =	vst v63  }
0xc4: {  	_ =	swait.ge @!p1 [sflag:s0], $0x1  }
0xc5: {  	[sflag:s0] =	ssyncset.done @!p1 $0x0  }
0xc6: {  	[sflag:s0] =	ssyncadd.s32 @!p1 $0xFFFFFFFF;
	(ifvalue) =	ssetifvalue $0xFFFFFFFF;
	v3 =	vld [tilespmem:s25+$0x10];
	_ =	sdelay $0x3  }
.Ltmp6:
0xc7: {  	_ = 	snop;
	(pc) =	sbr.rel .LBB2_9-.Ltmp6, $3  }
0xc8: {  	_ =	sdelay $0x1  }
0xc9: {  	(ifvalue) =	ssetifvalue $0xFFFFFFFF  }
0xca: {  	[hbm4b:s1+s16] =	stream.indirect_vreg.scatter [tilespmem:s26], [sflag:$0x9], $0x1, v3, vm0, $0x4038;
	[tilespmem:$0x5580] =	vst v63  }
.LBB2_10:
0xcb: {  	_ =	sfence.sel $0x180000  }
0xcc: {  	s0 =	simm.s32 $0x7;
	[bflag:$0x0] =	sbarrier.arrive $0xFFFF  }
0xcd: {  	s26 =	simm.s32 $0x8;
	[sflag:s0] =	ssyncpa.u1 $0x1  }
0xce: {  	s28 =	simm.s32 $0x9;
	[sflag:s26] =	ssyncpa.u1 $0x1  }
0xcf: {  	[sflag:s28] =	ssyncpa.u1 $0x1  }
0xd0: {  	_ =	sfence.stream.spmem  }
0xd1: {  	s29 =	simm.s32 $0x3;
	[bflag:$0x0] =	sbarrier.arrive $0xFFFF  }
0xd2: {  	s30 =	simm.s32 $0x4;
	[sflag:s29] =	ssyncpa.u1 $0x1  }
0xd3: {  	s31 =	simm.s32 $0x3C;
	s2 =	stileid.u32;
	[sflag:s30] =	ssyncpa.u1 $0x1  }
0xd4: {  	p0 =	sne.s32 s2, $0x0;
	[sflag:s31] =	ssyncpa.u1 $0x1  }
0xd5: {  	s0 =	simm.s32 @p0 $0x1;
	_ =	sfence @p0  }
0xd6: {  	[sflag:s0] =	ssyncpa.u1 @p0 $0x1;
	s0 =	simm.s32 @p0 $0x2  }
0xd7: {  	[sflag:s0] =	ssyncpa.u1 @p0 $0x1  }
0xd8: {  	_ =	strace @p0 $0x90000047  }
0xd9: {  	[bflag:$0x2] =	sbarrier.arrive @p0 $0xFFFF  }
0xda: {  	_ =	shalt @p0  }
.LBB2_11:
0xdb: {  	_ =	sfence.stream.spmem;
	s0 =	simm.s32 $0x5  }
0xdc: {  	s2 =	simm.s32 $0x80;
	s3 =	simm.s32 $0xC0;
	[sflag:s0] =	ssyncpa.u1 $0x0  }
0xdd: {  	[tilespmem:s3], [sflag:$0x5] =	stream.linear.gather [spmem:s2], $0x20, $0x38;
	[tilespmem:$0x5580] =	vst v63  }
0xde: {  	s2 =	simm.s32 $0x0;
	s3 =	simm.s32 $0xE0  }
0xdf: {  	[tilespmem:s3], [sflag:$0x5] =	stream.linear.gather [spmem:s2], $0x20, $0x38;
	[tilespmem:$0x5580] =	vst v63  }
.Ltmp7:
0xe0: {  	_ = 	snop;
	(pc) =	sbr.rel .LBB2_12-.Ltmp7, $4  }
0xe1: {  	_ =	swait.ge [sflag:s0], $0x40  }
0xe2: {  	[sflag:s0] =	ssyncset.done $0x0  }
0xe3: {  	s31 =	simm.s32 $0x6;
	[sflag:s0] =	ssyncadd.s32 $0xFFFFFFC0  }
0xe4: {  	s4 =	simm.s32 $0x0;
	[sflag:s31] =	ssyncpa.u1 $0x0  }
.LBB2_17:
0xe5: {  	p0 =	sgt.u32 s5, $0x7F  }
0xe6: {  	s0 =	sshrl.u32 @!p0 s5, $0x3  }
0xe7: {  	s5 =	sand.u32 @!p0 $0x7, s5;
	s6 =	simm.s32 @!p0 $0xB0;
	s0 =	sadd.s32 @!p0 s1, s0  }
0xe8: {  	[tilespmem:s6], [sflag:$0x6] =	stream.linear.gather @!p0 [hbm4b:s0+s5], $0x1, $0x38;
	[tilespmem:$0x5580] =	vst v63  }
0xe9: {  	s0 =	simm.s32 @!p0 $0x6  }
0xea: {  	_ =	swait.ge @!p0 [sflag:s0], $0x1  }
0xeb: {  	[sflag:s0] =	ssyncset.done @!p0 $0x0  }
0xec: {  	[sflag:s0] =	ssyncadd.s32 @!p0 $0xFFFFFFFF  }
0xed: {  	v2 =	vmov @!p0 s4;
	v1 =	vld.msk @!p0 [tilespmem:$0xB0], $0x1;
	_ =	sdelay $0x3  }
0xee: {  	s0 =	simm.s32 @!p0 $0xE0  }
0xef: {  	[tilespmem:v2+s0+$0x0], v1 =	vst.idx.ret.add.f32.msk @!p0 $0x1, v1  }
0xf0: {  	[tilespmem:s2+$0xC0] =	vst.msk $0x1, v0  }
0xf1: {  	v0 =	vld.msk [tilespmem:s4+$0xE0], $0x1;
	_ =	sdelay $0x4  }
0xf2: {  	[tilespmem:s2+$0xE0] =	vst.msk $0x1, v0;
	s2 =	sadd.s32 $0x1, s2  }
.LBB2_19:
0xf3: {  	s4 =	sadd.s32 $0x1, s4  }
0xf4: {  	p0 =	sne.s32 s4, $0x20  }
.Ltmp8:
0xf5: {  	_ = 	snop;
	(pc) =	sbr.rel @!p0 .LBB2_20-.Ltmp8, $1  }
0xf6: {  	_ =	sdelay $0x3  }
.LBB2_12:
0xf7: {  	v0 =	vld.msk [tilespmem:s4+$0xC0], $0x1;
	_ =	sdelay $0x4  }
0xf8: {  	(v2sf) =	vpush v0, $0x0;
	_ =	sdelay $0xe  }
0xf9: {  	s5 =	spop (v2sf)  }
0xfa: {  	p0 =	seq.s32 s5, $0xFFFFFFFF  }
.Ltmp9:
0xfb: {  	_ = 	snop;
	(pc) =	sbr.rel @p0 .LBB2_19-.Ltmp9, $1  }
0xfc: {  	_ =	sdelay $0x3  }
0xfd: {  	p0 =	slt.s32 s2, $0x1  }
.Ltmp10:
0xfe: {  	_ = 	snop;
	(pc) =	sbr.rel @p0 .LBB2_17-.Ltmp10, $1  }
0xff: {  	_ =	sdelay $0x3  }
0x100: {  	s0 =	simm.s32 $0xC0;
	p0 =	por $0x0, $0x0  }
0x101: {  	v1 =	vld.msk @!p0 [tilespmem:s0+$0x0], $0x1;
	_ =	sdelay $0x4  }
0x102: {  	(v2sf) =	vpush @!p0 v1, $0x0;
	_ =	sdelay $0xd  }
0x103: {  	p2 =	sne.s32 s2, $0x1  }
.Ltmp11:
0x104: {  	s6 =	spop @!p0 (v2sf);
	(pc) =	sbr.rel @!p2 .LBB2_16-.Ltmp11, $4  }
0x105: {  	p1 =	seq.s32 @!p0 s5, s6  }
0x106: {  	s6 =	simm.s32 $0x0;
	p1 =	por !p1, p0  }
0x107: {  	s8 =	simm.s32 $0xFFFFFFFF;
	s6 =	simm.s32 @p1 $0xFFFFFFFF  }
0x108: {  	s7 =	simm.s32 $0x1;
	s6 =	smov.u32 @p0 s8  }
.LBB2_15:
0x109: {  	s8 =	smov.u32 s6;
	p0 =	sne.s32 s6, $0xFFFFFFFF  }
0x10a: {  	s0 =	sadd.s32 $0x1, s0;
	s6 =	smov.u32 s7;
	s7 =	sadd.s32 $0x1, s7  }
0x10b: {  	p1 =	sne.s32 s2, s7;
	v1 =	vld.msk @!p0 [tilespmem:s0+$0x0], $0x1;
	_ =	sdelay $0x4  }
0x10c: {  	(v2sf) =	vpush @!p0 v1, $0x0;
	_ =	sdelay $0xe  }
.Ltmp12:
0x10d: {  	s9 =	spop @!p0 (v2sf);
	(pc) =	sbr.rel @p1 .LBB2_15-.Ltmp12, $4  }
0x10e: {  	p2 =	seq.s32 @!p0 s5, s9  }
0x10f: {  	p2 =	por !p2, p0  }
0x110: {  	s6 =	simm.s32 @p2 $0xFFFFFFFF  }
0x111: {  	s6 =	smov.u32 @p0 s8  }
.LBB2_16:
0x112: {  	p0 =	sne.s32 s6, $0xFFFFFFFF  }
.Ltmp13:
0x113: {  	_ = 	snop;
	(pc) =	sbr.rel @!p0 .LBB2_17-.Ltmp13, $1  }
0x114: {  	_ =	sdelay $0x3  }
0x115: {  	v0 =	vld.msk [tilespmem:s4+$0xE0], $0x1;
	v1 =	vmov s6  }
.Ltmp14:
0x116: {  	_ = 	snop;
	(pc) =	sbr.rel .LBB2_19-.Ltmp14, $2  }
0x117: {  	_ =	sdelay $0x2  }
0x118: {  	[tilespmem:v1+s3+$0x0], v0 =	vst.idx.ret.add.f32.msk $0x1, v0  }
.LBB2_20:
0x119: {  	p0 =	slt.s32 s2, $0x1  }
.Ltmp15:
0x11a: {  	_ = 	snop;
	(pc) =	sbr.rel @p0 .LBB2_24-.Ltmp15, $3  }
0x11b: {  	_ =	sdelay $0x1  }
0x11c: {  	s0 =	simm.s32 $0x6  }
0x11d: {  	s3 =	simm.s32 $0x0;
	[sflag:s0] =	ssyncpa.u1 $0x1  }
0x11e: {  	s0 =	simm.s32 $0xC0  }
0x11f: {  	v0 =	vld.msk [tilespmem:s0+$0x0], $0x1;
	_ =	sdelay $0x4  }
0x120: {  	(v2sf) =	vpush v0, $0x0;
	_ =	sdelay $0xe  }
0x121: {  	s2 =	sadd.s32 $0xFFFFFFFF, s2;
	s4 =	spop (v2sf)  }
0x122: {  	p1 =	sne.s32 s2, $0x0;
	p0 =	sgt.u32 s4, $0x7F  }
.Ltmp16:
0x123: {  	s5 =	sshrl.u32 @!p0 s4, $0x3;
	(pc) =	sbr.rel @!p1 .LBB2_23-.Ltmp16, $4  }
0x124: {  	s0 =	simm.s32 $0xE0;
	s4 =	sand.u32 @!p0 $0x7, s4;
	s5 =	sadd.s32 @!p0 s1, s5  }
0x125: {  	[hbm4b:s5+s4] =	stream.linear.scatter @!p0 [tilespmem:s0], [sflag:$0x5], $0x1, $0x38;
	[tilespmem:$0x5580] =	vst v63  }
0x126: {  	s5 =	simm.s32 $0x0  }
0x127: {  	s4 =	simm.s32 $0xC1;
	s5 =	simm.s32 @!p0 $0x4  }
.LBB2_22:
0x128: {  	v0 =	vld.msk [tilespmem:s4+$0x0], $0x1;
	s2 =	sadd.s32 $0xFFFFFFFF, s2;
	s3 =	sadd.s32 s3, s5  }
0x129: {  	p0 =	sne.s32 s2, $0x0;
	_ =	sdelay $0x3  }
0x12a: {  	(v2sf) =	vpush v0, $0x0;
	_ =	sdelay $0xe  }
.Ltmp17:
0x12b: {  	s6 =	spop (v2sf);
	(pc) =	sbr.rel @p0 .LBB2_22-.Ltmp17, $4  }
0x12c: {  	s5 =	simm.s32 $0x0;
	p1 =	sgt.u32 s6, $0x7F  }
0x12d: {  	s0 =	sadd.s32 $0x1, s0;
	s5 =	simm.s32 @!p1 $0x4;
	s7 =	sshrl.u32 @!p1 s6, $0x3  }
0x12e: {  	s4 =	sadd.s32 $0x1, s4;
	s6 =	sand.u32 @!p1 $0x7, s6;
	s7 =	sadd.s32 @!p1 s1, s7  }
0x12f: {  	[hbm4b:s7+s6] =	stream.linear.scatter @!p1 [tilespmem:s0], [sflag:$0x5], $0x1, $0x38;
	[tilespmem:$0x5580] =	vst v63  }
.LBB2_23:
0x130: {  	s0 =	sadd.s32 s3, s5  }
0x131: {  	s3 =	sshrl.u32 s0, $0x2  }
.LBB2_24:
0x132: {  	s0 =	simm.s32 $0x5  }
0x133: {  	_ =	swait.ge [sflag:s0], s3  }
0x134: {  	s1 =	ssub.s32 $0x0, s3;
	[sflag:s0] =	ssyncset.done $0x0  }
0x135: {  	[sflag:s0] =	ssyncadd.s32 s1  }
0x136: {  	[sflag:s0] =	ssyncpa.u1 $0x1  }
0x137: {  	s29 =	simm.s32 $0x1;
	_ =	sfence  }
0x138: {  	s30 =	simm.s32 $0x2;
	[sflag:s29] =	ssyncpa.u1 $0x1  }
0x139: {  	[sflag:s30] =	ssyncpa.u1 $0x1  }
0x13a: {  	_ =	strace $0x90000047  }
0x13b: {  	[bflag:$0x2] =	sbarrier.arrive $0xFFFF  }
0x13c: {  	s31 =	rddreg [dreg:$0x3]  }
0x13d: {  	s0 =	sadd.s32 $0x100000, s31  }
0x13e: {  	[sflag:s0] =	ssyncadd.tile.s32 $0x1;
	_ =	shalt  }
.Lfunc_end2:
_tile_overlayer_lowered:
.L_overlay_start_2:
0x13f: {  	(tag) =	ssettag $0x2  }
0x140: {  	s0 =	rddreg [dreg:$0x0];
	s2 =	stileid.u32  }
0x141: {  	s1 =	rddreg [dreg:$0x1];
	p0 =	sne.s32 s2, $0x0  }
0x142: {  	s3 =	rddreg [dreg:$0x2];
	[bflag:$0x3] =	sbarrier.arrive $0xFFFF;
	s2 =	simm.s32 @!p0 $0x1C01  }
0x143: {  	[timem:s3], [sflag:s2] =	dma.local @!p0 [hbm:s0], s1  }
0x144: {  	s0 =	simm.s32 @!p0 $0x1  }
0x145: {  	_ =	swait.ge @!p0 [sflag:s0], s1  }
0x146: {  	s1 =	ssub.s32 @!p0 $0x0, s1;
	[sflag:s0] =	ssyncset.done @!p0 $0x0  }
0x147: {  	[sflag:s0] =	ssyncadd.s32 @!p0 s1  }
0x148: {  	[bflag:$0x3] =	sbarrier.arrive $0xFFFF  }
0x149: {  	_ =	shalt  }

// kernel: scatter_offload_async_start
scs
__scs_entry_jumppad:
0x0: {  	(pc) =	sbr.rel $0x88, $3  }
0x1: {  	(tag) =	ssettag $0x0;
	lr =	simm.s32 $0x1  }
0x2: {  	[smem:$0x3F95] =	sst lr;
	_ =	strace $0xD0000000  }
0x3: {  	_ = 	snop  }
0x4: {  	_ = 	snop  }
0x5: {  	_ = 	snop  }
0x6: {  	_ = 	snop  }
0x7: {  	_ = 	snop  }
__scs_overlays_trampoline_lowered:
0x8: {  	[smem:$0x3FA4] =	sst s0  }
0x9: {  	[smem:$0x3FA5] =	sst s1  }
0xa: {  	[smem:$0x3FA6] =	sst s2  }
0xb: {  	[smem:$0x3FA7] =	sst s3  }
0xc: {  	[smem:$0x3FA8] =	sst s4  }
0xd: {  	[smem:$0x3FA9] =	sst s5  }
0xe: {  	[smem:$0x3FAA] =	sst s6  }
0xf: {  	[smem:$0x3FAB] =	sst s7  }
0x10: {  	[smem:$0x3FAC] =	sst s8  }
0x11: {  	[smem:$0x3FAD] =	sst s9;
	s0 =	simm.s32 @!p0 $0x0  }
0x12: {  	s1 =	sld [smem:$0x3F93];
	s0 =	simm.s32 @p0 $0x1  }
0x13: {  	[smem:$0x3FAE] =	sst s0;
	s0 =	simm.s32 @!p1 $0x0  }
0x14: {  	s2 =	sld [smem:$0x3F92];
	s0 =	simm.s32 @p1 $0x1  }
0x15: {  	[smem:$0x3FAF] =	sst s0;
	s0 =	simm.s32 @!p2 $0x0  }
0x16: {  	s3 =	sld [smem:$0x3FDB];
	s0 =	simm.s32 @p2 $0x1  }
0x17: {  	s4 =	simm.s32 $0x1BF5;
	[smem:$0x3FB1] =	sst s0  }
0x18: {  	s0 =	sld [smem:$0x3F94];
	_ =	swait.ge [sflag:s4], $0x0  }
0x19: {  	s7 =	sld [smem:$0x3F95]  }
0x1a: {  	s8 =	sadd.s32 $0xFFFFE003, lr  }
0x1b: {  	s9 =	sadd.s32 $0xFFFFFEF7, lr;
	s5 =	simm.s32 $0xFFFFFFFF;
	p2 =	slt.u32 s8, $0xFFFFF086  }
0x1c: {  	p1 =	slt.u32 s9, $0xF7A;
	s5 =	simm.s32 @!p2 $0x0  }
0x1d: {  	s5 =	simm.s32 @p1 $0x1;
	p0 =	seq.s32 s7, s2  }
0x1e: {  	s7 =	smul.u32 @!p0 $0xF7A, s2;
	p2 =	seq.s32 @!p0 s5, $0x0  }
0x1f: {  	s9 =	smul.u32 $0xF7A, s1;
	s8 =	simm.s32 @!p0 $0x1BF5;
	p2 =	por !p2, p0  }
0x20: {  	[sflag:s8] =	ssyncset.s32 @!p0 $0xFFFFF086;
	s6 =	sadd.s32 @!p0 s3, s7;
	s7 =	simm.s32 @!p0 $0x108  }
0x21: {  	s3 =	sadd.s32 s3, s9;
	s6 =	sadd.s32 @!p0 $0x88, s6;
	s7 =	simm.s32 @p2 $0x1082  }
0x22: {  	[simem:s7], [sflag:s8] =	dma.local @!p0 [hbm:s6], $0xF7A  }
0x23: {  	s9 =	sor.u32 $0xD0000000, s2;
	s6 =	simm.s32 $0x108;
	_ =	swait.ge @!p0 [sflag:s8], $0x0  }
0x24: {  	s3 =	sadd.s32 $0x88, s3;
	s6 =	simm.s32 @!p1 $0x1082;
	[sflag:s4] =	ssyncset.s32 $0xFFFFF086  }
0x25: {  	[simem:s6], [sflag:s4] =	dma.local [hbm:s3], $0xF7A  }
0x26: {  	[smem:$0x3F95] =	sst s1;
	(tag) =	ssettag s2;
	_ =	strace s9  }
0x27: {  	s1 =	sld [smem:$0x3FA5]  }
0x28: {  	s2 =	sld [smem:$0x3FA6]  }
0x29: {  	s4 =	sld [smem:$0x3FA8]  }
0x2a: {  	p0 =	seq.s32 s5, $0x0;
	s5 =	sld [smem:$0x3FA9]  }
0x2b: {  	s6 =	sld [smem:$0x3FAA]  }
0x2c: {  	s7 =	sld [smem:$0x3FAB]  }
0x2d: {  	s3 =	simm.s32 $0x108;
	s8 =	sld [smem:$0x3FAC]  }
0x2e: {  	s3 =	simm.s32 @!p0 $0x1082;
	s9 =	sld [smem:$0x3FAD]  }
0x2f: {  	lr =	sadd.s32 s0, s3;
	s0 =	sld [smem:$0x3FA4]  }
0x30: {  	s3 =	sld [smem:$0x3FA7]  }
0x31: {  	[smem:$0x3FB0] =	sst s10  }
0x32: {  	s10 =	sld [smem:$0x3FAE];
	_ =	sdelay $0x3  }
0x33: {  	p0 =	seq.s32 s10, $0x1;
	s10 =	sld [smem:$0x3FB0];
	_ =	sdelay $0x3  }
0x34: {  	[smem:$0x3FB0] =	sst s10  }
0x35: {  	s10 =	sld [smem:$0x3FAF];
	_ =	sdelay $0x3  }
0x36: {  	p1 =	seq.s32 s10, $0x1;
	s10 =	sld [smem:$0x3FB0];
	_ =	sdelay $0x3  }
0x37: {  	[smem:$0x3FB0] =	sst s10  }
0x38: {  	s10 =	sld [smem:$0x3FB1]  }
0x39: {  	_ = 	snop;
	(pc) =	sbr.ind lr, $3  }
0x3a: {  	_ = 	snop  }
0x3b: {  	_ = 	snop  }
0x3c: {  	p2 =	seq.s32 s10, $0x1;
	s10 =	sld [smem:$0x3FB0]  }
0x3d: {  	_ =	shalt  }
0x3e: {  	_ =	shalt  }
0x3f: {  	_ =	shalt  }
0x40: {  	_ =	shalt  }
0x41: {  	_ =	shalt  }
0x42: {  	_ =	shalt  }
0x43: {  	_ =	shalt  }
0x44: {  	_ =	shalt  }
0x45: {  	_ =	shalt  }
0x46: {  	_ =	shalt  }
0x47: {  	_ =	shalt  }
0x48: {  	_ =	shalt  }
0x49: {  	_ =	shalt  }
0x4a: {  	_ =	shalt  }
0x4b: {  	_ =	shalt  }
0x4c: {  	_ =	shalt  }
0x4d: {  	_ =	shalt  }
0x4e: {  	_ =	shalt  }
0x4f: {  	_ =	shalt  }
0x50: {  	_ =	shalt  }
0x51: {  	_ =	shalt  }
0x52: {  	_ =	shalt  }
0x53: {  	_ =	shalt  }
0x54: {  	_ =	shalt  }
0x55: {  	_ =	shalt  }
0x56: {  	_ =	shalt  }
0x57: {  	_ =	shalt  }
0x58: {  	_ =	shalt  }
0x59: {  	_ =	shalt  }
0x5a: {  	_ =	shalt  }
0x5b: {  	_ =	shalt  }
0x5c: {  	_ =	shalt  }
0x5d: {  	_ =	shalt  }
0x5e: {  	_ =	shalt  }
0x5f: {  	_ =	shalt  }
0x60: {  	_ =	shalt  }
0x61: {  	_ =	shalt  }
0x62: {  	_ =	shalt  }
0x63: {  	_ =	shalt  }
0x64: {  	_ =	shalt  }
0x65: {  	_ =	shalt  }
0x66: {  	_ =	shalt  }
0x67: {  	_ =	shalt  }
0x68: {  	_ =	shalt  }
0x69: {  	_ =	shalt  }
0x6a: {  	_ =	shalt  }
0x6b: {  	_ =	shalt  }
0x6c: {  	_ =	shalt  }
0x6d: {  	_ =	shalt  }
0x6e: {  	_ =	shalt  }
0x6f: {  	_ =	shalt  }
0x70: {  	_ =	shalt  }
0x71: {  	_ =	shalt  }
0x72: {  	_ =	shalt  }
0x73: {  	_ =	shalt  }
0x74: {  	_ =	shalt  }
0x75: {  	_ =	shalt  }
0x76: {  	_ =	shalt  }
0x77: {  	_ =	shalt  }
0x78: {  	_ =	shalt  }
0x79: {  	_ =	shalt  }
0x7a: {  	_ =	shalt  }
0x7b: {  	_ =	shalt  }
0x7c: {  	_ =	shalt  }
0x7d: {  	_ =	shalt  }
0x7e: {  	_ =	shalt  }
0x7f: {  	_ =	shalt  }
0x80: {  	_ =	shalt  }
0x81: {  	_ =	shalt  }
0x82: {  	_ =	shalt  }
0x83: {  	_ =	shalt  }
0x84: {  	_ =	shalt  }
0x85: {  	_ =	shalt  }
0x86: {  	_ =	shalt  }
0x87: {  	_ =	shalt  }
.Lfunc_end0:
.L_simem_size_0:
called_computation_lowered:
.L_overlay_start_0:
0x88: {  	s2 =	sld [smem:$0x3FD9]  }
0x89: {  	s3 =	sld [smem:$0x3FFE];
	_ =	sdelay $0x1  }
0x8a: {  	s1 =	srdreg.scid  }
0x8b: {  	s0 =	sand.u32 $0x1, s1  }
0x8c: {  	s15 =	sshll.u32 s0, $0xA;
	s2 =	sadd.s32 s3, s2  }
0x8d: {  	s2 =	sadd.s32 s2, s15  }
0x8e: {  	[smem:$0x3FBC] =	sst s2  }
0x8f: {  	_ = 	snop  }
0x90: {  	s2 =	sld [smem:$0x3FD0];
	_ =	sdelay $0x2  }
0x91: {  	s5 =	simm.s32 $0xB;
	s16 =	simm.s32 $0x10  }
0x92: {  	[smem:s16], [sflag:s5] =	dma.local [hbm:s2], $0x1  }
0x93: {  	_ =	swait.eq [sflag:s5], $0x1  }
0x94: {  	s4 =	sld [smem:$0x12];
	[sflag:s5] =	ssyncset.done $0x0  }
0x95: {  	s17 =	sld [smem:$0x15];
	[sflag:s5] =	ssyncadd.s32 $0xFFFFFFFF  }
0x96: {  	s18 =	sld [smem:$0x16];
	(tm) =	ssettm $0x1  }
0x97: {  	s19 =	sld [smem:$0x3FFB];
	_ =	sdelay $0x3  }
0x98: {  	_ =	strace s19  }
0x99: {  	s2 =	sld [smem:$0x3FFC];
	_ =	sdelay $0x3  }
0x9a: {  	_ =	strace s2  }
0x9b: {  	s2 =	sld [smem:$0x3FFD];
	_ =	sdelay $0x3  }
0x9c: {  	_ =	strace s2  }
0x9d: {  	_ =	strace $0x8FFFFFFF  }
0x9e: {  	s20 =	sld [smem:$0x3FDB];
	_ =	sdelay $0x1  }
0x9f: {  	s6 =	simm.s32 $_scs_section_size  }
0xa0: {  	s7 =	simm.s32 $_size__tile_overlayer_lowered;
	s8 =	simm.s32 $_tile_overlayer_lowered  }
0xa1: {  	s9 =	simm.s32 $0x1BFF;
	s21 =	sshll.u32 s8, $0x1;
	s6 =	sadd.s32 s6, s20  }
0xa2: {  	s22 =	simm.s32 $0x0;
	s7 =	sshll.u32 s7, $0x1;
	s8 =	sadd.s32 s21, s6  }
0xa3: {  	[timem:s22], [sflag:s9] =	dma.local [hbm:s8], s7  }
0xa4: {  	_ =	swait.ge [sflag:s9], s7  }
0xa5: {  	s7 =	ssub.s32 $0x0, s7;
	[sflag:s9] =	ssyncset.done $0x0  }
0xa6: {  	[sflag:s9] =	ssyncadd.s32 s7;
	_ =	sdelay $0x1  }
0xa7: {  	s23 =	simm.s32 $0x1B8B  }
0xa8: {  	_ =	swait.ge [sflag:s23], $0x1  }
0xa9: {  	[sflag:s23] =	ssyncset.done $0x0  }
0xaa: {  	[sflag:s23] =	ssyncadd.s32 $0xFFFFFFFF  }
0xab: {  	s7 =	sld [smem:$0x0]  }
0xac: {  	s8 =	sand.u32 $0xFFFFFFFE, s1  }
0xad: {  	p0 =	sne.s32 s1, s8  }
0xae: {  	s8 =	sshll.u32 @p0 s8, $0xE  }
0xaf: {  	s8 =	sadd.s32 @p0 $0x11B8D, s8;
	s9 =	sshll.u32 @p0 s7, $0x11  }
0xb0: {  	s8 =	sor.u32 @p0 s9, s8  }
0xb1: {  	[sflag:s8] =	ssyncadd.remote.s32 @p0 $0x1;
	_ =	sdelay $0x1  }
0xb2: {  	s8 =	simm.s32 @p0 $0x1B8D  }
0xb3: {  	_ =	swait.eq @p0 [sflag:s8], $0x1  }
0xb4: {  	[sflag:s8] =	ssyncadd.s32 @p0 $0xFFFFFFFF  }
0xb5: {  	s9 =	sshll.u32 @!p0 s1, $0xE  }
0xb6: {  	s9 =	sor.u32 @!p0 $0x4000, s9;
	s8 =	simm.s32 @!p0 $0x1B8D  }
0xb7: {  	s10 =	sshll.u32 @!p0 s7, $0x11;
	s9 =	sadd.s32 @!p0 $0x11B8D, s9;
	_ =	swait.eq @!p0 [sflag:s8], $0x1  }
0xb8: {  	[sflag:s8] =	ssyncadd.s32 @!p0 $0xFFFFFFFF;
	s8 =	sor.u32 @!p0 s10, s9  }
0xb9: {  	s25 =	simm.s32 $0x1B8E;
	s24 =	sld [smem:$0x3FFE];
	[sflag:s8] =	ssyncadd.remote.s32 @!p0 $0x1  }
0xba: {  	s26 =	simm.s32 $execute0_lowered;
	[smem:$0x3FD2] =	sst s25  }
0xbb: {  	s9 =	sshll.u32 s26, $0x1;
	_ =	strace $0x80000049;
	[dreg:$0x1] =	wrdreg $0xFFFFFFFF  }
0xbc: {  	s28 =	simm.s32 $_size_execute0_lowered;
	s6 =	sadd.s32 s6, s9;
	[dreg:$0x0] =	wrdreg $0x0  }
0xbd: {  	s9 =	sshll.u32 s28, $0x1;
	[dreg:$0x2] =	wrdreg s6  }
0xbe: {  	[dreg:$0x3] =	wrdreg s9  }
0xbf: {  	[dreg:$0x4] =	wrdreg $0xC0  }
0xc0: {  	_ =	task [dreg:s22], $0x5FFFF  }
0xc1: {  	[dreg:$0x1] =	wrdreg $0xFFFFFFFF  }
0xc2: {  	[dreg:$0x0] =	wrdreg $0x60  }
0xc3: {  	[dreg:$0x2] =	wrdreg s18  }
0xc4: {  	[dreg:$0x3] =	wrdreg s4  }
0xc5: {  	[dreg:$0x4] =	wrdreg s24  }
0xc6: {  	[dreg:$0x5] =	wrdreg s17  }
0xc7: {  	[dreg:$0x6] =	wrdreg s1  }
0xc8: {  	[dreg:$0x7] =	wrdreg s7  }
0xc9: {  	[dreg:$0x8] =	wrdreg $0x9  }
0xca: {  	_ =	task.clear_ibuf [dreg:s22], $0x9FFFF;
	_ =	strace $0x90000049  }
0xcb: {  	s29 =	simm.s32 $0x9;
	_ =	strace $0x8000004B  }
0xcc: {  	_ =	swait.ge [sflag:s29], $0x1  }
0xcd: {  	[sflag:s29] =	ssyncadd.s32 $0xFFFFFFFF  }
0xce: {  	_ =	strace $0x9000004B  }
0xcf: {  	_ =	sfence  }
0xd0: {  	s30 =	sld [smem:$0x0];
	_ =	sdelay $0x2  }
0xd1: {  	s31 =	sshll.u32 s1, $0xD;
	s1 =	sshrl.u32 s1, $0x2  }
0xd2: {  	s4 =	sand.u32 $0x4000, s31;
	s1 =	sadd.s32 s1, s30  }
0xd3: {  	s0 =	sor.u32 s4, s0;
	s1 =	sshll.u32 s1, $0x11  }
0xd4: {  	s0 =	sor.u32 s1, s0  }
0xd5: {  	s0 =	sadd.s32 $0x8F2B, s0  }
0xd6: {  	[sflag:s0] =	ssyncadd.remote.s32 $0x1  }
0xd7: {  	_ =	sfence.sel $0xFFFF  }
0xd8: {  	[dreg:$0x0] =	wrdreg $0xFFFFFFFF;
	(pc) =	sbr.abs _section_cstart, $3  }
0xd9: {  	[dreg:$0x1] =	wrdreg $0xFFFFFFFF  }
0xda: {  	_ =	task.clear_ibuf [dreg:s22], $0x2FFFF;
	_ =	strace $0x9FFFFFFF  }
0xdb: {  	(tm) =	ssettm $0x7FFFFFFF  }
tec
execute0_lowered:
.L_overlay_start_1:
0x0: {  	(tag) =	ssettag $0x1  }
0x1: {  	s1 =	rddreg [dreg:$0x0]  }
0x2: {  	s14 =	rddreg [dreg:$0x1]  }
0x3: {  	s11 =	rddreg [dreg:$0x2]  }
0x4: {  	s13 =	rddreg [dreg:$0x3]  }
0x5: {  	s4 =	rddreg [dreg:$0x4];
	_ =	strace $0x8000004A;
	s12 =	simm.s32 $0x1  }
0x6: {  	v0 =	vimm.s32 $0x0;
	[sflag:s12] =	ssyncpa.u1 $0x0  }
0x7: {  	[tilespmem:$0x28] =	vst v0  }
0x8: {  	[tilespmem:$0x38] =	vst v0  }
0x9: {  	[tilespmem:$0x48] =	vst v0  }
0xa: {  	[tilespmem:$0x58] =	vst v0  }
0xb: {  	[tilespmem:$0x68] =	vst v0  }
0xc: {  	[tilespmem:$0x78] =	vst v0  }
0xd: {  	[tilespmem:$0x88] =	vst v0  }
0xe: {  	[tilespmem:$0x98] =	vst v0  }
0xf: {  	[tilespmem:$0xA8] =	vst v0  }
0x10: {  	[tilespmem:$0xB8] =	vst v0  }
0x11: {  	[tilespmem:$0xC8] =	vst v0  }
0x12: {  	[tilespmem:$0xD8] =	vst v0  }
0x13: {  	[tilespmem:$0xE8] =	vst v0  }
0x14: {  	[tilespmem:$0xF8] =	vst v0  }
0x15: {  	[tilespmem:$0x108] =	vst v0  }
0x16: {  	[tilespmem:$0x118] =	vst v0  }
0x17: {  	[tilespmem:$0x128] =	vst v0  }
0x18: {  	[tilespmem:$0x138] =	vst v0  }
0x19: {  	[tilespmem:$0x148] =	vst v0  }
0x1a: {  	[tilespmem:$0x158] =	vst v0  }
0x1b: {  	[tilespmem:$0x168] =	vst v0  }
0x1c: {  	[tilespmem:$0x178] =	vst v0  }
0x1d: {  	[tilespmem:$0x188] =	vst v0  }
0x1e: {  	[tilespmem:$0x198] =	vst v0  }
0x1f: {  	[tilespmem:$0x1A8] =	vst v0  }
0x20: {  	[tilespmem:$0x1B8] =	vst v0  }
0x21: {  	[tilespmem:$0x1C8] =	vst v0  }
0x22: {  	[tilespmem:$0x1D8] =	vst v0  }
0x23: {  	[tilespmem:$0x1E8] =	vst v0  }
0x24: {  	[tilespmem:$0x1F8] =	vst v0  }
0x25: {  	[tilespmem:$0x208] =	vst v0  }
0x26: {  	[tilespmem:$0x218] =	vst v0  }
0x27: {  	[tilespmem:$0x228] =	vst v0  }
0x28: {  	[tilespmem:$0x238] =	vst v0  }
0x29: {  	[tilespmem:$0x248] =	vst v0  }
0x2a: {  	[tilespmem:$0x258] =	vst v0  }
0x2b: {  	[tilespmem:$0x268] =	vst v0  }
0x2c: {  	[tilespmem:$0x278] =	vst v0  }
0x2d: {  	[tilespmem:$0x288] =	vst v0  }
0x2e: {  	[tilespmem:$0x298] =	vst v0  }
0x2f: {  	[tilespmem:$0x2A8] =	vst v0  }
0x30: {  	[tilespmem:$0x2B8] =	vst v0  }
0x31: {  	[tilespmem:$0x2C8] =	vst v0  }
0x32: {  	[tilespmem:$0x2D8] =	vst v0  }
0x33: {  	[tilespmem:$0x2E8] =	vst v0  }
0x34: {  	[tilespmem:$0x2F8] =	vst v0  }
0x35: {  	[tilespmem:$0x308] =	vst v0  }
0x36: {  	[tilespmem:$0x318] =	vst v0  }
0x37: {  	[tilespmem:$0x328] =	vst v0  }
0x38: {  	[tilespmem:$0x338] =	vst v0  }
0x39: {  	[tilespmem:$0x348] =	vst v0  }
0x3a: {  	[tilespmem:$0x358] =	vst v0  }
0x3b: {  	[tilespmem:$0x368] =	vst v0  }
0x3c: {  	[tilespmem:$0x378] =	vst v0  }
0x3d: {  	[tilespmem:$0x388] =	vst v0  }
0x3e: {  	[tilespmem:$0x398] =	vst v0  }
0x3f: {  	[tilespmem:$0x3A8] =	vst v0  }
0x40: {  	[tilespmem:$0x3B8] =	vst v0  }
0x41: {  	[tilespmem:$0x3C8] =	vst v0  }
0x42: {  	[tilespmem:$0x3D8] =	vst v0  }
0x43: {  	[tilespmem:$0x3E8] =	vst v0  }
0x44: {  	[tilespmem:$0x3F8] =	vst v0  }
0x45: {  	[tilespmem:$0x408] =	vst v0  }
0x46: {  	[tilespmem:$0x418] =	vst v0  }
0x47: {  	[tilespmem:$0x428] =	vst v0  }
0x48: {  	[tilespmem:$0x438] =	vst v0  }
0x49: {  	[tilespmem:$0x448] =	vst v0  }
0x4a: {  	[tilespmem:$0x458] =	vst v0  }
0x4b: {  	[tilespmem:$0x468] =	vst v0  }
0x4c: {  	[tilespmem:$0x478] =	vst v0  }
0x4d: {  	[tilespmem:$0x488] =	vst v0  }
0x4e: {  	[tilespmem:$0x498] =	vst v0  }
0x4f: {  	[tilespmem:$0x4A8] =	vst v0  }
0x50: {  	[tilespmem:$0x4B8] =	vst v0  }
0x51: {  	[tilespmem:$0x4C8] =	vst v0  }
0x52: {  	[tilespmem:$0x4D8] =	vst v0  }
0x53: {  	[tilespmem:$0x4E8] =	vst v0  }
0x54: {  	[tilespmem:$0x4F8] =	vst v0  }
0x55: {  	[tilespmem:$0x508] =	vst v0  }
0x56: {  	[tilespmem:$0x518] =	vst v0  }
0x57: {  	[tilespmem:$0x528] =	vst v0  }
0x58: {  	[tilespmem:$0x538] =	vst v0  }
0x59: {  	[tilespmem:$0x548] =	vst v0  }
0x5a: {  	[tilespmem:$0x558] =	vst v0  }
0x5b: {  	[tilespmem:$0x568] =	vst v0  }
0x5c: {  	[tilespmem:$0x578] =	vst v0  }
0x5d: {  	[tilespmem:$0x588] =	vst v0  }
0x5e: {  	[tilespmem:$0x598] =	vst v0  }
0x5f: {  	[tilespmem:$0x5A8] =	vst v0  }
0x60: {  	[tilespmem:$0x5B8] =	vst v0  }
0x61: {  	[tilespmem:$0x5C8] =	vst v0  }
0x62: {  	[tilespmem:$0x5D8] =	vst v0  }
0x63: {  	[tilespmem:$0x5E8] =	vst v0  }
0x64: {  	[tilespmem:$0x5F8] =	vst v0  }
0x65: {  	[tilespmem:$0x608] =	vst v0  }
0x66: {  	[tilespmem:$0x618] =	vst v0  }
0x67: {  	[tilespmem:$0x628] =	vst v0  }
0x68: {  	[tilespmem:$0x638] =	vst v0  }
0x69: {  	[tilespmem:$0x648] =	vst v0  }
0x6a: {  	[tilespmem:$0x658] =	vst v0  }
0x6b: {  	[tilespmem:$0x668] =	vst v0  }
0x6c: {  	[tilespmem:$0x678] =	vst v0  }
0x6d: {  	[tilespmem:$0x688] =	vst v0  }
0x6e: {  	[tilespmem:$0x698] =	vst v0  }
0x6f: {  	[tilespmem:$0x6A8] =	vst v0  }
0x70: {  	[tilespmem:$0x6B8] =	vst v0  }
0x71: {  	[tilespmem:$0x6C8] =	vst v0  }
0x72: {  	[tilespmem:$0x6D8] =	vst v0  }
0x73: {  	[tilespmem:$0x6E8] =	vst v0  }
0x74: {  	[tilespmem:$0x6F8] =	vst v0  }
0x75: {  	[tilespmem:$0x708] =	vst v0  }
0x76: {  	[tilespmem:$0x718] =	vst v0  }
0x77: {  	[tilespmem:$0x728] =	vst v0  }
0x78: {  	[tilespmem:$0x738] =	vst v0  }
0x79: {  	[tilespmem:$0x748] =	vst v0  }
0x7a: {  	[tilespmem:$0x758] =	vst v0  }
0x7b: {  	[tilespmem:$0x768] =	vst v0  }
0x7c: {  	[tilespmem:$0x778] =	vst v0  }
0x7d: {  	[tilespmem:$0x788] =	vst v0  }
0x7e: {  	[tilespmem:$0x798] =	vst v0  }
0x7f: {  	[tilespmem:$0x7A8] =	vst v0  }
0x80: {  	[tilespmem:$0x7B8] =	vst v0  }
0x81: {  	[tilespmem:$0x7C8] =	vst v0  }
0x82: {  	[tilespmem:$0x7D8] =	vst v0  }
0x83: {  	[tilespmem:$0x7E8] =	vst v0  }
0x84: {  	[tilespmem:$0x7F8] =	vst v0  }
0x85: {  	[tilespmem:$0x808] =	vst v0  }
0x86: {  	[tilespmem:$0x818] =	vst v0  }
0x87: {  	[tilespmem:$0x828] =	vst v0  }
0x88: {  	[tilespmem:$0x838] =	vst v0  }
0x89: {  	[tilespmem:$0x848] =	vst v0  }
0x8a: {  	[tilespmem:$0x858] =	vst v0  }
0x8b: {  	[tilespmem:$0x868] =	vst v0  }
0x8c: {  	[tilespmem:$0x878] =	vst v0  }
0x8d: {  	[tilespmem:$0x888] =	vst v0  }
0x8e: {  	[tilespmem:$0x898] =	vst v0  }
0x8f: {  	[tilespmem:$0x8A8] =	vst v0  }
0x90: {  	[tilespmem:$0x8B8] =	vst v0  }
0x91: {  	[tilespmem:$0x8C8] =	vst v0  }
0x92: {  	[tilespmem:$0x8D8] =	vst v0  }
0x93: {  	[tilespmem:$0x8E8] =	vst v0  }
0x94: {  	[tilespmem:$0x8F8] =	vst v0  }
0x95: {  	[tilespmem:$0x908] =	vst v0  }
0x96: {  	[tilespmem:$0x918] =	vst v0  }
0x97: {  	[tilespmem:$0x928] =	vst v0  }
0x98: {  	[tilespmem:$0x938] =	vst v0  }
0x99: {  	[tilespmem:$0x948] =	vst v0  }
0x9a: {  	[tilespmem:$0x958] =	vst v0  }
0x9b: {  	[tilespmem:$0x968] =	vst v0  }
0x9c: {  	[tilespmem:$0x978] =	vst v0  }
0x9d: {  	[tilespmem:$0x988] =	vst v0  }
0x9e: {  	[tilespmem:$0x998] =	vst v0  }
0x9f: {  	[tilespmem:$0x9A8] =	vst v0  }
0xa0: {  	[tilespmem:$0x9B8] =	vst v0  }
0xa1: {  	[tilespmem:$0x9C8] =	vst v0  }
0xa2: {  	[tilespmem:$0x9D8] =	vst v0  }
0xa3: {  	[tilespmem:$0x9E8] =	vst v0  }
0xa4: {  	[tilespmem:$0x9F8] =	vst v0  }
0xa5: {  	[tilespmem:$0xA08] =	vst v0  }
0xa6: {  	[tilespmem:$0xA18] =	vst v0  }
0xa7: {  	[tilespmem:$0xA28] =	vst v0  }
0xa8: {  	[tilespmem:$0xA38] =	vst v0  }
0xa9: {  	[tilespmem:$0xA48] =	vst v0  }
0xaa: {  	[tilespmem:$0xA58] =	vst v0  }
0xab: {  	[tilespmem:$0xA68] =	vst v0  }
0xac: {  	[tilespmem:$0xA78] =	vst v0  }
0xad: {  	[tilespmem:$0xA88] =	vst v0  }
0xae: {  	[tilespmem:$0xA98] =	vst v0  }
0xaf: {  	[tilespmem:$0xAA8] =	vst v0  }
0xb0: {  	[tilespmem:$0xAB8] =	vst v0  }
0xb1: {  	[tilespmem:$0xAC8] =	vst v0  }
0xb2: {  	[tilespmem:$0xAD8] =	vst v0  }
0xb3: {  	[tilespmem:$0xAE8] =	vst v0  }
0xb4: {  	[tilespmem:$0xAF8] =	vst v0  }
0xb5: {  	[tilespmem:$0xB08] =	vst v0  }
0xb6: {  	[tilespmem:$0xB18] =	vst v0  }
0xb7: {  	[tilespmem:$0xB28] =	vst v0  }
0xb8: {  	[tilespmem:$0xB38] =	vst v0  }
0xb9: {  	[tilespmem:$0xB48] =	vst v0  }
0xba: {  	[tilespmem:$0xB58] =	vst v0  }
0xbb: {  	[tilespmem:$0xB68] =	vst v0  }
0xbc: {  	[tilespmem:$0xB78] =	vst v0  }
0xbd: {  	[tilespmem:$0xB88] =	vst v0  }
0xbe: {  	[tilespmem:$0xB98] =	vst v0  }
0xbf: {  	[tilespmem:$0xBA8] =	vst v0  }
0xc0: {  	[tilespmem:$0xBB8] =	vst v0  }
0xc1: {  	[tilespmem:$0xBC8] =	vst v0  }
0xc2: {  	[tilespmem:$0xBD8] =	vst v0  }
0xc3: {  	[tilespmem:$0xBE8] =	vst v0  }
0xc4: {  	[tilespmem:$0xBF8] =	vst v0  }
0xc5: {  	[tilespmem:$0xC08] =	vst v0  }
0xc6: {  	[tilespmem:$0xC18] =	vst v0  }
0xc7: {  	[tilespmem:$0xC28] =	vst v0  }
0xc8: {  	[tilespmem:$0xC38] =	vst v0  }
0xc9: {  	[tilespmem:$0xC48] =	vst v0  }
0xca: {  	[tilespmem:$0xC58] =	vst v0  }
0xcb: {  	[tilespmem:$0xC68] =	vst v0  }
0xcc: {  	[tilespmem:$0xC78] =	vst v0  }
0xcd: {  	[tilespmem:$0xC88] =	vst v0  }
0xce: {  	[tilespmem:$0xC98] =	vst v0  }
0xcf: {  	[tilespmem:$0xCA8] =	vst v0  }
0xd0: {  	[tilespmem:$0xCB8] =	vst v0  }
0xd1: {  	[tilespmem:$0xCC8] =	vst v0  }
0xd2: {  	[tilespmem:$0xCD8] =	vst v0  }
0xd3: {  	[tilespmem:$0xCE8] =	vst v0  }
0xd4: {  	[tilespmem:$0xCF8] =	vst v0  }
0xd5: {  	[tilespmem:$0xD08] =	vst v0  }
0xd6: {  	[tilespmem:$0xD18] =	vst v0  }
0xd7: {  	[tilespmem:$0xD28] =	vst v0  }
0xd8: {  	[tilespmem:$0xD38] =	vst v0  }
0xd9: {  	[tilespmem:$0xD48] =	vst v0  }
0xda: {  	[tilespmem:$0xD58] =	vst v0  }
0xdb: {  	[tilespmem:$0xD68] =	vst v0  }
0xdc: {  	[tilespmem:$0xD78] =	vst v0  }
0xdd: {  	[tilespmem:$0xD88] =	vst v0  }
0xde: {  	[tilespmem:$0xD98] =	vst v0  }
0xdf: {  	[tilespmem:$0xDA8] =	vst v0  }
0xe0: {  	[tilespmem:$0xDB8] =	vst v0  }
0xe1: {  	[tilespmem:$0xDC8] =	vst v0  }
0xe2: {  	[tilespmem:$0xDD8] =	vst v0  }
0xe3: {  	[tilespmem:$0xDE8] =	vst v0  }
0xe4: {  	[tilespmem:$0xDF8] =	vst v0  }
0xe5: {  	[tilespmem:$0xE08] =	vst v0  }
0xe6: {  	[tilespmem:$0xE18] =	vst v0  }
0xe7: {  	[tilespmem:$0xE28] =	vst v0  }
0xe8: {  	[tilespmem:$0xE38] =	vst v0  }
0xe9: {  	[tilespmem:$0xE48] =	vst v0  }
0xea: {  	[tilespmem:$0xE58] =	vst v0  }
0xeb: {  	[tilespmem:$0xE68] =	vst v0  }
0xec: {  	[tilespmem:$0xE78] =	vst v0  }
0xed: {  	[tilespmem:$0xE88] =	vst v0  }
0xee: {  	[tilespmem:$0xE98] =	vst v0  }
0xef: {  	[tilespmem:$0xEA8] =	vst v0  }
0xf0: {  	[tilespmem:$0xEB8] =	vst v0  }
0xf1: {  	[tilespmem:$0xEC8] =	vst v0  }
0xf2: {  	[tilespmem:$0xED8] =	vst v0  }
0xf3: {  	[tilespmem:$0xEE8] =	vst v0  }
0xf4: {  	[tilespmem:$0xEF8] =	vst v0  }
0xf5: {  	[tilespmem:$0xF08] =	vst v0  }
0xf6: {  	[tilespmem:$0xF18] =	vst v0  }
0xf7: {  	[tilespmem:$0xF28] =	vst v0  }
0xf8: {  	[tilespmem:$0xF38] =	vst v0  }
0xf9: {  	[tilespmem:$0xF48] =	vst v0  }
0xfa: {  	[tilespmem:$0xF58] =	vst v0  }
0xfb: {  	[tilespmem:$0xF68] =	vst v0  }
0xfc: {  	[tilespmem:$0xF78] =	vst v0  }
0xfd: {  	[tilespmem:$0xF88] =	vst v0  }
0xfe: {  	[tilespmem:$0xF98] =	vst v0  }
0xff: {  	[tilespmem:$0xFA8] =	vst v0  }
0x100: {  	[tilespmem:$0xFB8] =	vst v0  }
0x101: {  	[tilespmem:$0xFC8] =	vst v0  }
0x102: {  	[tilespmem:$0xFD8] =	vst v0  }
0x103: {  	[tilespmem:$0xFE8] =	vst v0  }
0x104: {  	[tilespmem:$0xFF8] =	vst v0  }
0x105: {  	[tilespmem:$0x1008] =	vst v0  }
0x106: {  	[tilespmem:$0x10E8] =	vst v0  }
0x107: {  	[tilespmem:$0x1B28] =	vst v0  }
0x108: {  	[tilespmem:$0x1B18] =	vst v0  }
0x109: {  	[tilespmem:$0x1B08] =	vst v0  }
0x10a: {  	[tilespmem:$0x1AF8] =	vst v0  }
0x10b: {  	[tilespmem:$0x1AE8] =	vst v0  }
0x10c: {  	[tilespmem:$0x1AD8] =	vst v0  }
0x10d: {  	[tilespmem:$0x1AC8] =	vst v0  }
0x10e: {  	[tilespmem:$0x1AB8] =	vst v0  }
0x10f: {  	[tilespmem:$0x1AA8] =	vst v0  }
0x110: {  	[tilespmem:$0x1A98] =	vst v0  }
0x111: {  	[tilespmem:$0x1A88] =	vst v0  }
0x112: {  	[tilespmem:$0x1A78] =	vst v0  }
0x113: {  	[tilespmem:$0x1A68] =	vst v0  }
0x114: {  	[tilespmem:$0x1A58] =	vst v0  }
0x115: {  	[tilespmem:$0x1A48] =	vst v0  }
0x116: {  	[tilespmem:$0x1A38] =	vst v0  }
0x117: {  	[tilespmem:$0x1A28] =	vst v0  }
0x118: {  	[tilespmem:$0x1A18] =	vst v0  }
0x119: {  	[tilespmem:$0x1A08] =	vst v0  }
0x11a: {  	[tilespmem:$0x19F8] =	vst v0  }
0x11b: {  	[tilespmem:$0x19E8] =	vst v0  }
0x11c: {  	[tilespmem:$0x19D8] =	vst v0  }
0x11d: {  	[tilespmem:$0x19C8] =	vst v0  }
0x11e: {  	[tilespmem:$0x19B8] =	vst v0  }
0x11f: {  	[tilespmem:$0x19A8] =	vst v0  }
0x120: {  	[tilespmem:$0x1998] =	vst v0  }
0x121: {  	[tilespmem:$0x1988] =	vst v0  }
0x122: {  	[tilespmem:$0x1978] =	vst v0  }
0x123: {  	[tilespmem:$0x1968] =	vst v0  }
0x124: {  	[tilespmem:$0x1958] =	vst v0  }
0x125: {  	[tilespmem:$0x1948] =	vst v0  }
0x126: {  	[tilespmem:$0x1938] =	vst v0  }
0x127: {  	[tilespmem:$0x1928] =	vst v0  }
0x128: {  	[tilespmem:$0x1918] =	vst v0  }
0x129: {  	[tilespmem:$0x1908] =	vst v0  }
0x12a: {  	[tilespmem:$0x18F8] =	vst v0  }
0x12b: {  	[tilespmem:$0x18E8] =	vst v0  }
0x12c: {  	[tilespmem:$0x18D8] =	vst v0  }
0x12d: {  	[tilespmem:$0x18C8] =	vst v0  }
0x12e: {  	[tilespmem:$0x18B8] =	vst v0  }
0x12f: {  	[tilespmem:$0x18A8] =	vst v0  }
0x130: {  	[tilespmem:$0x1898] =	vst v0  }
0x131: {  	[tilespmem:$0x1888] =	vst v0  }
0x132: {  	[tilespmem:$0x1878] =	vst v0  }
0x133: {  	[tilespmem:$0x1868] =	vst v0  }
0x134: {  	[tilespmem:$0x1858] =	vst v0  }
0x135: {  	[tilespmem:$0x1848] =	vst v0  }
0x136: {  	[tilespmem:$0x1838] =	vst v0  }
0x137: {  	[tilespmem:$0x1828] =	vst v0  }
0x138: {  	[tilespmem:$0x1818] =	vst v0  }
0x139: {  	[tilespmem:$0x1808] =	vst v0  }
0x13a: {  	[tilespmem:$0x17F8] =	vst v0  }
0x13b: {  	[tilespmem:$0x17E8] =	vst v0  }
0x13c: {  	[tilespmem:$0x17D8] =	vst v0  }
0x13d: {  	[tilespmem:$0x17C8] =	vst v0  }
0x13e: {  	[tilespmem:$0x17B8] =	vst v0  }
0x13f: {  	[tilespmem:$0x17A8] =	vst v0  }
0x140: {  	[tilespmem:$0x1798] =	vst v0  }
0x141: {  	[tilespmem:$0x1788] =	vst v0  }
0x142: {  	[tilespmem:$0x1778] =	vst v0  }
0x143: {  	[tilespmem:$0x1768] =	vst v0  }
0x144: {  	[tilespmem:$0x1758] =	vst v0  }
0x145: {  	[tilespmem:$0x1748] =	vst v0  }
0x146: {  	[tilespmem:$0x1738] =	vst v0  }
0x147: {  	[tilespmem:$0x1728] =	vst v0  }
0x148: {  	[tilespmem:$0x1718] =	vst v0  }
0x149: {  	[tilespmem:$0x1708] =	vst v0  }
0x14a: {  	[tilespmem:$0x16F8] =	vst v0  }
0x14b: {  	[tilespmem:$0x16E8] =	vst v0  }
0x14c: {  	[tilespmem:$0x16D8] =	vst v0  }
0x14d: {  	[tilespmem:$0x16C8] =	vst v0  }
0x14e: {  	[tilespmem:$0x16B8] =	vst v0  }
0x14f: {  	[tilespmem:$0x16A8] =	vst v0  }
0x150: {  	[tilespmem:$0x1698] =	vst v0  }
0x151: {  	[tilespmem:$0x1688] =	vst v0  }
0x152: {  	[tilespmem:$0x1678] =	vst v0  }
0x153: {  	[tilespmem:$0x1668] =	vst v0  }
0x154: {  	[tilespmem:$0x1658] =	vst v0  }
0x155: {  	[tilespmem:$0x1648] =	vst v0  }
0x156: {  	[tilespmem:$0x1638] =	vst v0  }
0x157: {  	[tilespmem:$0x1628] =	vst v0  }
0x158: {  	[tilespmem:$0x1618] =	vst v0  }
0x159: {  	[tilespmem:$0x1608] =	vst v0  }
0x15a: {  	[tilespmem:$0x15F8] =	vst v0  }
0x15b: {  	[tilespmem:$0x15E8] =	vst v0  }
0x15c: {  	[tilespmem:$0x15D8] =	vst v0  }
0x15d: {  	[tilespmem:$0x15C8] =	vst v0  }
0x15e: {  	[tilespmem:$0x15B8] =	vst v0  }
0x15f: {  	[tilespmem:$0x15A8] =	vst v0  }
0x160: {  	[tilespmem:$0x1598] =	vst v0  }
0x161: {  	[tilespmem:$0x1588] =	vst v0  }
0x162: {  	[tilespmem:$0x1578] =	vst v0  }
0x163: {  	[tilespmem:$0x1568] =	vst v0  }
0x164: {  	[tilespmem:$0x1558] =	vst v0  }
0x165: {  	[tilespmem:$0x1548] =	vst v0  }
0x166: {  	[tilespmem:$0x1538] =	vst v0  }
0x167: {  	[tilespmem:$0x1528] =	vst v0  }
0x168: {  	[tilespmem:$0x1518] =	vst v0  }
0x169: {  	[tilespmem:$0x1508] =	vst v0  }
0x16a: {  	[tilespmem:$0x14F8] =	vst v0  }
0x16b: {  	[tilespmem:$0x14E8] =	vst v0  }
0x16c: {  	[tilespmem:$0x14D8] =	vst v0  }
0x16d: {  	[tilespmem:$0x14C8] =	vst v0  }
0x16e: {  	[tilespmem:$0x14B8] =	vst v0  }
0x16f: {  	[tilespmem:$0x14A8] =	vst v0  }
0x170: {  	[tilespmem:$0x1498] =	vst v0  }
0x171: {  	[tilespmem:$0x1488] =	vst v0  }
0x172: {  	[tilespmem:$0x1478] =	vst v0  }
0x173: {  	[tilespmem:$0x1468] =	vst v0  }
0x174: {  	[tilespmem:$0x1458] =	vst v0  }
0x175: {  	[tilespmem:$0x1448] =	vst v0  }
0x176: {  	[tilespmem:$0x1438] =	vst v0  }
0x177: {  	[tilespmem:$0x1428] =	vst v0  }
0x178: {  	[tilespmem:$0x1418] =	vst v0  }
0x179: {  	[tilespmem:$0x1408] =	vst v0  }
0x17a: {  	[tilespmem:$0x13F8] =	vst v0  }
0x17b: {  	[tilespmem:$0x13E8] =	vst v0  }
0x17c: {  	[tilespmem:$0x13D8] =	vst v0  }
0x17d: {  	[tilespmem:$0x13C8] =	vst v0  }
0x17e: {  	[tilespmem:$0x13B8] =	vst v0  }
0x17f: {  	[tilespmem:$0x13A8] =	vst v0  }
0x180: {  	[tilespmem:$0x1398] =	vst v0  }
0x181: {  	[tilespmem:$0x1388] =	vst v0  }
0x182: {  	[tilespmem:$0x1378] =	vst v0  }
0x183: {  	[tilespmem:$0x1368] =	vst v0  }
0x184: {  	[tilespmem:$0x1358] =	vst v0  }
0x185: {  	[tilespmem:$0x1348] =	vst v0  }
0x186: {  	[tilespmem:$0x1338] =	vst v0  }
0x187: {  	[tilespmem:$0x1328] =	vst v0  }
0x188: {  	[tilespmem:$0x1318] =	vst v0  }
0x189: {  	[tilespmem:$0x1308] =	vst v0  }
0x18a: {  	[tilespmem:$0x12F8] =	vst v0  }
0x18b: {  	[tilespmem:$0x12E8] =	vst v0  }
0x18c: {  	[tilespmem:$0x12D8] =	vst v0  }
0x18d: {  	[tilespmem:$0x12C8] =	vst v0  }
0x18e: {  	[tilespmem:$0x12B8] =	vst v0  }
0x18f: {  	[tilespmem:$0x12A8] =	vst v0  }
0x190: {  	[tilespmem:$0x1298] =	vst v0  }
0x191: {  	[tilespmem:$0x1288] =	vst v0  }
0x192: {  	[tilespmem:$0x1278] =	vst v0  }
0x193: {  	[tilespmem:$0x1268] =	vst v0  }
0x194: {  	[tilespmem:$0x1258] =	vst v0  }
0x195: {  	[tilespmem:$0x1248] =	vst v0  }
0x196: {  	[tilespmem:$0x1238] =	vst v0  }
0x197: {  	[tilespmem:$0x1228] =	vst v0  }
0x198: {  	[tilespmem:$0x1218] =	vst v0  }
0x199: {  	[tilespmem:$0x1208] =	vst v0  }
0x19a: {  	[tilespmem:$0x11F8] =	vst v0  }
0x19b: {  	[tilespmem:$0x11E8] =	vst v0  }
0x19c: {  	[tilespmem:$0x11D8] =	vst v0  }
0x19d: {  	[tilespmem:$0x11C8] =	vst v0  }
0x19e: {  	[tilespmem:$0x11B8] =	vst v0  }
0x19f: {  	[tilespmem:$0x11A8] =	vst v0  }
0x1a0: {  	[tilespmem:$0x1198] =	vst v0  }
0x1a1: {  	[tilespmem:$0x1188] =	vst v0  }
0x1a2: {  	[tilespmem:$0x1178] =	vst v0  }
0x1a3: {  	[tilespmem:$0x1168] =	vst v0  }
0x1a4: {  	[tilespmem:$0x1158] =	vst v0  }
0x1a5: {  	[tilespmem:$0x1148] =	vst v0  }
0x1a6: {  	[tilespmem:$0x1138] =	vst v0  }
0x1a7: {  	s8 =	stileid.u32;
	[tilespmem:$0x1128] =	vst v0  }
0x1a8: {  	s0 =	smul.u32 $0x3, s8;
	[tilespmem:$0x1118] =	vst v0  }
0x1a9: {  	s2 =	smin.u32 s8, $0x8;
	[tilespmem:$0x1108] =	vst v0  }
0x1aa: {  	[tilespmem:$0x10F8] =	vst v0;
	s0 =	sadd.s32 s2, s0  }
0x1ab: {  	p0 =	slt.u32 s8, $0x8;
	[tilespmem:$0x10C8] =	vst v0;
	s2 =	simm.s32 $0x6C0;
	s6 =	smul.u32 $0x1B0, s0  }
0x1ac: {  	s2 =	simm.s32 @!p0 $0x510;
	[tilespmem:$0x10D8] =	vst v0  }
0x1ad: {  	[tilespmem:$0x10B8] =	vst v0;
	s0 =	sadd.s32 s2, s6  }
0x1ae: {  	[tilespmem:$0x1028] =	vst v0;
	s7 =	smin.u32 s0, $0x5DC0  }
0x1af: {  	[tilespmem:$0x10A8] =	vst v0;
	s0 =	ssub.s32 s7, s6  }
0x1b0: {  	[tilespmem:$0x1098] =	vst v0;
	p0 =	sgt.s32 s0, $0x0  }
0x1b1: {  	s3 =	simm.s32 $0x2;
	s5 =	simm.s32 $0x9;
	[tilespmem:$0x1088] =	vst v0;
	s0 =	simm.s32 @!p0 $0x0  }
0x1b2: {  	s28 =	simm.s32 $0xA;
	s29 =	simm.s32 $0xB;
	[tilespmem:$0x1078] =	vst v0;
	s25 =	sand.u32 $0xFFF0, s0  }
0x1b3: {  	s16 =	simm.s32 $0x0;
	p4 =	por $0x0, $0x0;
	[tilespmem:$0x1068] =	vst v0;
	s2 =	sshrl.u32 s25, $0x4  }
0x1b4: {  	s17 =	simm.s32 $0xC;
	s21 =	simm.s32 $0x0;
	[tilespmem:$0x1058] =	vst v0;
	s2 =	smul.u32 $0x12F7, s2  }
0x1b5: {  	s18 =	simm.s32 $0x0;
	s20 =	simm.s32 $0x0;
	s4 =	sand.u32 $0x1, s4;
	[tilespmem:$0x1048] =	vst v0  }
0x1b6: {  	s11 =	sadd.s32 $0x1C00, s11;
	s30 =	smul.u32 $0xBB8, s4;
	[tilespmem:$0x1038] =	vst v0;
	s2 =	sshrl.u32 s2, $0x11  }
0x1b7: {  	s31 =	sshll.u32 s8, $0x5;
	[tilespmem:$0x1018] =	vst v0;
	[sflag:s3] =	ssyncpa.u1 $0x0;
	v0 =	vimm.s32 $0xFFFFFFFF;
	s26 =	smul.u32 $0x1B0, s2  }
.Ltmp0:
0x1b8: {  	[dreg:$0x8] =	wrdreg s4;
	[tilespmem:$0x3648] =	vst v0;
	[sflag:s5] =	ssyncpa.u1 $0x0;
	(pc) =	sbr.rel .LBB2_1-.Ltmp0, $4  }
0x1b9: {  	[dreg:$0x7] =	wrdreg s31;
	[sflag:s28] =	ssyncpa.u1 $0x0;
	p0 =	sne.s32 s0, s26  }
0x1ba: {  	s4 =	sadd.s32 s30, s13;
	s15 =	sadd.s32 s30, s14;
	s12 =	simm.s32 @!p0 $0x0  }
0x1bb: {  	[sflag:s29] =	ssyncpa.u1 $0x0;
	s19 =	smov.u32 s6;
	s12 =	sadd.s32 s2, s12  }
0x1bc: {  	v0 =	vlaneseq.u32;
	[dreg:$0x9] =	wrdreg s6;
	p0 =	por $0x1, $0x1;
	s8 =	sadd.s32 $0x1, s12  }
.LBB2_18:
0x1bd: {  	s0 =	simm.s32 $0x2  }
0x1be: {  	_ =	swait.ge [sflag:s0], $0x0  }
0x1bf: {  	[sflag:s0] =	ssyncset.done $0x0;
	s0 =	simm.s32 $0x0  }
.LBB2_19:
0x1c0: {  	_ =	swait.ge [sflag:s17], s0  }
0x1c1: {  	s31 =	ssub.s32 $0x0, s0;
	v1 =	vmov s23;
	vm0 =	veq.s32 v0, $0x0;
	[sflag:s17] =	ssyncset.done $0x0  }
0x1c2: {  	vm15 =	veq.s32 v0, $0x2;
	v1 =	vsel vm0, s28, v1;
	[sflag:s17] =	ssyncadd.s32 s31  }
0x1c3: {  	v1 =	vsel vm15, s21, v1;
	[sflag:s17] =	ssyncpa.u1 $0x1  }
0x1c4: {  	[tilespmem:$0x3648] =	vst v1  }
.LBB2_20:
0x1c5: {  	s0 =	sadd.s32 $0x1B0, s19  }
0x1c6: {  	s2 =	smov.u32 s6;
	p1 =	slt.s32 s0, s7  }
0x1c7: {  	s2 =	smov.u32 @p1 s0;
	p1 =	sne.s32 s20, s8  }
.Ltmp1:
0x1c8: {  	_ = 	snop;
	(pc) =	sbr.rel @!p1 .LBB2_21-.Ltmp1, $4  }
0x1c9: {  	_ = 	snop  }
0x1ca: {  	s21 =	smov.u32 s18  }
0x1cb: {  	s31 =	sadd.s32 $0x1, s20;
	s18 =	smov.u32 s19;
	p0 =	por !p0, !p0  }
0x1cc: {  	p4 =	por !p4, !p4;
	s20 =	smov.u32 s31;
	s19 =	smov.u32 s2  }
.LBB2_1:
0x1cd: {  	p2 =	sge.u32 s20, s12  }
0x1ce: {  	s0 =	smulhi.u32 @!p2 $0xAAAAAAAB, s20  }
0x1cf: {  	s2 =	smov.u32 s19;
	p3 =	sgt.s32 @!p2 s19, $0x5C10  }
0x1d0: {  	s3 =	sshra.s32 @!p2 s19, $0x1F;
	p3 =	por !p3, p2;
	s0 =	sshrl.u32 @!p2 s0, $0x1  }
0x1d1: {  	s3 =	sand.u32 @!p2 s3, s19;
	s2 =	simm.s32 @p3 $0x5C10;
	s0 =	smul.u32 @!p2 $0x3, s0  }
0x1d2: {  	s2 =	ssub.s32 @!p2 s2, s3  }
0x1d3: {  	s23 =	sadd.s32 $0xFFFFFFFF, s20;
	s2 =	sadd.s32 @!p2 $0xFFFFA3F0, s2;
	s0 =	ssub.s32 @!p2 s20, s0  }
0x1d4: {  	s3 =	sshll.u32 @!p2 s2, $0x2;
	p3 =	sgt.s32 @!p2 s2, $0x1AF;
	s0 =	smul.u32 @!p2 $0x6C0, s0  }
0x1d5: {  	s5 =	sand.u32 @!p2 $0x7, s19;
	s2 =	ssub.s32 @!p2 $0x6C0, s3;
	p3 =	por !p3, p2  }
0x1d6: {  	s3 =	sshrl.u32 @!p2 s19, $0x3;
	s2 =	sshrl.u32 @!p2 s2, $0x2;
	s0 =	sshrl.u32 @!p2 s0, $0x2  }
0x1d7: {  	s3 =	sadd.s32 @!p2 s3, s4;
	s2 =	simm.s32 @!p3 $0x0;
	s0 =	sadd.s32 @!p2 $0x3888, s0  }
0x1d8: {  	[tilespmem:s0], [sflag:$0xA] =	stream.linear.gather @!p2 [hbm4b:s3+s5], s2, $0x38;
	[tilespmem:$0x1F0F8] =	vst v63  }
0x1d9: {  	p2 =	sge.u32 s23, s12  }
0x1da: {  	p3 =	sgt.s32 @!p2 s18, $0x5C10  }
0x1db: {  	s0 =	smov.u32 s18;
	s2 =	sshra.s32 @!p2 s18, $0x1F;
	p3 =	por !p3, p2  }
0x1dc: {  	s2 =	sand.u32 @!p2 s2, s18;
	s0 =	simm.s32 @p3 $0x5C10  }
0x1dd: {  	s0 =	ssub.s32 @!p2 s0, s2  }
0x1de: {  	s0 =	sadd.s32 @!p2 $0xFFFFA3F0, s0  }
0x1df: {  	s2 =	sshll.u32 @!p2 s0, $0x2  }
0x1e0: {  	p3 =	sgt.s32 @!p2 s0, $0x1AF;
	s0 =	ssub.s32 @!p2 $0x6C0, s2  }
0x1e1: {  	s22 =	ssub.s32 @!p2 $0x5DC0, s18;
	p3 =	por !p3, p2;
	s0 =	sshrl.u32 @!p2 s0, $0x2  }
0x1e2: {  	s2 =	sand.u32 @!p2 $0x1, s23;
	s0 =	simm.s32 @!p3 $0x0;
	p3 =	slt.s32 @!p2 s22, $0x1  }
0x1e3: {  	s3 =	simm.s32 @!p2 $0xA;
	s2 =	smul.u32 @!p2 $0x6C0, s2;
	p3 =	por p2, p3  }
.Ltmp2:
0x1e4: {  	_ =	swait.ge @!p2 [sflag:s3], s0;
	(pc) =	sbr.rel @p3 .LBB2_7-.Ltmp2, $4  }
0x1e5: {  	s5 =	ssub.s32 @!p2 $0x0, s0;
	[sflag:s3] =	ssyncset.done @!p2 $0x0  }
0x1e6: {  	s2 =	sshrl.u32 @!p2 s2, $0x2;
	[sflag:s3] =	ssyncadd.s32 @!p2 s5;
	s3 =	sshrl.u32 @!p2 s18, $0x3  }
0x1e7: {  	s2 =	sadd.s32 @!p2 $0x3D98, s2;
	s5 =	sand.u32 @!p2 $0x7, s18;
	s3 =	sadd.s32 @!p2 s3, s15  }
0x1e8: {  	[tilespmem:s2], [sflag:$0xB] =	stream.linear.gather @!p2 [hbm4b:s3+s5], s0, $0x38;
	[tilespmem:$0x1F0F8] =	vst v63  }
0x1e9: {  	s0 =	smulhi.u32 $0xAAAAAAAB, s23;
	_ =	sdelay $0x1  }
0x1ea: {  	s0 =	sshrl.u32 s0, $0x1  }
0x1eb: {  	s0 =	smul.u32 $0x3, s0;
	_ =	sdelay $0x1  }
0x1ec: {  	s0 =	ssub.s32 s23, s0  }
0x1ed: {  	s2 =	simm.s32 $0x1;
	s0 =	smul.u32 $0x6C0, s0  }
.Ltmp3:
0x1ee: {  	s2 =	simm.s32 @!p0 $0x0;
	(pc) =	sbr.rel .LBB2_4-.Ltmp3, $4  }
0x1ef: {  	s2 =	smul.u32 $0x36000, s2  }
0x1f0: {  	p3 =	slt.s32 @!p2 s22, $0x1B0;
	s0 =	sshrl.u32 s0, $0x2  }
0x1f1: {  	p2 =	por !p3, p2;
	s2 =	sshrl.u32 s2, $0x2;
	s0 =	sadd.s32 $0x3888, s0  }
0x1f2: {  	s24 =	simm.s32 $0x0;
	s22 =	simm.s32 @p2 $0x1B0;
	s23 =	sadd.s32 $0x40F8, s2;
	v1 =	vmov s0  }
.LBB2_3:
0x1f3: {  	p2 =	sge.s32 s24, s22  }
.Ltmp4:
0x1f4: {  	_ = 	snop;
	(pc) =	sbr.rel @p2 .LBB2_7-.Ltmp4, $2  }
0x1f5: {  	_ =	sdelay $0x2  }
0x1f6: {  	s23 =	sadd.s32 $0x800, s23  }
.LBB2_4:
0x1f7: {  	p2 =	sle.s32 s22, s24  }
.Ltmp5:
0x1f8: {  	_ = 	snop;
	(pc) =	sbr.rel @p2 .LBB2_3-.Ltmp5, $2  }
0x1f9: {  	_ =	sdelay $0x2  }
0x1fa: {  	s0 =	smov.u32 s24;
	s24 =	sadd.s32 $0x10, s24  }
0x1fb: {  	s2 =	ssub.s32 s22, s0  }
0x1fc: {  	p2 =	slt.s32 s2, $0x10  }
0x1fd: {  	s2 =	simm.s32 @!p2 $0x10  }
0x1fe: {  	v2 =	vmov s2  }
0x1ff: {  	vm0 =	vgt.s32 v2, v0;
	_ =	sdelay $0x5  }
0x200: {  	v2 =	vld.idx.msk [tilespmem:v1+s0+$0x0 ss:$0x1], vm0;
	_ =	sdelay $0x2  }
0x201: {  	p2 =	slt.s32 s24, s22;
	s2 =	smov.u32 s22  }
0x202: {  	s3 =	smov.u32 s23;
	s25 =	simm.s32 $0x0;
	s2 =	smov.u32 @p2 s24  }
.LBB2_6:
0x203: {  	(v2sf) =	vpush v2, s25;
	_ =	sdelay $0xc  }
0x204: {  	s25 =	sadd.s32 $0x1, s25  }
0x205: {  	s31 =	sadd.s32 s25, s0  }
0x206: {  	p2 =	slt.s32 s31, s2;
	s5 =	spop (v2sf)  }
.Ltmp6:
0x207: {  	s5 =	sshll.u32 s5, $0x4;
	(pc) =	sbr.rel @p2 .LBB2_6-.Ltmp6, $4  }
0x208: {  	s5 =	sand.u32 $0x1FFFFFF0, s5  }
0x209: {  	s5 =	sadd.s32 s11, s5  }
0x20a: {  	[tilespmem:s3], [sflag:$0x9] =	stream.linear.gather [hbm4b:s5+s16], $0x3, $0x38;
	[tilespmem:$0x1F0F8] =	vst v63  }
0x20b: {  	s3 =	sadd.s32 $0x80, s3  }
.Ltmp7:
0x20c: {  	_ = 	snop;
	(pc) =	sbr.rel .LBB2_3-.Ltmp7, $1  }
0x20d: {  	_ =	sdelay $0x3  }
.LBB2_7:
0x20e: {  	p2 =	slt.u32 s20, $0x2  }
.Ltmp8:
0x20f: {  	_ = 	snop;
	(pc) =	sbr.rel @p2 .LBB2_20-.Ltmp8, $1  }
0x210: {  	_ =	sdelay $0x3  }
0x211: {  	s0 =	ssub.s32 $0x5DC0, s21;
	p2 =	sgt.s32 s21, $0x5C10  }
0x212: {  	s2 =	smov.u32 s21;
	s3 =	sshra.s32 s21, $0x1F;
	p3 =	slt.s32 s0, $0x1B0  }
0x213: {  	s2 =	simm.s32 @!p2 $0x5C10;
	s3 =	sand.u32 s3, s21;
	s0 =	simm.s32 @!p3 $0x1B0  }
0x214: {  	s2 =	ssub.s32 s2, s3;
	s0 =	smul.u32 $0xC, s0  }
0x215: {  	s2 =	sadd.s32 $0xFFFFA3F0, s2  }
0x216: {  	s26 =	simm.s32 $0x9;
	s24 =	sshll.u32 s2, $0x2;
	s0 =	sshrl.u32 s0, $0x2  }
0x217: {  	p2 =	sgt.s32 s2, $0x1AF;
	s25 =	ssub.s32 $0x6C0, s24;
	_ =	swait.ge [sflag:s26], s0  }
0x218: {  	s0 =	ssub.s32 $0x0, s0;
	s2 =	sshrl.u32 s25, $0x2;
	[sflag:s26] =	ssyncset.done $0x0  }
0x219: {  	s28 =	simm.s32 $0xB;
	s2 =	simm.s32 @p2 $0x0;
	[sflag:s26] =	ssyncadd.s32 s0  }
0x21a: {  	_ =	swait.ge [sflag:s28], s2  }
0x21b: {  	s30 =	ssub.s32 $0x0, s2;
	[sflag:s28] =	ssyncset.done $0x0  }
0x21c: {  	[sflag:s28] =	ssyncadd.s32 s30  }
0x21d: {  	v1 =	vld [tilespmem:$0x3648];
	_ =	sdelay $0x4  }
0x21e: {  	(v2sf) =	vpush v1, $0x0  }
0x21f: {  	(v2sf) =	vpush v1, $0x1  }
0x220: {  	(v2sf) =	vpush v1, $0x2;
	_ =	sdelay $0x3  }
0x221: {  	s0 =	sadd.s32 $0x1B0, s21  }
0x222: {  	p2 =	slt.s32 s7, s0;
	s2 =	ssub.s32 $0xBB80, s21  }
0x223: {  	s0 =	smov.u32 @p2 s7;
	p2 =	sgt.s32 s2, $0x0  }
0x224: {  	s25 =	ssub.s32 s0, s21;
	s2 =	simm.s32 @!p2 $0x0  }
0x225: {  	p2 =	slt.s32 s2, s25  }
0x226: {  	s25 =	smov.u32 @p2 s2  }
0x227: {  	s24 =	simm.s32 $0x1;
	p2 =	slt.s32 s25, $0x1  }
.Ltmp9:
0x228: {  	s24 =	simm.s32 @!p4 $0x0;
	(pc) =	sbr.rel @p2 .LBB2_12-.Ltmp9, $4  }
0x229: {  	s31 =	smul.u32 $0x6C0, s24  }
0x22a: {  	s26 =	spop (v2sf)  }
0x22b: {  	s0 =	sshrl.u32 s31, $0x2;
	s29 =	spop (v2sf)  }
0x22c: {  	s22 =	sadd.s32 $0x3D98, s0;
	s21 =	spop (v2sf)  }
0x22d: {  	s0 =	smin.u32 s25, $0x10  }
0x22e: {  	v1 =	vmov s0  }
0x22f: {  	p3 =	sgt.s32 s25, $0x10;
	vm1 =	vgt.u32 v1, v0  }
.Ltmp10:
0x230: {  	_ = 	snop;
	(pc) =	sbr.rel @!p3 .LBB2_11-.Ltmp10, $2  }
0x231: {  	_ =	sdelay $0x2  }
0x232: {  	s23 =	simm.s32 $0x10;
	s28 =	sadd.s32 $0xFFFFFFF0, s25;
	s0 =	smov.u32 s22;
	vm0 =	vmmov vm1  }
.LBB2_10:
0x233: {  	s2 =	smin.u32 s28, $0x10;
	s23 =	sadd.s32 $0x10, s23;
	v1 =	vld.msk [tilespmem:s0+$0x0 ss:$0x1], vm1  }
0x234: {  	v2 =	vmov s2;
	p3 =	slt.s32 s23, s25  }
0x235: {  	vm1 =	vgt.u32 v2, v0  }
.Ltmp11:
0x236: {  	(pc) =	sbr.rel @p3 .LBB2_10-.Ltmp11, $3  }
0x237: {  	_ =	sdelay $0x1  }
0x238: {  	v1 =	vshll.u32 v1, $0x4  }
0x239: {  	s28 =	sadd.s32 $0xFFFFFFF0, s28;
	[tilespmem:s0+$0x0] =	vst.msk vm0, v1;
	s0 =	sadd.s32 $0x10, s0;
	vm0 =	vmmov vm1  }
.LBB2_11:
0x23a: {  	_ =	sdelay $0x4  }
0x23b: {  	v1 =	vld.msk [tilespmem:s0+$0x0 ss:$0x1], vm1;
	_ =	sdelay $0x4  }
0x23c: {  	v1 =	vshll.u32 v1, $0x4  }
0x23d: {  	[tilespmem:s0+$0x0] =	vst.msk vm0, v1  }
.LBB2_12:
0x23e: {  	s0 =	sand.u32 $0x1, s20  }
0x23f: {  	s0 =	smul.u32 $0x1B0, s0  }
0x240: {  	p3 =	sne.s32 s29, $0xFFFFFFFF  }
0x241: {  	v1 =	vld.msk @!p3 [tilespmem:s0+$0x3D98], $0x1;
	_ =	sdelay $0x4  }
0x242: {  	(v2sf) =	vpush @!p3 v1, $0x0;
	_ =	sdelay $0xc  }
.Ltmp12:
0x243: {  	_ = 	snop;
	(pc) =	sbr.rel @p2 .LBB2_18-.Ltmp12, $4  }
0x244: {  	_ = 	snop  }
0x245: {  	s28 =	spop @!p3 (v2sf)  }
0x246: {  	s21 =	simm.s32 @!p3 $0x0;
	s23 =	smov.u32 s28  }
0x247: {  	[sflag:s17] =	ssyncpa.u1 $0x0;
	s28 =	smov.u32 @p3 s26;
	s23 =	smov.u32 @p3 s29  }
0x248: {  	v1 =	vld.msk [tilespmem:s22+$0x0], $0x1;
	_ =	sdelay $0x4  }
0x249: {  	(v2sf) =	vpush v1, $0x0;
	_ =	sdelay $0xe  }
0x24a: {  	s0 =	simm.s32 @!p4 $0x0;
	s26 =	smul.u32 $0x36000, s24;
	s31 =	spop (v2sf)  }
0x24b: {  	s29 =	ssub.s32 $0x0, s25;
	s0 =	simm.s32 @p4 $0x1;
	p2 =	seq.s32 s28, s31  }
0x24c: {  	s2 =	smov.u32 s28;
	[smem:$0x7FD] =	sst s0;
	p3 =	sgt.s32 @!p2 s28, $0x0  }
0x24d: {  	s0 =	sshrl.u32 s26, $0x2;
	s26 =	sadd.s32 $0x1, s29;
	p3 =	por !p3, p2  }
0x24e: {  	s2 =	simm.s32 @p3 $0x0;
	p3 =	seq.s32 s26, $0x0  }
.Ltmp13:
0x24f: {  	_ = 	snop;
	(pc) =	sbr.rel @p3 .LBB2_15-.Ltmp13, $4  }
0x250: {  	s6 =	smov.u32 s8;
	s14 =	smov.u32 s4;
	s25 =	simm.s32 $0x0  }
0x251: {  	s24 =	sadd.s32 $0x40F8, s0;
	s0 =	simm.s32 @!p2 $0x1;
	s3 =	smin.u32 @!p2 s2, $0x17F  }
0x252: {  	s30 =	sadd.s32 $0x1, s22;
	s0 =	smov.u32 @p2 s25;
	s5 =	sand.u32 @!p2 $0x1F8, s3  }
0x253: {  	s2 =	simm.s32 @!p2 $0x1B38;
	s3 =	sand.u32 @!p2 $0x7, s3;
	s5 =	sadd.s32 @!p2 s1, s5  }
.LBB2_14:
0x254: {  	s4 =	smov.u32 s0  }
0x255: {  	[tilespmem:s2], [sflag:$0x2] =	stream.linear.gather @!p2 [hbm4b:s5+s3], $0x3, $0x38;
	[tilespmem:$0x1F0F8] =	vst v63  }
0x256: {  	s26 =	sadd.s32 $0x1, s26;
	s3 =	smov.u32 s31;
	v1 =	vld.msk [tilespmem:s30+$0x0], $0x1  }
0x257: {  	p3 =	seq.s32 s26, $0x0;
	_ =	sdelay $0x3  }
0x258: {  	(v2sf) =	vpush v1, $0x0;
	_ =	sdelay $0xe  }
0x259: {  	s31 =	spop (v2sf)  }
0x25a: {  	p2 =	seq.s32 s3, s31  }
0x25b: {  	p4 =	sgt.s32 @!p2 s3, $0x0;
	s2 =	sshll.u32 @!p2 s0, $0x6;
	s0 =	sadd.s32 @!p2 $0x1, s0  }
.Ltmp14:
0x25c: {  	p4 =	por !p4, p2;
	s2 =	sshra.s32 @!p2 s2, $0x2;
	(pc) =	sbr.rel @!p3 .LBB2_14-.Ltmp14, $4  }
0x25d: {  	s0 =	smov.u32 @p2 s4;
	s3 =	simm.s32 @p4 $0x0;
	s2 =	sadd.s32 @!p2 $0x1B38, s2  }
0x25e: {  	s3 =	smin.u32 @!p2 s3, $0x17F  }
0x25f: {  	s4 =	sand.u32 @!p2 $0x1F8, s3;
	s3 =	sand.u32 @!p2 $0x7, s3  }
0x260: {  	s30 =	sadd.s32 $0x1, s30;
	s5 =	sadd.s32 @!p2 s1, s4  }
.LBB2_15:
0x261: {  	s0 =	smul.u32 $0xC, s0  }
0x262: {  	[tilespmem:s2], [sflag:$0x2] =	stream.linear.gather @!p2 [hbm4b:s5+s3], $0x3, $0x38;
	[tilespmem:$0x1F0F8] =	vst v63  }
0x263: {  	s31 =	simm.s32 $0x2;
	s0 =	sshrl.u32 s0, $0x2  }
0x264: {  	_ =	swait.ge [sflag:s31], s0  }
0x265: {  	s0 =	ssub.s32 $0x0, s0;
	[sflag:s31] =	ssyncset.done $0x0  }
0x266: {  	[sflag:s31] =	ssyncadd.s32 s0  }
0x267: {  	v1 =	vld.msk [tilespmem:s22+$0x0], $0x1;
	_ =	sdelay $0x4  }
0x268: {  	(v2sf) =	vpush v1, $0x0;
	_ =	sdelay $0xe  }
0x269: {  	s26 =	spop (v2sf)  }
0x26a: {  	p2 =	sne.s32 s28, s26  }
0x26b: {  	p4 =	sne.s32 @p2 s28, s23  }
0x26c: {  	p3 =	por !p4, !p2  }
0x26d: {  	s0 =	simm.s32 @!p3 $0x0  }
0x26e: {  	v1 =	vld.msk @!p3 [tilespmem:s0+$0x1B38], $0x7  }
0x26f: {  	p5 =	sgt.u32 @!p3 s28, $0x17F  }
0x270: {  	s2 =	sshll.u32 @!p3 s21, $0x6;
	p6 =	por @p2 p5, !p4  }
0x271: {  	s2 =	sshra.s32 @!p3 s2, $0x2;
	p1 =	por p6, !p2;
	p6 =	por p4, !p2  }
0x272: {  	s3 =	sadd.s32 @!p3 $0x28, s2;
	s4 =	sand.u32 @!p1 $0x1F8, s28;
	s5 =	sshll.u32 @!p6 s21, $0x6  }
0x273: {  	s28 =	sand.u32 @!p1 $0x7, s28;
	[tilespmem:s2+$0x28] =	vst.add.f32.msk @!p3 $0x7, v1;
	s2 =	sadd.s32 @!p1 s1, s4;
	s4 =	sshra.s32 @!p6 s5, $0x2  }
0x274: {  	[hbm4b:s2+s28] =	stream.linear.scatter @!p1 [tilespmem:s3], [sflag:$0xC], $0x3, $0x38;
	[tilespmem:$0x1F0F8] =	vst v63  }
0x275: {  	s0 =	rddreg [dreg:$0x7];
	s2 =	sadd.s32 @!p6 $0x28, s4;
	s3 =	simm.s32 @!p6 $0x1  }
0x276: {  	[spmem:s0] =	stream.linear.scatter @!p6 [tilespmem:s2], [sflag:$0x1], $0x3, $0x38;
	[tilespmem:$0x1F0F8] =	vst v63  }
0x277: {  	s0 =	sadd.s32 @p2 $0x1, s21;
	_ =	swait.ge @!p6 [sflag:s3], $0x3  }
0x278: {  	s2 =	sshrl.u32 @p2 s0, $0x4;
	[sflag:s3] =	ssyncset.done @!p6 $0x0  }
0x279: {  	s2 =	smulhi.u32 @p2 $0x97B425F, s2;
	[sflag:s3] =	ssyncadd.s32 @!p6 $0xFFFFFFFD  }
0x27a: {  	s28 =	sadd.s32 $0x1, s29;
	v1 =	vld.msk @p2 [tilespmem:s24+$0x0], $0x7  }
0x27b: {  	p1 =	por @p2 !p5, !p4;
	p4 =	seq.s32 s28, $0x0;
	s2 =	smul.u32 @p2 $0x1B0, s2  }
.Ltmp15:
0x27c: {  	p1 =	por !p1, !p2;
	s3 =	simm.s32 @!p3 $0x0;
	(pc) =	sbr.rel @p4 .LBB2_17-.Ltmp15, $4  }
0x27d: {  	s4 =	sshll.u32 @!p2 s21, $0x6;
	s3 =	simm.s32 @!p1 $0xC;
	s0 =	ssub.s32 @p2 s0, s2  }
0x27e: {  	s29 =	simm.s32 $0x0;
	s3 =	sadd.s32 @!p3 $0x0, s3;
	s5 =	sshll.u32 @p2 s0, $0x4  }
0x27f: {  	s30 =	sshra.s32 @!p2 s4, $0x2;
	s2 =	simm.s32 @p2 $0x1;
	s3 =	smov.u32 @p3 s25;
	[tilespmem:s5+$0x28] =	vst.msk @p2 $0x7, v1  }
0x280: {  	s21 =	smov.u32 @p2 s0;
	s29 =	smov.u32 @p2 s3;
	s25 =	smov.u32 @p2 s2;
	v1 =	vld.msk @!p2 [tilespmem:s24+$0x0], $0x7  }
.LBB2_16:
0x281: {  	_ =	sdelay $0x3  }
0x282: {  	s22 =	sadd.s32 $0x1, s22;
	[tilespmem:s30+$0x28] =	vst.add.f32.msk @!p2 $0x7, v1  }
0x283: {  	v1 =	vld.msk [tilespmem:s22+$0x0], $0x1;
	_ =	sdelay $0x4  }
0x284: {  	(v2sf) =	vpush v1, $0x0;
	_ =	sdelay $0xe  }
0x285: {  	s0 =	smov.u32 s26;
	s26 =	spop (v2sf)  }
0x286: {  	p2 =	sne.s32 s0, s26  }
0x287: {  	p5 =	sne.s32 @p2 s0, s23  }
0x288: {  	s4 =	sshll.u32 @!p2 s21, $0x6;
	p4 =	por !p5, !p2  }
0x289: {  	s30 =	sshra.s32 @!p2 s4, $0x2;
	s4 =	sshll.u32 @!p4 s25, $0x6  }
0x28a: {  	s4 =	sshra.s32 @!p4 s4, $0x2  }
0x28b: {  	p1 =	sgt.u32 @!p4 s0, $0x17F;
	v1 =	vld.msk @!p4 [tilespmem:s4+$0x1B38], $0x7  }
0x28c: {  	s31 =	sshll.u32 @!p4 s21, $0x6;
	p6 =	por @p2 p1, !p5;
	p1 =	por @p2 !p1, !p5  }
0x28d: {  	s8 =	simm.s32 @!p4 $0x0;
	s31 =	sshra.s32 @!p4 s31, $0x2;
	p1 =	por !p1, !p2  }
0x28e: {  	p5 =	por p5, !p2;
	s8 =	simm.s32 @!p1 $0xC;
	p1 =	por p6, !p2  }
0x28f: {  	s4 =	sadd.s32 @!p4 $0x28, s31;
	s13 =	sshll.u32 @!p5 s21, $0x6;
	s10 =	sand.u32 @!p1 $0x1F8, s0  }
0x290: {  	s13 =	sshra.s32 @!p5 s13, $0x2;
	s0 =	sand.u32 @!p1 $0x7, s0;
	s10 =	sadd.s32 @!p1 s1, s10;
	[tilespmem:s31+$0x28] =	vst.add.f32.msk @!p4 $0x7, v1  }
0x291: {  	[hbm4b:s10+s0] =	stream.linear.scatter @!p1 [tilespmem:s4], [sflag:$0xC], $0x3, $0x38;
	[tilespmem:$0x1F0F8] =	vst v63  }
0x292: {  	s2 =	rddreg [dreg:$0x7];
	s0 =	sadd.s32 @!p5 $0x28, s13;
	s4 =	simm.s32 @!p5 $0x1  }
0x293: {  	[spmem:s2] =	stream.linear.scatter @!p5 [tilespmem:s0], [sflag:$0x1], $0x3, $0x38;
	[tilespmem:$0x1F0F8] =	vst v63  }
0x294: {  	s3 =	sadd.s32 @p2 $0x1, s21;
	_ =	swait.ge @!p5 [sflag:s4], $0x3  }
0x295: {  	s5 =	sshrl.u32 @p2 s3, $0x4;
	[sflag:s4] =	ssyncset.done @!p5 $0x0  }
0x296: {  	s24 =	sadd.s32 $0x80, s24;
	s5 =	smulhi.u32 @p2 $0x97B425F, s5;
	[sflag:s4] =	ssyncadd.s32 @!p5 $0xFFFFFFFD  }
0x297: {  	s28 =	sadd.s32 $0x1, s28;
	v1 =	vld.msk @p2 [tilespmem:s24+$0x0], $0x7  }
0x298: {  	p3 =	seq.s32 s28, $0x0;
	s5 =	smul.u32 @p2 $0x1B0, s5  }
.Ltmp16:
0x299: {  	_ = 	snop;
	(pc) =	sbr.rel @!p3 .LBB2_16-.Ltmp16, $4  }
0x29a: {  	s3 =	ssub.s32 @p2 s3, s5  }
0x29b: {  	s8 =	sadd.s32 @!p4 s8, s29;
	s5 =	sshll.u32 @p2 s3, $0x4  }
0x29c: {  	s9 =	sadd.s32 @p2 $0x1, s25;
	s8 =	smov.u32 @p4 s29;
	[tilespmem:s5+$0x28] =	vst.msk @p2 $0x7, v1  }
0x29d: {  	s25 =	smov.u32 @p2 s9;
	s21 =	smov.u32 @p2 s3;
	s29 =	smov.u32 @p2 s8;
	v1 =	vld.msk @!p2 [tilespmem:s24+$0x0], $0x7  }
.LBB2_17:
.Ltmp17:
0x29e: {  	_ = 	snop;
	(pc) =	sbr.rel .LBB2_19-.Ltmp17, $3  }
0x29f: {  	s2 =	sld [smem:$0x7FD];
	_ =	sdelay $0x1  }
0x2a0: {  	s0 =	sshrl.u32 s29, $0x2;
	s28 =	smov.u32 s26;
	s4 =	smov.u32 s14  }
0x2a1: {  	s8 =	smov.u32 s6;
	s6 =	rddreg [dreg:$0x9];
	p4 =	seq.s32 s2, $0x1;
	[tilespmem:s30+$0x28] =	vst.add.f32.msk @!p2 $0x7, v1  }
.LBB2_21:
0x2a2: {  	_ =	sfence.sel $0x180000  }
0x2a3: {  	s0 =	simm.s32 $0x9;
	[bflag:$0x0] =	sbarrier.arrive $0xFFFF  }
0x2a4: {  	s24 =	simm.s32 $0xA;
	[sflag:s0] =	ssyncpa.u1 $0x1  }
0x2a5: {  	s25 =	simm.s32 $0xB;
	[sflag:s24] =	ssyncpa.u1 $0x1  }
0x2a6: {  	s26 =	simm.s32 $0x2;
	[sflag:s25] =	ssyncpa.u1 $0x1  }
0x2a7: {  	[sflag:s26] =	ssyncpa.u1 $0x1  }
0x2a8: {  	v0 =	vld [tilespmem:$0x3648];
	_ =	sdelay $0x4  }
0x2a9: {  	(v2sf) =	vpush v0, $0x0  }
0x2aa: {  	(v2sf) =	vpush v0, $0x1;
	_ =	sdelay $0x1  }
0x2ab: {  	(v2sf) =	vpush v0, $0x2;
	_ =	sdelay $0xb  }
0x2ac: {  	s0 =	spop (v2sf)  }
0x2ad: {  	s2 =	spop (v2sf)  }
0x2ae: {  	s3 =	smov.u32 s0;
	p0 =	sne.s32 s0, s2  }
0x2af: {  	s4 =	spop (v2sf);
	s3 =	simm.s32 @!p0 $0xFFFFFFFF  }
0x2b0: {  	v2 =	vimm.s32 $0x1;
	v3 =	vlaneseq.u32;
	p0 =	seq.s32 s4, $0xFFFFFFFF;
	v1 =	vmov s3  }
0x2b1: {  	s16 =	stileid.u32;
	v0 =	vperm.xlane v0, v2;
	p1 =	sne.s32 @!p0 s0, s2;
	v1 =	vperm.xlane v1, v3  }
0x2b2: {  	vm0 =	vcmask $0x3F04;
	s6 =	simm.s32 $0x3648;
	s0 =	simm.s32 @!p0 $0x1;
	p1 =	por !p1, p0  }
0x2b3: {  	s3 =	sshll.u32 s16, $0x1;
	s2 =	sshll.u32 @!p0 s4, $0x6;
	s0 =	simm.s32 @p1 $0x0;
	v0 =	vsel vm0, v1, v0  }
0x2b4: {  	s5 =	sor.u32 $0x200, s3;
	s2 =	sshra.s32 @!p0 s2, $0x2;
	s0 =	sor.u32 @!p0 s0, s3;
	[tilespmem:$0x3648] =	vst v0  }
0x2b5: {  	[spmem:s5] =	stream.linear.scatter [tilespmem:s6], [sflag:$0x1], $0x2, $0x38;
	[tilespmem:$0x1F0F8] =	vst v63  }
0x2b6: {  	s2 =	sadd.s32 @!p0 $0x28, s2;
	s0 =	sshll.u32 @!p0 s0, $0x4  }
0x2b7: {  	[spmem:s0] =	stream.linear.scatter @!p0 [tilespmem:s2], [sflag:$0x1], $0x10, $0x38;
	[tilespmem:$0x1F0F8] =	vst v63  }
0x2b8: {  	s0 =	simm.s32 @!p0 $0x12  }
0x2b9: {  	s28 =	simm.s32 $0x1;
	s0 =	simm.s32 @p0 $0x2  }
0x2ba: {  	_ =	swait.ge [sflag:s28], s0  }
0x2bb: {  	s0 =	ssub.s32 $0x0, s0;
	[sflag:s28] =	ssyncset.done $0x0  }
0x2bc: {  	p0 =	sne.s32 s16, $0x0;
	[sflag:s28] =	ssyncadd.s32 s0  }
.Ltmp18:
0x2bd: {  	_ =	sfence.stream.spmem;
	(pc) =	sbr.rel @p0 .LBB2_38-.Ltmp18, $4  }
0x2be: {  	s29 =	simm.s32 $0x3;
	[bflag:$0x0] =	sbarrier.arrive $0xFFFF  }
0x2bf: {  	s30 =	simm.s32 $0x4;
	[sflag:s29] =	ssyncpa.u1 $0x1  }
0x2c0: {  	s31 =	simm.s32 $0x3C;
	[sflag:s30] =	ssyncpa.u1 $0x1  }
0x2c1: {  	s17 =	rddreg [dreg:$0x8];
	[sflag:s31] =	ssyncpa.u1 $0x1  }
0x2c2: {  	_ =	sfence.stream.spmem;
	s0 =	simm.s32 $0x5  }
0x2c3: {  	s2 =	simm.s32 $0x200;
	s3 =	simm.s32 $0x3658;
	[sflag:s0] =	ssyncpa.u1 $0x0  }
0x2c4: {  	[tilespmem:s3], [sflag:$0x5] =	stream.linear.gather [spmem:s2], $0x20, $0x38;
	[tilespmem:$0x1F0F8] =	vst v63  }
0x2c5: {  	s26 =	simm.s32 $0x0;
	s28 =	simm.s32 $0x3678  }
0x2c6: {  	[tilespmem:s28], [sflag:$0x5] =	stream.linear.gather [spmem:s26], $0x200, $0x38;
	[tilespmem:$0x1F0F8] =	vst v63  }
0x2c7: {  	_ =	swait.ge [sflag:s0], $0x220  }
0x2c8: {  	[sflag:s0] =	ssyncset.done $0x0  }
0x2c9: {  	s29 =	simm.s32 $0x0;
	[sflag:s0] =	ssyncadd.s32 $0xFFFFFDE0  }
0x2ca: {  	v0 =	vld.msk [tilespmem:s29+$0x3658], $0x1;
	_ =	sdelay $0x1  }
0x2cb: {  	s30 =	simm.s32 $0x1  }
0x2cc: {  	v1 =	vld.msk [tilespmem:s30+$0x3658], $0x1;
	_ =	sdelay $0x1  }
0x2cd: {  	(v2sf) =	vpush v0, $0x0;
	_ =	sdelay $0x2  }
0x2ce: {  	(v2sf) =	vpush v1, $0x0;
	_ =	sdelay $0x2  }
0x2cf: {  	s31 =	simm.s32 $0x2  }
0x2d0: {  	v0 =	vld.msk [tilespmem:s31+$0x3658], $0x1;
	_ =	sdelay $0x2  }
0x2d1: {  	s6 =	simm.s32 $0xFFFFFFFF;
	s2 =	simm.s32 $0xFFFFFFFF;
	s0 =	simm.s32 $0xC  }
.LBB2_23:
0x2d2: {  	s3 =	smov.u32 s6;
	s4 =	smov.u32 s2  }
0x2d3: {  	s2 =	sshra.s32 s0, $0x2;
	p1 =	sne.s32 s0, $0x7C;
	s0 =	sadd.s32 $0x4, s0;
	(v2sf) =	vpush v0, $0x0  }
0x2d4: {  	v0 =	vld.msk [tilespmem:s2+$0x3658], $0x1  }
.Ltmp19:
0x2d5: {  	(pc) =	sbr.rel @p1 .LBB2_23-.Ltmp19, $4  }
0x2d6: {  	s6 =	spop (v2sf)  }
0x2d7: {  	p2 =	sne.s32 s4, $0xFFFFFFFF;
	s2 =	smov.u32 s6  }
0x2d8: {  	p3 =	seq.s32 s6, $0xFFFFFFFF;
	s2 =	smov.u32 @p2 s4  }
0x2d9: {  	s6 =	smov.u32 @p3 s3;
	s2 =	smov.u32 @p3 s4  }
0x2da: {  	(v2sf) =	vpush v0, $0x0;
	_ =	sdelay $0x8  }
0x2db: {  	s0 =	spop (v2sf)  }
0x2dc: {  	p1 =	sne.s32 s2, $0xFFFFFFFF;
	s3 =	smov.u32 s0  }
0x2dd: {  	s9 =	simm.s32 $0x6;
	p2 =	seq.s32 s0, $0xFFFFFFFF;
	s3 =	smov.u32 @p1 s2  }
0x2de: {  	s10 =	simm.s32 $0x3638;
	s3 =	smov.u32 @p2 s2;
	s2 =	spop (v2sf)  }
0x2df: {  	s0 =	smov.u32 @p2 s6;
	p1 =	sne.s32 s3, $0xFFFFFFFF;
	s4 =	smov.u32 s2  }
.Ltmp20:
0x2e0: {  	p2 =	seq.s32 s2, $0xFFFFFFFF;
	s4 =	smov.u32 @p1 s3;
	(pc) =	sbr.rel .LBB2_25-.Ltmp20, $4  }
0x2e1: {  	s11 =	simm.s32 $0x0;
	s4 =	smov.u32 @p2 s3;
	s7 =	spop (v2sf)  }
0x2e2: {  	[sflag:s9] =	ssyncpa.u1 $0x0;
	p1 =	sne.s32 s4, $0xFFFFFFFF;
	s8 =	smov.u32 s7  }
0x2e3: {  	s2 =	smov.u32 @p2 s0;
	p2 =	seq.s32 s7, $0xFFFFFFFF;
	s8 =	smov.u32 @p1 s4  }
0x2e4: {  	s6 =	simm.s32 $0x0;
	s7 =	smov.u32 @p2 s2;
	s8 =	smov.u32 @p2 s4  }
.LBB2_30:
0x2e5: {  	p1 =	sgt.u32 s12, $0x17F  }
0x2e6: {  	p2 =	seq.s32 @!p1 s12, s8  }
0x2e7: {  	p1 =	por p1, p2  }
0x2e8: {  	p2 =	sne.s32 @!p1 s12, s7  }
0x2e9: {  	p1 =	por p1, !p2  }
0x2ea: {  	s0 =	sshll.u32 @p1 s11, $0x6  }
0x2eb: {  	s0 =	sand.u32 @!p1 $0x1F8, s12  }
0x2ec: {  	s2 =	sand.u32 @!p1 $0x7, s12;
	s0 =	sadd.s32 @!p1 s1, s0  }
0x2ed: {  	[tilespmem:s10], [sflag:$0x6] =	stream.linear.gather @!p1 [hbm4b:s0+s2], $0x3, $0x38;
	[tilespmem:$0x1F0F8] =	vst v63  }
0x2ee: {  	_ =	swait.ge @!p1 [sflag:s9], $0x3  }
0x2ef: {  	[sflag:s9] =	ssyncset.done @!p1 $0x0  }
0x2f0: {  	[sflag:s9] =	ssyncadd.s32 @!p1 $0xFFFFFFFD  }
0x2f1: {  	v1 =	vld @!p1 [tilespmem:$0x3638];
	_ =	sdelay $0x2  }
0x2f2: {  	s0 =	sshll.u32 @!p1 s11, $0x6  }
0x2f3: {  	s2 =	sshrl.u32 @!p1 s0, $0x2  }
0x2f4: {  	[tilespmem:s2+$0x3678] =	vst.add.f32.msk @!p1 $0xffff, v1  }
0x2f5: {  	s0 =	sshrl.u32 s0, $0x2;
	[tilespmem:s6+$0x3658] =	vst.msk $0x1, v0  }
0x2f6: {  	v0 =	vld [tilespmem:s0+$0x3678];
	_ =	sdelay $0x2  }
0x2f7: {  	s31 =	sshll.u32 s6, $0x6  }
0x2f8: {  	s0 =	sshra.s32 s31, $0x2  }
0x2f9: {  	s6 =	sadd.s32 $0x1, s6;
	[tilespmem:s0+$0x3678] =	vst v0  }
.LBB2_32:
0x2fa: {  	s11 =	sadd.s32 $0x1, s11  }
0x2fb: {  	p1 =	sne.s32 s11, $0x20  }
.Ltmp21:
0x2fc: {  	_ = 	snop;
	(pc) =	sbr.rel @!p1 .LBB2_33-.Ltmp21, $1  }
0x2fd: {  	_ =	sdelay $0x3  }
.LBB2_25:
0x2fe: {  	v0 =	vld.msk [tilespmem:s11+$0x3658], $0x1;
	_ =	sdelay $0x4  }
0x2ff: {  	(v2sf) =	vpush v0, $0x0;
	_ =	sdelay $0xe  }
0x300: {  	s12 =	spop (v2sf)  }
0x301: {  	p1 =	seq.s32 s12, $0xFFFFFFFF  }
.Ltmp22:
0x302: {  	_ = 	snop;
	(pc) =	sbr.rel @p1 .LBB2_32-.Ltmp22, $1  }
0x303: {  	_ =	sdelay $0x3  }
0x304: {  	p1 =	slt.s32 s6, $0x1  }
.Ltmp23:
0x305: {  	_ = 	snop;
	(pc) =	sbr.rel @p1 .LBB2_30-.Ltmp23, $1  }
0x306: {  	_ =	sdelay $0x3  }
0x307: {  	s13 =	simm.s32 $0x3658;
	p1 =	por $0x0, $0x0  }
0x308: {  	v1 =	vld.msk @!p1 [tilespmem:s13+$0x0], $0x1;
	_ =	sdelay $0x4  }
0x309: {  	(v2sf) =	vpush @!p1 v1, $0x0;
	_ =	sdelay $0xd  }
0x30a: {  	p3 =	sne.s32 s6, $0x1  }
.Ltmp24:
0x30b: {  	s0 =	spop @!p1 (v2sf);
	(pc) =	sbr.rel @!p3 .LBB2_29-.Ltmp24, $4  }
0x30c: {  	p2 =	seq.s32 @!p1 s12, s0  }
0x30d: {  	s14 =	simm.s32 $0x0;
	p2 =	por !p2, p1  }
0x30e: {  	s0 =	simm.s32 $0xFFFFFFFF;
	s14 =	simm.s32 @p2 $0xFFFFFFFF  }
0x30f: {  	s15 =	simm.s32 $0x1;
	s14 =	smov.u32 @p1 s0  }
.LBB2_28:
0x310: {  	s0 =	smov.u32 s14;
	p1 =	sne.s32 s14, $0xFFFFFFFF  }
0x311: {  	s13 =	sadd.s32 $0x1, s13;
	s14 =	smov.u32 s15;
	s15 =	sadd.s32 $0x1, s15  }
0x312: {  	p2 =	sne.s32 s6, s15;
	v1 =	vld.msk @!p1 [tilespmem:s13+$0x0], $0x1;
	_ =	sdelay $0x4  }
0x313: {  	(v2sf) =	vpush @!p1 v1, $0x0;
	_ =	sdelay $0xe  }
.Ltmp25:
0x314: {  	s2 =	spop @!p1 (v2sf);
	(pc) =	sbr.rel @p2 .LBB2_28-.Ltmp25, $4  }
0x315: {  	p3 =	seq.s32 @!p1 s12, s2  }
0x316: {  	p3 =	por !p3, p1  }
0x317: {  	s14 =	simm.s32 @p3 $0xFFFFFFFF  }
0x318: {  	s14 =	smov.u32 @p1 s0  }
.LBB2_29:
0x319: {  	p1 =	sne.s32 s14, $0xFFFFFFFF  }
.Ltmp26:
0x31a: {  	_ = 	snop;
	(pc) =	sbr.rel @!p1 .LBB2_30-.Ltmp26, $1  }
0x31b: {  	_ =	sdelay $0x3  }
0x31c: {  	s0 =	sshll.u32 s11, $0x4  }
0x31d: {  	s0 =	sand.u32 $0x3FFFFFF0, s0  }
0x31e: {  	v0 =	vld [tilespmem:s0+$0x3678]  }
.Ltmp27:
0x31f: {  	_ = 	snop;
	(pc) =	sbr.rel .LBB2_32-.Ltmp27, $4  }
0x320: {  	_ = 	snop  }
0x321: {  	s31 =	sshll.u32 s14, $0x6  }
0x322: {  	s0 =	sshra.s32 s31, $0x2  }
0x323: {  	[tilespmem:s0+$0x3678] =	vst.add.f32.msk $0xffff, v0  }
.LBB2_33:
0x324: {  	s0 =	simm.s32 $0x6;
	p1 =	seq.s32 s6, $0x0  }
0x325: {  	[sflag:s0] =	ssyncpa.u1 $0x1;
	v0 =	vimm.s32 @p1 $0xFFFFFFFF  }
0x326: {  	s9 =	sadd.s32 $0xFFFFFFFF, s6;
	[tilespmem:$0x3878] =	vst @p1 v0  }
0x327: {  	v0 =	vld.msk @!p1 [tilespmem:s9+$0x3658], $0x1;
	_ =	sdelay $0x1  }
0x328: {  	v1 =	vld.msk @!p1 [tilespmem:$0x3658], $0x1;
	_ =	sdelay $0x2  }
0x329: {  	p2 =	seq.s32 @!p1 s9, $0x0;
	v0 =	vbroadcast @!p1 v0, $0x0  }
0x32a: {  	vm0 =	vmmov @!p1 $0x1;
	p2 =	por !p2, p1  }
0x32b: {  	v1 =	vnsel @!p1 vm0, $0xFFFFFFFF, v1;
	vm0 =	vcmask @!p1 $0x308;
	v0 =	vpsel !p2, $0xFFFFFFFF, v0  }
0x32c: {  	p2 =	sne.s32 @!p1 s8, s7;
	v0 =	vsel @!p1 vm0, v1, v0  }
0x32d: {  	s0 =	simm.s32 @!p1 $0x3678;
	s2 =	simm.s32 @!p1 $0x0;
	p3 =	por !p2, p1;
	[tilespmem:$0x3878] =	vst @!p1 v0  }
0x32e: {  	[spmem:s2] =	stream.linear.scatter @!p1 [tilespmem:s0], [sflag:$0x1], $0x10, $0x38;
	[tilespmem:$0x1F0F8] =	vst v63  }
0x32f: {  	s0 =	sshll.u32 @!p3 s9, $0x6  }
0x330: {  	s0 =	sshra.s32 @!p3 s0, $0x2  }
0x331: {  	s2 =	simm.s32 @!p3 $0x10;
	s0 =	sadd.s32 @!p3 $0x3678, s0  }
0x332: {  	[spmem:s2] =	stream.linear.scatter @!p3 [tilespmem:s0], [sflag:$0x1], $0x10, $0x38;
	[tilespmem:$0x1F0F8] =	vst v63  }
0x333: {  	s0 =	simm.s32 @!p3 $0x1  }
0x334: {  	_ =	swait.ge @!p3 [sflag:s0], $0x20  }
0x335: {  	p1 =	por p2, p1;
	[sflag:s0] =	ssyncset.done @!p3 $0x0  }
0x336: {  	[sflag:s0] =	ssyncadd.s32 @!p3 $0xFFFFFFE0;
	s0 =	simm.s32 @!p1 $0x1  }
0x337: {  	_ =	swait.ge @!p1 [sflag:s0], $0x10  }
0x338: {  	s29 =	simm.s32 $0x3878;
	[sflag:s0] =	ssyncset.done @!p1 $0x0  }
0x339: {  	s30 =	simm.s32 $0x200;
	s31 =	simm.s32 $0x1;
	[sflag:s0] =	ssyncadd.s32 @!p1 $0xFFFFFFF0  }
0x33a: {  	[spmem:s30] =	stream.linear.scatter [tilespmem:s29], [sflag:$0x1], $0x10, $0x38;
	[tilespmem:$0x1F0F8] =	vst v63  }
0x33b: {  	_ =	swait.ge [sflag:s31], $0x10  }
0x33c: {  	[sflag:s31] =	ssyncset.done $0x0  }
0x33d: {  	p1 =	seq.s32 s17, $0x0;
	s8 =	rddreg [dreg:$0x4];
	[sflag:s31] =	ssyncadd.s32 $0xFFFFFFF0  }
0x33e: {  	s2 =	sshll.u32 @p1 s8, $0xE;
	s7 =	rddreg [dreg:$0x5]  }
0x33f: {  	s0 =	sadd.s32 @p1 $0x15C3C, s2;
	s2 =	sshll.u32 @p1 s7, $0x11  }
0x340: {  	_ =	sfence.stream.spmem;
	s0 =	sor.u32 @p1 s2, s0  }
0x341: {  	[sflag:s0] =	ssyncadd.remote.s32 @p1 $0x1;
	s0 =	simm.s32 @p1 $0x4  }
0x342: {  	s3 =	simm.s32 @!p1 $0x3C;
	s2 =	sand.u32 $0xFFFFFFFE, s8;
	_ =	swait.ge @p1 [sflag:s0], $0x6  }
0x343: {  	s4 =	simm.s32 @!p1 $0x0;
	s2 =	sadd.s32 @!p1 $0x4, s2;
	[sflag:s0] =	ssyncset.done @p1 $0x0  }
0x344: {  	s5 =	simm.s32 @!p1 $0x20;
	[sflag:s0] =	ssyncadd.s32 @p1 $0xFFFFFFFA;
	s0 =	sshll.u32 @!p1 s2, $0x1A  }
0x345: {  	s2 =	sshll.u32 @!p1 s2, $0xD;
	s0 =	sor.u32 @!p1 s0, s7;
	_ =	swait.eq @!p1 [sflag:s3], $0x1  }
0x346: {  	s2 =	sor.u32 @!p1 $0x1C04, s2;
	s3 =	simm.s32 @!p1 $0x1C03;
	s0 =	sor.u32 @!p1 $0x80004000, s0  }
0x347: {  	[spmem:s5], [sflag:s2] =	dma.general @!p1 [spmem:s4], [sflag:s3], length:$0x4, [dreg:$0x0], stride_count:$0x0, ici_dest:s0, dma_misc:DstOpCode:WRITE  }
0x348: {  	p2 =	slt.s32 s9, $0x2;
	s4 =	simm.s32 @!p1 $0x40;
	s5 =	simm.s32 @!p1 $0x42  }
0x349: {  	[spmem:s5], [sflag:s2] =	dma.general @!p1 [spmem:s4], [sflag:s3], length:$0x2, [dreg:$0x0], stride_count:$0x0, ici_dest:s0, dma_misc:DstOpCode:WRITE  }
.Ltmp28:
0x34a: {  	s0 =	simm.s32 @!p1 $0x3;
	(pc) =	sbr.rel @p2 .LBB2_37-.Ltmp28, $4  }
0x34b: {  	s2 =	sshll.u32 @!p1 s8, $0xE;
	_ =	swait.ge @!p1 [sflag:s0], $0x6  }
0x34c: {  	s3 =	sshll.u32 @!p1 s7, $0x11;
	s2 =	sadd.s32 @!p1 $0x11C3C, s2;
	[sflag:s0] =	ssyncset.done @!p1 $0x0  }
0x34d: {  	[sflag:s0] =	ssyncadd.s32 @!p1 $0xFFFFFFFA;
	s0 =	sor.u32 @!p1 s3, s2  }
0x34e: {  	[sflag:s0] =	ssyncadd.remote.s32 @!p1 $0xFFFFFFFF;
	s0 =	simm.s32 $0x0  }
0x34f: {  	s0 =	simm.s32 $0x3659  }
0x350: {  	v0 =	vld.msk [tilespmem:s0+$0x0], $0x1;
	_ =	sdelay $0x4  }
0x351: {  	(v2sf) =	vpush v0, $0x0;
	_ =	sdelay $0xd  }
0x352: {  	s3 =	sadd.s32 $0xFFFFFFFE, s6  }
0x353: {  	s3 =	sadd.s32 $0xFFFFFFFF, s3;
	s0 =	spop (v2sf)  }
0x354: {  	p2 =	sne.s32 s3, $0x0;
	p1 =	sgt.u32 s0, $0x17F  }
.Ltmp29:
0x355: {  	s4 =	sand.u32 @!p1 $0x1F8, s0;
	(pc) =	sbr.rel @!p2 .LBB2_36-.Ltmp29, $4  }
0x356: {  	s2 =	simm.s32 $0x3688;
	s0 =	sand.u32 @!p1 $0x7, s0;
	s4 =	sadd.s32 @!p1 s1, s4  }
0x357: {  	[hbm4b:s4+s0] =	stream.linear.scatter @!p1 [tilespmem:s2], [sflag:$0x5], $0x3, $0x38;
	[tilespmem:$0x1F0F8] =	vst v63  }
0x358: {  	s0 =	simm.s32 $0x0  }
0x359: {  	s6 =	simm.s32 $0x0;
	s7 =	simm.s32 $0x365A;
	s0 =	simm.s32 @!p1 $0xC  }
.LBB2_35:
0x35a: {  	v0 =	vld.msk [tilespmem:s7+$0x0], $0x1;
	s3 =	sadd.s32 $0xFFFFFFFF, s3;
	s6 =	sadd.s32 s6, s0  }
0x35b: {  	p1 =	sne.s32 s3, $0x0;
	_ =	sdelay $0x3  }
0x35c: {  	(v2sf) =	vpush v0, $0x0;
	_ =	sdelay $0xe  }
.Ltmp30:
0x35d: {  	s4 =	spop (v2sf);
	(pc) =	sbr.rel @p1 .LBB2_35-.Ltmp30, $4  }
0x35e: {  	s0 =	simm.s32 $0x0;
	p2 =	sgt.u32 s4, $0x17F  }
0x35f: {  	s2 =	sadd.s32 $0x10, s2;
	s0 =	simm.s32 @!p2 $0xC;
	s5 =	sand.u32 @!p2 $0x1F8, s4  }
0x360: {  	s7 =	sadd.s32 $0x1, s7;
	s4 =	sand.u32 @!p2 $0x7, s4;
	s5 =	sadd.s32 @!p2 s1, s5  }
0x361: {  	[hbm4b:s5+s4] =	stream.linear.scatter @!p2 [tilespmem:s2], [sflag:$0x5], $0x3, $0x38;
	[tilespmem:$0x1F0F8] =	vst v63  }
.LBB2_36:
0x362: {  	s0 =	sadd.s32 s6, s0  }
0x363: {  	s0 =	sshrl.u32 s0, $0x2  }
.LBB2_37:
0x364: {  	s2 =	simm.s32 $0x5  }
0x365: {  	_ =	swait.ge [sflag:s2], s0  }
0x366: {  	s31 =	ssub.s32 $0x0, s0;
	[sflag:s2] =	ssyncset.done $0x0  }
0x367: {  	[sflag:s2] =	ssyncadd.s32 s31  }
0x368: {  	[sflag:s2] =	ssyncpa.u1 $0x1  }
.LBB2_38:
0x369: {  	s0 =	sor.u32 s17, s16  }
0x36a: {  	p1 =	sne.s32 s0, $0x0  }
.Ltmp31:
0x36b: {  	_ = 	snop;
	(pc) =	sbr.rel @p1 .LBB2_53-.Ltmp31, $3  }
0x36c: {  	_ =	sdelay $0x1  }
0x36d: {  	[bflag:$0x0] =	sbarrier.arrive $0xFFFF  }
0x36e: {  	_ =	sfence  }
0x36f: {  	s0 =	simm.s32 $0x7  }
0x370: {  	s2 =	simm.s32 $0x200;
	s3 =	simm.s32 $0x3658;
	[sflag:s0] =	ssyncpa.u1 $0x0  }
0x371: {  	[tilespmem:s3], [sflag:$0x7] =	stream.linear.gather [spmem:s2], $0x20, $0x38;
	[tilespmem:$0x1F0F8] =	vst v63  }
0x372: {  	s30 =	simm.s32 $0x3678;
	s2 =	simm.s32 $0x0  }
0x373: {  	[tilespmem:s30], [sflag:$0x7] =	stream.linear.gather [spmem:s2], $0x200, $0x38;
	[tilespmem:$0x1F0F8] =	vst v63  }
.Ltmp32:
0x374: {  	_ = 	snop;
	(pc) =	sbr.rel .LBB2_40-.Ltmp32, $4  }
0x375: {  	_ =	swait.ge [sflag:s0], $0x220  }
0x376: {  	[sflag:s0] =	ssyncset.done $0x0  }
0x377: {  	s31 =	simm.s32 $0x8;
	[sflag:s0] =	ssyncadd.s32 $0xFFFFFDE0  }
0x378: {  	s3 =	simm.s32 $0x0;
	[sflag:s31] =	ssyncpa.u1 $0x0  }
.LBB2_45:
0x379: {  	p1 =	slt.u32 s4, $0x180  }
0x37a: {  	s0 =	sand.u32 @p1 $0x1F8, s4  }
0x37b: {  	s4 =	sand.u32 @p1 $0x7, s4;
	s5 =	simm.s32 @p1 $0x3638;
	s0 =	sadd.s32 @p1 s1, s0  }
0x37c: {  	[tilespmem:s5], [sflag:$0x8] =	stream.linear.gather @p1 [hbm4b:s0+s4], $0x3, $0x38;
	[tilespmem:$0x1F0F8] =	vst v63  }
0x37d: {  	s0 =	simm.s32 @p1 $0x8  }
0x37e: {  	_ =	swait.ge @p1 [sflag:s0], $0x3  }
0x37f: {  	[sflag:s0] =	ssyncset.done @p1 $0x0  }
0x380: {  	[sflag:s0] =	ssyncadd.s32 @p1 $0xFFFFFFFD  }
0x381: {  	v1 =	vld @p1 [tilespmem:$0x3638];
	_ =	sdelay $0x2  }
0x382: {  	s0 =	sshll.u32 @p1 s3, $0x6  }
0x383: {  	s5 =	sshll.u32 @!p1 s3, $0x6;
	s4 =	sshrl.u32 @p1 s0, $0x2  }
0x384: {  	s5 =	smov.u32 @p1 s0;
	[tilespmem:s4+$0x3678] =	vst.add.f32.msk @p1 $0xffff, v1  }
0x385: {  	s0 =	sshrl.u32 s5, $0x2;
	[tilespmem:s2+$0x3658] =	vst.msk $0x1, v0  }
0x386: {  	v0 =	vld [tilespmem:s0+$0x3678];
	_ =	sdelay $0x2  }
0x387: {  	s31 =	sshll.u32 s2, $0x6  }
0x388: {  	s0 =	sshra.s32 s31, $0x2  }
0x389: {  	s2 =	sadd.s32 $0x1, s2;
	[tilespmem:s0+$0x3678] =	vst v0  }
.LBB2_47:
0x38a: {  	s3 =	sadd.s32 $0x1, s3  }
0x38b: {  	p1 =	sne.s32 s3, $0x20  }
.Ltmp33:
0x38c: {  	_ = 	snop;
	(pc) =	sbr.rel @!p1 .LBB2_48-.Ltmp33, $1  }
0x38d: {  	_ =	sdelay $0x3  }
.LBB2_40:
0x38e: {  	v0 =	vld.msk [tilespmem:s3+$0x3658], $0x1;
	_ =	sdelay $0x4  }
0x38f: {  	(v2sf) =	vpush v0, $0x0;
	_ =	sdelay $0xe  }
0x390: {  	s4 =	spop (v2sf)  }
0x391: {  	p1 =	seq.s32 s4, $0xFFFFFFFF  }
.Ltmp34:
0x392: {  	_ = 	snop;
	(pc) =	sbr.rel @p1 .LBB2_47-.Ltmp34, $1  }
0x393: {  	_ =	sdelay $0x3  }
0x394: {  	p1 =	slt.s32 s2, $0x1  }
.Ltmp35:
0x395: {  	_ = 	snop;
	(pc) =	sbr.rel @p1 .LBB2_45-.Ltmp35, $1  }
0x396: {  	_ =	sdelay $0x3  }
0x397: {  	s5 =	simm.s32 $0x3658;
	p1 =	por $0x0, $0x0  }
0x398: {  	v1 =	vld.msk @!p1 [tilespmem:s5+$0x0], $0x1;
	_ =	sdelay $0x4  }
0x399: {  	(v2sf) =	vpush @!p1 v1, $0x0;
	_ =	sdelay $0xd  }
0x39a: {  	p3 =	sne.s32 s2, $0x1  }
.Ltmp36:
0x39b: {  	s0 =	spop @!p1 (v2sf);
	(pc) =	sbr.rel @!p3 .LBB2_44-.Ltmp36, $4  }
0x39c: {  	p2 =	seq.s32 @!p1 s4, s0  }
0x39d: {  	s6 =	simm.s32 $0x0;
	p2 =	por !p2, p1  }
0x39e: {  	s0 =	simm.s32 $0xFFFFFFFF;
	s6 =	simm.s32 @p2 $0xFFFFFFFF  }
0x39f: {  	s7 =	simm.s32 $0x1;
	s6 =	smov.u32 @p1 s0  }
.LBB2_43:
0x3a0: {  	s0 =	smov.u32 s6;
	p1 =	sne.s32 s6, $0xFFFFFFFF  }
0x3a1: {  	s5 =	sadd.s32 $0x1, s5;
	s6 =	smov.u32 s7;
	s7 =	sadd.s32 $0x1, s7  }
0x3a2: {  	p2 =	sne.s32 s2, s7;
	v1 =	vld.msk @!p1 [tilespmem:s5+$0x0], $0x1;
	_ =	sdelay $0x4  }
0x3a3: {  	(v2sf) =	vpush @!p1 v1, $0x0;
	_ =	sdelay $0xe  }
.Ltmp37:
0x3a4: {  	s8 =	spop @!p1 (v2sf);
	(pc) =	sbr.rel @p2 .LBB2_43-.Ltmp37, $4  }
0x3a5: {  	p3 =	seq.s32 @!p1 s4, s8  }
0x3a6: {  	p3 =	por !p3, p1  }
0x3a7: {  	s6 =	simm.s32 @p3 $0xFFFFFFFF  }
0x3a8: {  	s6 =	smov.u32 @p1 s0  }
.LBB2_44:
0x3a9: {  	p1 =	sne.s32 s6, $0xFFFFFFFF  }
.Ltmp38:
0x3aa: {  	_ = 	snop;
	(pc) =	sbr.rel @!p1 .LBB2_45-.Ltmp38, $1  }
0x3ab: {  	_ =	sdelay $0x3  }
0x3ac: {  	s0 =	sshll.u32 s3, $0x4  }
0x3ad: {  	s0 =	sand.u32 $0x3FFFFFF0, s0  }
0x3ae: {  	v0 =	vld [tilespmem:s0+$0x3678]  }
.Ltmp39:
0x3af: {  	_ = 	snop;
	(pc) =	sbr.rel .LBB2_47-.Ltmp39, $4  }
0x3b0: {  	_ = 	snop  }
0x3b1: {  	s31 =	sshll.u32 s6, $0x6  }
0x3b2: {  	s0 =	sshra.s32 s31, $0x2  }
0x3b3: {  	[tilespmem:s0+$0x3678] =	vst.add.f32.msk $0xffff, v0  }
.LBB2_48:
0x3b4: {  	p1 =	slt.s32 s2, $0x1  }
.Ltmp40:
0x3b5: {  	_ = 	snop;
	(pc) =	sbr.rel @p1 .LBB2_52-.Ltmp40, $3  }
0x3b6: {  	_ =	sdelay $0x1  }
0x3b7: {  	s0 =	simm.s32 $0x8  }
0x3b8: {  	s3 =	simm.s32 $0x0;
	[sflag:s0] =	ssyncpa.u1 $0x1  }
0x3b9: {  	s0 =	simm.s32 $0x3658  }
0x3ba: {  	v0 =	vld.msk [tilespmem:s0+$0x0], $0x1;
	_ =	sdelay $0x4  }
0x3bb: {  	(v2sf) =	vpush v0, $0x0;
	_ =	sdelay $0xe  }
0x3bc: {  	s2 =	sadd.s32 $0xFFFFFFFF, s2;
	s0 =	spop (v2sf)  }
0x3bd: {  	p2 =	sne.s32 s2, $0x0;
	p1 =	sgt.u32 s0, $0x17F  }
.Ltmp41:
0x3be: {  	s5 =	sand.u32 @!p1 $0x1F8, s0;
	(pc) =	sbr.rel @!p2 .LBB2_51-.Ltmp41, $4  }
0x3bf: {  	s4 =	simm.s32 $0x3678;
	s0 =	sand.u32 @!p1 $0x7, s0;
	s5 =	sadd.s32 @!p1 s1, s5  }
0x3c0: {  	[hbm4b:s5+s0] =	stream.linear.scatter @!p1 [tilespmem:s4], [sflag:$0x7], $0x3, $0x38;
	[tilespmem:$0x1F0F8] =	vst v63  }
0x3c1: {  	s0 =	simm.s32 $0x0  }
0x3c2: {  	s5 =	simm.s32 $0x3659;
	s0 =	simm.s32 @!p1 $0xC  }
.LBB2_50:
0x3c3: {  	v0 =	vld.msk [tilespmem:s5+$0x0], $0x1;
	s2 =	sadd.s32 $0xFFFFFFFF, s2;
	s3 =	sadd.s32 s3, s0  }
0x3c4: {  	p1 =	sne.s32 s2, $0x0;
	_ =	sdelay $0x3  }
0x3c5: {  	(v2sf) =	vpush v0, $0x0;
	_ =	sdelay $0xe  }
.Ltmp42:
0x3c6: {  	s6 =	spop (v2sf);
	(pc) =	sbr.rel @p1 .LBB2_50-.Ltmp42, $4  }
0x3c7: {  	s0 =	simm.s32 $0x0;
	p2 =	sgt.u32 s6, $0x17F  }
0x3c8: {  	s4 =	sadd.s32 $0x10, s4;
	s0 =	simm.s32 @!p2 $0xC;
	s7 =	sand.u32 @!p2 $0x1F8, s6  }
0x3c9: {  	s5 =	sadd.s32 $0x1, s5;
	s6 =	sand.u32 @!p2 $0x7, s6;
	s7 =	sadd.s32 @!p2 s1, s7  }
0x3ca: {  	[hbm4b:s7+s6] =	stream.linear.scatter @!p2 [tilespmem:s4], [sflag:$0x7], $0x3, $0x38;
	[tilespmem:$0x1F0F8] =	vst v63  }
.LBB2_51:
0x3cb: {  	s0 =	sadd.s32 s3, s0  }
0x3cc: {  	s3 =	sshrl.u32 s0, $0x2  }
.LBB2_52:
0x3cd: {  	s0 =	simm.s32 $0x7  }
0x3ce: {  	_ =	swait.ge [sflag:s0], s3  }
0x3cf: {  	s1 =	ssub.s32 $0x0, s3;
	[sflag:s0] =	ssyncset.done $0x0  }
0x3d0: {  	[sflag:s0] =	ssyncadd.s32 s1  }
0x3d1: {  	[sflag:s0] =	ssyncpa.u1 $0x1  }
.LBB2_53:
0x3d2: {  	_ =	sfence;
	s0 =	simm.s32 $0x1  }
0x3d3: {  	[sflag:s0] =	ssyncpa.u1 $0x1  }
0x3d4: {  	_ =	strace $0x9000004A  }
0x3d5: {  	[bflag:$0x2] =	sbarrier.arrive $0xFFFF  }
0x3d6: {  	s0 =	rddreg [dreg:$0x6]  }
0x3d7: {  	s0 =	sadd.s32 @!p0 $0x100000, s0  }
0x3d8: {  	[sflag:s0] =	ssyncadd.tile.s32 @!p0 $0x1;
	_ =	shalt  }
.Lfunc_end2:
_tile_overlayer_lowered:
.L_overlay_start_2:
0x3d9: {  	(tag) =	ssettag $0x2  }
0x3da: {  	s0 =	rddreg [dreg:$0x0];
	s2 =	stileid.u32  }
0x3db: {  	s1 =	rddreg [dreg:$0x1];
	p0 =	sne.s32 s2, $0x0  }
0x3dc: {  	s3 =	rddreg [dreg:$0x2];
	[bflag:$0x3] =	sbarrier.arrive $0xFFFF;
	s2 =	simm.s32 @!p0 $0x1C01  }
0x3dd: {  	[timem:s3], [sflag:s2] =	dma.local @!p0 [hbm:s0], s1  }
0x3de: {  	s0 =	simm.s32 @!p0 $0x1  }
0x3df: {  	_ =	swait.ge @!p0 [sflag:s0], s1  }
0x3e0: {  	s1 =	ssub.s32 @!p0 $0x0, s1;
	[sflag:s0] =	ssyncset.done @!p0 $0x0  }
0x3e1: {  	[sflag:s0] =	ssyncadd.s32 @!p0 s1  }
0x3e2: {  	[bflag:$0x3] =	sbarrier.arrive $0xFFFF  }
0x3e3: {  	_ =	shalt  }

</sc_bundles>
